<compile_context>
chip_gen: v7x
topology: tpu7x:2x2x1
jax: 0.10.2.dev20260603
libtpu: 0.0.44.dev20260713+nightly
codegen_flags: <defaults>
</compile_context>

<pallas_src>
import jax
import jax.numpy as jnp
from jax import lax
from jax.experimental import pallas as pl
from jax.experimental.pallas import tpu as pltpu
from jax.experimental.pallas import tpu_sc as plsc

N = 16
K = 128
M = 512
D = 256
P = 32
S = 8
NUM_HARD = 3
NUM_RAND = 2
MARGIN = 1.0
GAMMA = 4.0
ALPHA = 0.75

CHUNK = 128
NCHUNK = K // CHUNK
NEG_BIG = 1.0e30

NSVO = N * S
ROWW = K
LANES = 16
NSC_CHUNKS = NSVO // LANES



def _sc_body(gp_rows_hbm, b_hbm, s_hbm, o_hbm, v_hbm, out_rows_hbm,
             out_cw_hbm, idxs_v, rows2d_v, bv, sv, ov, vv, keys_v, colf_v,
             wgt_v, sem):
    cid = lax.axis_index("c")
    sid = lax.axis_index("s")

    @pl.when(jnp.logical_and(cid == 0, sid == 0))
    def _tile0():
        pltpu.sync_copy(b_hbm, bv)
        pltpu.sync_copy(s_hbm, sv)
        pltpu.sync_copy(o_hbm, ov)
        pltpu.sync_copy(v_hbm, vv)
        for c in range(NSC_CHUNKS):
            sl = pl.ds(c * LANES, LANES)
            fi = ((bv[sl] * K + sv[sl]) * K + ov[sl]) * K + vv[sl]
            keys_v[sl] = fi
            idxs_v[sl] = fi >> 7
        pltpu.async_copy(gp_rows_hbm.at[idxs_v], rows2d_v, sem).wait()
        lanes16 = lax.iota(jnp.int32, LANES)
        for c in range(NSC_CHUNKS):
            sl = pl.ds(c * LANES, LANES)
            fi = keys_v[sl]
            colf_v[sl] = (fi & (ROWW - 1)).astype(jnp.float32)
            row = lanes16 + c * LANES
            uniq = jnp.full((LANES,), 1, jnp.int32)
            for shift in range(1, S):
                prev_lane = jnp.maximum(lanes16 - shift, 0)
                prevk = lax.gather(
                    fi, prev_lane[:, None],
                    lax.GatherDimensionNumbers(
                        offset_dims=(), collapsed_slice_dims=(0,),
                        start_index_map=(0,)),
                    slice_sizes=(1,),
                    mode=lax.GatherScatterMode.PROMISE_IN_BOUNDS)
                neq01 = jnp.minimum(jnp.abs(prevk - fi), 1)
                self01 = jnp.minimum(lanes16 - prev_lane, 1)
                uniq = uniq * (1 - (1 - neq01) * self01)
            wgt_v[sl] = uniq.astype(jnp.float32)
        pltpu.sync_copy(rows2d_v, out_rows_hbm)
        pltpu.sync_copy(colf_v, out_cw_hbm.at[0])
        pltpu.sync_copy(wgt_v, out_cw_hbm.at[1])


def _sc_corrections(graph_probs, svos):
    gp_rows = graph_probs.reshape(N * K * K * K // ROWW, ROWW)
    svos_i = svos.astype(jnp.int32)
    b_idx = jnp.repeat(jnp.arange(N, dtype=jnp.int32), S)
    s_idx = svos_i[:, :, 0].reshape(-1)
    o_idx = svos_i[:, :, 2].reshape(-1)
    v_idx = svos_i[:, :, 1].reshape(-1)
    mesh = plsc.VectorSubcoreMesh(core_axis_name="c", subcore_axis_name="s")
    run = pl.kernel(
        _sc_body, mesh=mesh,
        out_type=[jax.ShapeDtypeStruct((NSVO, ROWW), jnp.float32),
                  jax.ShapeDtypeStruct((2, NSVO), jnp.float32)],
        scratch_types=[
            pltpu.VMEM((NSVO,), jnp.int32),
            pltpu.VMEM((NSVO, ROWW), jnp.float32),
            pltpu.VMEM((NSVO,), jnp.int32),
            pltpu.VMEM((NSVO,), jnp.int32),
            pltpu.VMEM((NSVO,), jnp.int32),
            pltpu.VMEM((NSVO,), jnp.int32),
            pltpu.VMEM((NSVO,), jnp.int32),
            pltpu.VMEM((NSVO,), jnp.float32),
            pltpu.VMEM((NSVO,), jnp.float32),
            pltpu.SemaphoreType.DMA,
        ],
    )
    return run(gp_rows, b_idx, s_idx, o_idx, v_idx)



def _loss0_unscaled(x):
    d = 1.0 + jnp.exp(x)
    logd = jnp.log(d)
    return logd * jnp.exp(4.0 * (x - logd))


def _loss_delta(x):
    e = jnp.exp(-jnp.abs(x))
    dben = 1.0 + e
    logd = jnp.log(dben)
    pos = x >= 0.0
    e2 = e * e
    e4 = e2 * e2
    q0 = jnp.where(pos, 1.0, e4)
    q1 = jnp.where(pos, e4, 1.0)
    d2 = dben * dben
    d4 = d2 * d2
    l0 = (1.0 - ALPHA) * (jnp.maximum(x, 0.0) + logd) * q0 / d4
    l1 = ALPHA * (jnp.maximum(-x, 0.0) + logd) * q1 / d4
    return l1 - l0


def _body(pos_ref, temp_ref, inp_ref, phr_ref, gp_ref,
          out_ref, acc_ref, accv_ref, phrn_ref):
    n = pl.program_id(0)
    c = pl.program_id(1)

    @pl.when(jnp.logical_and(n == 0, c == 0))
    def _init():
        acc_ref[0] = 0.0
        acc_ref[1] = 0.0
        accv_ref[...] = jnp.zeros((8, K), jnp.float32)
        phr = phr_ref[...]
        phrn_ref[...] = phr * lax.rsqrt(jnp.maximum(
            jnp.sum(phr * phr, axis=1, keepdims=True), 1e-24))

    x = gp_ref[0].reshape(CHUNK * K * K // (8 * K), 8, K)
    accv_ref[...] += jnp.sum(_loss0_unscaled(x), axis=0)

    @pl.when(c == 0)
    def _simpart():
        inp = inp_ref[0]
        inp_n = inp * lax.rsqrt(jnp.maximum(
            jnp.sum(inp * inp, axis=1, keepdims=True), 1e-24))
        phr_n = phrn_ref[...]
        sim = lax.dot_general(phr_n, inp_n, (((1,), (1,)), ((), ())),
                              preferred_element_type=jnp.float32)

        posf = pos_ref[0].astype(jnp.float32)
        posc = jnp.transpose(posf)
        colm = lax.broadcasted_iota(jnp.int32, (P, M), 1).astype(jnp.float32)
        onehot = (colm == posc).astype(jnp.float32)
        rows = lax.dot_general(onehot, sim, (((1,), (0,)), ((), ())),
                               preferred_element_type=jnp.float32)
        e32 = lax.dot_general(onehot, onehot, (((1,), (1,)), ((), ())),
                              preferred_element_type=jnp.float32)
        rowi = lax.broadcasted_iota(jnp.int32, (P, K), 0)
        coli = lax.broadcasted_iota(jnp.int32, (P, K), 1)
        sel = (coli == rowi).astype(jnp.float32)
        emask = lax.dot_general(e32, sel, (((1,), (0,)), ((), ())),
                                preferred_element_type=jnp.float32)
        rows_m = rows - NEG_BIG * emask

        diag = (coli == rowi).astype(jnp.float32)
        d1 = (coli == rowi + 1).astype(jnp.float32)
        d2m = (coli == rowi + 2).astype(jnp.float32)
        s_ap = jnp.sum(rows * diag, axis=1, keepdims=True)
        r1 = jnp.sum(rows * d1, axis=1, keepdims=True)
        r2 = jnp.sum(rows * d2m, axis=1, keepdims=True)
        m1 = jnp.max(rows_m, axis=1, keepdims=True)
        t2 = jnp.where(rows_m >= m1, -NEG_BIG, rows_m)
        m2 = jnp.max(t2, axis=1, keepdims=True)
        t3 = jnp.where(t2 >= m2, -NEG_BIG, t2)
        m3 = jnp.max(t3, axis=1, keepdims=True)

        base = MARGIN - s_ap
        trip = (jnp.maximum(m1 + base, 0.0) + jnp.maximum(m2 + base, 0.0)
                + jnp.maximum(m3 + base, 0.0) + jnp.maximum(r1 + base, 0.0)
                + jnp.maximum(r2 + base, 0.0))
        acc_ref[0] += jnp.sum(trip)

        temp = temp_ref[0, 0]
        siml = sim[:, :P] * temp
        mx = jnp.max(siml, axis=0, keepdims=True)
        lse = jnp.log(jnp.sum(jnp.exp(siml - mx), axis=0, keepdims=True)) + mx
        acc_ref[1] += jnp.sum(lse) - temp * jnp.sum(s_ap)

    @pl.when(jnp.logical_and(n == N - 1, c == NCHUNK - 1))
    def _final():
        out_ref[0] = acc_ref[0]
        out_ref[1] = acc_ref[1]
        out_ref[2] = (1.0 - ALPHA) * jnp.sum(accv_ref[...])


def _combine_body(part_ref, scrows_ref, sccw_ref, out_ref):
    rows16 = scrows_ref[...]
    colf = sccw_ref[0:1, :]
    wgt = sccw_ref[1:2, :]
    colc = jnp.transpose(colf)
    lanei = lax.broadcasted_iota(jnp.int32, (NSVO, ROWW), 1).astype(
        jnp.float32)
    sel16 = (lanei == colc).astype(jnp.float32)
    vals = jnp.sum(rows16 * sel16, axis=1, keepdims=True)
    wgtc = jnp.transpose(wgt)
    corr = jnp.sum(_loss_delta(vals) * wgtc)
    cnt = jnp.sum(wgt)
    out_ref[0] = part_ref[0] / (N * P * (NUM_HARD + NUM_RAND))
    out_ref[1] = part_ref[1] / (N * P)
    out_ref[2] = (part_ref[2] + corr) / cnt


@jax.jit
def _run(input_embeddings, phrase_embeddings, graph_probs, positives, svos, temperature):
    pos3 = positives.astype(jnp.int32).reshape(N, 1, P)
    temp2 = temperature.astype(jnp.float32).reshape(1, 1)
    scrows, sccw = _sc_corrections(graph_probs, svos)
    grid = (N, NCHUNK)
    part = pl.pallas_call(
        _body,
        grid=grid,
        in_specs=[
            pl.BlockSpec((1, 1, P), lambda n, c: (n, 0, 0)),
            pl.BlockSpec(memory_space=pltpu.SMEM),
            pl.BlockSpec((1, K, D), lambda n, c: (n, 0, 0)),
            pl.BlockSpec((M, D), lambda n, c: (0, 0)),
            pl.BlockSpec((1, CHUNK, K, K), lambda n, c: (n, c, 0, 0)),
        ],
        out_specs=pl.BlockSpec(memory_space=pltpu.SMEM),
        out_shape=jax.ShapeDtypeStruct((3,), jnp.float32),
        scratch_shapes=[pltpu.SMEM((2,), jnp.float32),
                        pltpu.VMEM((8, K), jnp.float32),
                        pltpu.VMEM((M, D), jnp.float32)],
    )(pos3, temp2, input_embeddings, phrase_embeddings, graph_probs)
    out = pl.pallas_call(
        _combine_body,
        in_specs=[
            pl.BlockSpec(memory_space=pltpu.SMEM),
            pl.BlockSpec((NSVO, ROWW), lambda: (0, 0)),
            pl.BlockSpec((2, NSVO), lambda: (0, 0)),
        ],
        out_specs=pl.BlockSpec(memory_space=pltpu.SMEM),
        out_shape=jax.ShapeDtypeStruct((3,), jnp.float32),
    )(part, scrows, sccw)
    return out


def kernel(input_embeddings, phrase_embeddings, graph_probs, positives, svos, temperature):
    return _run(input_embeddings, phrase_embeddings, graph_probs, positives,
                svos, temperature)

# --- scband reference (transcript-rebuilt; emitter-appended) ---
"""Pipeline reference for scband-set-alignment-graph-loss-2327872274777 (READ-ONLY COPY).

The authoritative reference and input builder live on the scoring server;
editing this copy changes nothing except your own understanding.
"""

import jax, jax.numpy as jnp
import numpy as np

N = 16; K = 128; M = 512; D = 256; P = 32; S = 8
NUM_HARD = 3; NUM_RAND = 2; MARGIN = 1.0; GAMMA = 4.0; ALPHA = 0.75


def setup_inputs(seed: int = 0) -> dict:
    key = jax.random.key(seed)
    k1, k2, k3, k4, k5 = jax.random.split(key, 5)
    return {
        "input_embeddings": jax.random.normal(k1, (N, K, D), dtype=jnp.float32),
        "phrase_embeddings": jax.random.normal(k2, (M, D), dtype=jnp.float32),
        "graph_probs": jax.random.normal(k3, (N, K, K, K), dtype=jnp.float32),
        "positives": jax.random.randint(k4, (N, P), 0, M),
        "svos": jax.random.randint(k5, (N, S, 3), 0, P),
        "temperature": jnp.ones((), dtype=jnp.float32),
    }


def _cos(a, b):
    dot = jnp.sum(a * b, axis=-1)
    na = jnp.linalg.norm(a, axis=-1)
    nb = jnp.linalg.norm(b, axis=-1)
    return dot / jnp.clip(na * nb, 1e-8)


def _forward(input_embeddings, phrase_embeddings, graph_probs, positives, svos, temperature):
    n, k, d = input_embeddings.shape
    m = phrase_embeddings.shape[0]
    p_per = positives.shape[1]
    # get_indices (Matcher): deterministic positional assignment - phrase positives[i, j]
    # is matched to input slot j of batch instance i.
    batch_idxs = jnp.repeat(jnp.arange(n), p_per)
    phrase_idxs = positives.reshape(-1)
    input_idxs = jnp.tile(jnp.arange(p_per), n)
    # similarity matrix (N, m, k)
    inp_n = input_embeddings / jnp.clip(jnp.linalg.norm(input_embeddings, axis=-1, keepdims=True), 1e-12)
    phr_n = phrase_embeddings / jnp.clip(jnp.linalg.norm(phrase_embeddings, axis=-1, keepdims=True), 1e-12)
    sim = jnp.einsum('nkd,md->nmk', inp_n, phr_n)
    # ---- triplet loss ----
    neg_sim = sim.at[batch_idxs, phrase_idxs, input_idxs].set(-jnp.inf)
    rows = neg_sim[batch_idxs, phrase_idxs]  # (Ptot, k)
    _, hard_idx = jax.lax.top_k(rows, NUM_HARD)  # (Ptot, NUM_HARD)
    hard_negs = input_embeddings[batch_idxs[:, None], hard_idx]  # (Ptot, NUM_HARD, d)
    rand_negs = jnp.stack([
        input_embeddings[batch_idxs, (input_idxs + 1) % k],
        input_embeddings[batch_idxs, (input_idxs + 2) % k],
    ], axis=1)  # (Ptot, NUM_RAND, d)
    negs = jnp.concatenate([
        jnp.transpose(hard_negs, (1, 0, 2)).reshape(-1, d),
        jnp.transpose(rand_negs, (1, 0, 2)).reshape(-1, d),
    ], axis=0)
    num_neg = NUM_HARD + NUM_RAND
    anchors = jnp.tile(phrase_embeddings[phrase_idxs], (num_neg, 1))
    pos = jnp.tile(input_embeddings[batch_idxs, input_idxs], (num_neg, 1))
    d_ap = 1.0 - _cos(anchors, pos)
    d_an = 1.0 - _cos(anchors, negs)
    triplet = jnp.mean(jnp.maximum(d_ap - d_an + MARGIN, 0.0))
    # ---- cross entropy loss ----
    logits = sim[batch_idxs, :, input_idxs] * temperature  # (Ptot, m)
    lse = jax.nn.logsumexp(logits, axis=-1)
    ce = jnp.mean(lse - logits[jnp.arange(logits.shape[0]), phrase_idxs])
    # ---- graph focal loss ----
    s_ = svos[:, :, 0].reshape(-1)
    v_ = svos[:, :, 1].reshape(-1)
    o_ = svos[:, :, 2].reshape(-1)
    b_ = jnp.repeat(jnp.arange(n), svos.shape[1])
    target = jnp.zeros_like(graph_probs).at[b_, s_, o_, v_].set(1.0)
    x = graph_probs
    t = target
    prob = jax.nn.sigmoid(x)
    bce = jnp.maximum(x, 0.0) - x * t + jnp.log1p(jnp.exp(-jnp.abs(x)))
    p_t = prob * t + (1.0 - prob) * (1.0 - t)
    loss = bce * ((1.0 - p_t) ** GAMMA)
    alpha_t = ALPHA * t + (1.0 - ALPHA) * (1.0 - t)
    graph = jnp.sum(loss * alpha_t) / jnp.sum(t)
    return jnp.stack([triplet, ce, graph])


def reference(input_embeddings, phrase_embeddings, graph_probs, positives, svos, temperature):
    return _forward(input_embeddings, phrase_embeddings, graph_probs, positives, svos, temperature)

if __name__ == "__main__":
    import jax
    _d = setup_inputs()
    print(jax.jit(kernel)(*tuple(_d.values())))

</pallas_src>

<mosaic_0001>
#map = affine_map<(d0, d1) -> (0, 0)>
#map1 = affine_map<(d0, d1) -> (0)>
module attributes {stable_mosaic.version = 14 : i64} {
  func.func @_sc_body(%arg0: i32, %arg1: i32, %arg2: memref<262144x128xf32, #tpu.memory_space<hbm>>, %arg3: memref<128xi32, #tpu.memory_space<hbm>>, %arg4: memref<128xi32, #tpu.memory_space<hbm>>, %arg5: memref<128xi32, #tpu.memory_space<hbm>>, %arg6: memref<128xi32, #tpu.memory_space<hbm>>, %arg7: memref<128x128xf32, #tpu.memory_space<hbm>>, %arg8: memref<2x128xf32, #tpu.memory_space<hbm>>, %arg9: memref<128xi32, #tpu.memory_space<vmem>>, %arg10: memref<128x128xf32, #tpu.memory_space<vmem>>, %arg11: memref<128xi32, #tpu.memory_space<vmem>>, %arg12: memref<128xi32, #tpu.memory_space<vmem>>, %arg13: memref<128xi32, #tpu.memory_space<vmem>>, %arg14: memref<128xi32, #tpu.memory_space<vmem>>, %arg15: memref<128xi32, #tpu.memory_space<vmem>>, %arg16: memref<128xf32, #tpu.memory_space<vmem>>, %arg17: memref<128xf32, #tpu.memory_space<vmem>>, %arg18: memref<!tpu.dma_semaphore, #tpu.memory_space<semaphore_mem>>) attributes {dimension_semantics = [#tpu.dimension_semantics<core_parallel>, #tpu.dimension_semantics<subcore_parallel>], iteration_bounds = array<i64: 2, 16>, scalar_prefetch = 0 : i64, scratch_operands = 10 : i64, tpu.core_type = #tpu.core_type<sc_vector_subcore>, window_params = [{transform_indices = #map}, {transform_indices = #map1}, {transform_indices = #map1}, {transform_indices = #map1}, {transform_indices = #map1}, {transform_indices = #map}, {transform_indices = #map}]} {
    %eq3A = arith.constant 0 : i32
    %eq3A_0 = arith.cmpi eq, %arg0, %eq3A : i32
    %eq3A_1 = arith.constant 0 : i32
    %eq3A_2 = arith.cmpi eq, %arg1, %eq3A_1 : i32
    %and3A = arith.andi %eq3A_0, %eq3A_2 : i1
    %convert_element_type3A = arith.extui %and3A : i1 to i32
    %cond3A = arith.constant 0 : i32
    %cond3A_3 = arith.cmpi ne, %convert_element_type3A, %cond3A : i32
    scf.if %cond3A_3 {
      "tpu.region"() ({
        %run_scoped3A_1902 = tpu.sem_alloc : memref<!tpu.dma_semaphore, #tpu.memory_space<semaphore_mem>>
        tpu.enqueue_dma source(%arg3 : memref<128xi32, #tpu.memory_space<hbm>>) target(%arg11 : memref<128xi32, #tpu.memory_space<vmem>>) target_semaphore(%run_scoped3A_1902 : memref<!tpu.dma_semaphore, #tpu.memory_space<semaphore_mem>>)
        tpu.wait_dma2 semaphore(%run_scoped3A_1902 : memref<!tpu.dma_semaphore, #tpu.memory_space<semaphore_mem>>) src(%arg3 : memref<128xi32, #tpu.memory_space<hbm>>) dst(%arg11 : memref<128xi32, #tpu.memory_space<vmem>>)
        tpu.yield
      }) : () -> ()
      "tpu.region"() ({
        %run_scoped3A_1902 = tpu.sem_alloc : memref<!tpu.dma_semaphore, #tpu.memory_space<semaphore_mem>>
        tpu.enqueue_dma source(%arg4 : memref<128xi32, #tpu.memory_space<hbm>>) target(%arg12 : memref<128xi32, #tpu.memory_space<vmem>>) target_semaphore(%run_scoped3A_1902 : memref<!tpu.dma_semaphore, #tpu.memory_space<semaphore_mem>>)
        tpu.wait_dma2 semaphore(%run_scoped3A_1902 : memref<!tpu.dma_semaphore, #tpu.memory_space<semaphore_mem>>) src(%arg4 : memref<128xi32, #tpu.memory_space<hbm>>) dst(%arg12 : memref<128xi32, #tpu.memory_space<vmem>>)
        tpu.yield
      }) : () -> ()
      "tpu.region"() ({
        %run_scoped3A_1902 = tpu.sem_alloc : memref<!tpu.dma_semaphore, #tpu.memory_space<semaphore_mem>>
        tpu.enqueue_dma source(%arg5 : memref<128xi32, #tpu.memory_space<hbm>>) target(%arg13 : memref<128xi32, #tpu.memory_space<vmem>>) target_semaphore(%run_scoped3A_1902 : memref<!tpu.dma_semaphore, #tpu.memory_space<semaphore_mem>>)
        tpu.wait_dma2 semaphore(%run_scoped3A_1902 : memref<!tpu.dma_semaphore, #tpu.memory_space<semaphore_mem>>) src(%arg5 : memref<128xi32, #tpu.memory_space<hbm>>) dst(%arg13 : memref<128xi32, #tpu.memory_space<vmem>>)
        tpu.yield
      }) : () -> ()
      "tpu.region"() ({
        %run_scoped3A_1902 = tpu.sem_alloc : memref<!tpu.dma_semaphore, #tpu.memory_space<semaphore_mem>>
        tpu.enqueue_dma source(%arg6 : memref<128xi32, #tpu.memory_space<hbm>>) target(%arg14 : memref<128xi32, #tpu.memory_space<vmem>>) target_semaphore(%run_scoped3A_1902 : memref<!tpu.dma_semaphore, #tpu.memory_space<semaphore_mem>>)
        tpu.wait_dma2 semaphore(%run_scoped3A_1902 : memref<!tpu.dma_semaphore, #tpu.memory_space<semaphore_mem>>) src(%arg6 : memref<128xi32, #tpu.memory_space<hbm>>) dst(%arg14 : memref<128xi32, #tpu.memory_space<vmem>>)
        tpu.yield
      }) : () -> ()
      %get3A = arith.constant 0 : index
      %get3A_4 = tpu.vector_load %arg11[%get3A] {strides = array<i32>} : memref<128xi32, #tpu.memory_space<vmem>>, vector<16xi32>,
      %get3A_5 = vector.shape_cast %get3A_4 : vector<16xi32> to vector<16xi32>
      %mul3A = arith.constant 128 : i32
      %mul3A_6 = vector.broadcast %mul3A : i32 to vector<16xi32>
      %mul3A_7 = arith.muli %get3A_5, %mul3A_6 : vector<16xi32>
      %get3A_8 = arith.constant 0 : index
      %get3A_9 = tpu.vector_load %arg12[%get3A_8] {strides = array<i32>} : memref<128xi32, #tpu.memory_space<vmem>>, vector<16xi32>,
      %get3A_10 = vector.shape_cast %get3A_9 : vector<16xi32> to vector<16xi32>
      %add3A = arith.addi %mul3A_7, %get3A_10 : vector<16xi32>
      %mul3A_11 = arith.constant 128 : i32
      %mul3A_12 = vector.broadcast %mul3A_11 : i32 to vector<16xi32>
      %mul3A_13 = arith.muli %add3A, %mul3A_12 : vector<16xi32>
      %get3A_14 = arith.constant 0 : index
      %get3A_15 = tpu.vector_load %arg13[%get3A_14] {strides = array<i32>} : memref<128xi32, #tpu.memory_space<vmem>>, vector<16xi32>,
      %get3A_16 = vector.shape_cast %get3A_15 : vector<16xi32> to vector<16xi32>
      %add3A_17 = arith.addi %mul3A_13, %get3A_16 : vector<16xi32>
      %mul3A_18 = arith.constant 128 : i32
      %mul3A_19 = vector.broadcast %mul3A_18 : i32 to vector<16xi32>
      %mul3A_20 = arith.muli %add3A_17, %mul3A_19 : vector<16xi32>
      %get3A_21 = arith.constant 0 : index
      %get3A_22 = tpu.vector_load %arg14[%get3A_21] {strides = array<i32>} : memref<128xi32, #tpu.memory_space<vmem>>, vector<16xi32>,
      %get3A_23 = vector.shape_cast %get3A_22 : vector<16xi32> to vector<16xi32>
      %add3A_24 = arith.addi %mul3A_20, %get3A_23 : vector<16xi32>
      %swap3A = arith.constant 0 : index
      %swap3A_25 = tpu.vector_load %arg15[%swap3A] {strides = array<i32>} : memref<128xi32, #tpu.memory_space<vmem>>, vector<16xi32>,
      %swap3A_26 = vector.shape_cast %swap3A_25 : vector<16xi32> to vector<16xi32>
      %swap3A_27 = vector.shape_cast %add3A_24 : vector<16xi32> to vector<16xi32>
      tpu.vector_store %arg15[%swap3A], %swap3A_27 {strides = array<i32>} : memref<128xi32, #tpu.memory_space<vmem>>, vector<16xi32>,
      %shift_right_arithmetic3A = arith.constant 7 : i32
      %shift_right_arithmetic3A_28 = vector.broadcast %shift_right_arithmetic3A : i32 to vector<16xi32>
      %shift_right_arithmetic3A_29 = arith.shrsi %add3A_24, %shift_right_arithmetic3A_28 : vector<16xi32>
      %swap3A_30 = arith.constant 0 : index
      %swap3A_31 = tpu.vector_load %arg9[%swap3A_30] {strides = array<i32>} : memref<128xi32, #tpu.memory_space<vmem>>, vector<16xi32>,
      %swap3A_32 = vector.shape_cast %swap3A_31 : vector<16xi32> to vector<16xi32>
      %swap3A_33 = vector.shape_cast %shift_right_arithmetic3A_29 : vector<16xi32> to vector<16xi32>
      tpu.vector_store %arg9[%swap3A_30], %swap3A_33 {strides = array<i32>} : memref<128xi32, #tpu.memory_space<vmem>>, vector<16xi32>,
      %get3A_34 = arith.constant 16 : index
      %get3A_35 = tpu.vector_load %arg11[%get3A_34] {strides = array<i32>} : memref<128xi32, #tpu.memory_space<vmem>>, vector<16xi32>,
      %get3A_36 = vector.shape_cast %get3A_35 : vector<16xi32> to vector<16xi32>
      %mul3A_37 = arith.constant 128 : i32
      %mul3A_38 = vector.broadcast %mul3A_37 : i32 to vector<16xi32>
      %mul3A_39 = arith.muli %get3A_36, %mul3A_38 : vector<16xi32>
      %get3A_40 = arith.constant 16 : index
      %get3A_41 = tpu.vector_load %arg12[%get3A_40] {strides = array<i32>} : memref<128xi32, #tpu.memory_space<vmem>>, vector<16xi32>,
      %get3A_42 = vector.shape_cast %get3A_41 : vector<16xi32> to vector<16xi32>
      %add3A_43 = arith.addi %mul3A_39, %get3A_42 : vector<16xi32>
      %mul3A_44 = arith.constant 128 : i32
      %mul3A_45 = vector.broadcast %mul3A_44 : i32 to vector<16xi32>
      %mul3A_46 = arith.muli %add3A_43, %mul3A_45 : vector<16xi32>
      %get3A_47 = arith.constant 16 : index
      %get3A_48 = tpu.vector_load %arg13[%get3A_47] {strides = array<i32>} : memref<128xi32, #tpu.memory_space<vmem>>, vector<16xi32>,
      %get3A_49 = vector.shape_cast %get3A_48 : vector<16xi32> to vector<16xi32>
      %add3A_50 = arith.addi %mul3A_46, %get3A_49 : vector<16xi32>
      %mul3A_51 = arith.constant 128 : i32
      %mul3A_52 = vector.broadcast %mul3A_51 : i32 to vector<16xi32>
      %mul3A_53 = arith.muli %add3A_50, %mul3A_52 : vector<16xi32>
      %get3A_54 = arith.constant 16 : index
      %get3A_55 = tpu.vector_load %arg14[%get3A_54] {strides = array<i32>} : memref<128xi32, #tpu.memory_space<vmem>>, vector<16xi32>,
      %get3A_56 = vector.shape_cast %get3A_55 : vector<16xi32> to vector<16xi32>
      %add3A_57 = arith.addi %mul3A_53, %get3A_56 : vector<16xi32>
      %swap3A_58 = arith.constant 16 : index
      %swap3A_59 = tpu.vector_load %arg15[%swap3A_58] {strides = array<i32>} : memref<128xi32, #tpu.memory_space<vmem>>, vector<16xi32>,
      %swap3A_60 = vector.shape_cast %swap3A_59 : vector<16xi32> to vector<16xi32>
      %swap3A_61 = vector.shape_cast %add3A_57 : vector<16xi32> to vector<16xi32>
      tpu.vector_store %arg15[%swap3A_58], %swap3A_61 {strides = array<i32>} : memref<128xi32, #tpu.memory_space<vmem>>, vector<16xi32>,
      %shift_right_arithmetic3A_62 = arith.constant 7 : i32
      %shift_right_arithmetic3A_63 = vector.broadcast %shift_right_arithmetic3A_62 : i32 to vector<16xi32>
      %shift_right_arithmetic3A_64 = arith.shrsi %add3A_57, %shift_right_arithmetic3A_63 : vector<16xi32>
      %swap3A_65 = arith.constant 16 : index
      %swap3A_66 = tpu.vector_load %arg9[%swap3A_65] {strides = array<i32>} : memref<128xi32, #tpu.memory_space<vmem>>, vector<16xi32>,
      %swap3A_67 = vector.shape_cast %swap3A_66 : vector<16xi32> to vector<16xi32>
      %swap3A_68 = vector.shape_cast %shift_right_arithmetic3A_64 : vector<16xi32> to vector<16xi32>
      tpu.vector_store %arg9[%swap3A_65], %swap3A_68 {strides = array<i32>} : memref<128xi32, #tpu.memory_space<vmem>>, vector<16xi32>,
      %get3A_69 = arith.constant 32 : index
      %get3A_70 = tpu.vector_load %arg11[%get3A_69] {strides = array<i32>} : memref<128xi32, #tpu.memory_space<vmem>>, vector<16xi32>,
      %get3A_71 = vector.shape_cast %get3A_70 : vector<16xi32> to vector<16xi32>
      %mul3A_72 = arith.constant 128 : i32
      %mul3A_73 = vector.broadcast %mul3A_72 : i32 to vector<16xi32>
      %mul3A_74 = arith.muli %get3A_71, %mul3A_73 : vector<16xi32>
      %get3A_75 = arith.constant 32 : index
      %get3A_76 = tpu.vector_load %arg12[%get3A_75] {strides = array<i32>} : memref<128xi32, #tpu.memory_space<vmem>>, vector<16xi32>,
      %get3A_77 = vector.shape_cast %get3A_76 : vector<16xi32> to vector<16xi32>
      %add3A_78 = arith.addi %mul3A_74, %get3A_77 : vector<16xi32>
      %mul3A_79 = arith.constant 128 : i32
      %mul3A_80 = vector.broadcast %mul3A_79 : i32 to vector<16xi32>
      %mul3A_81 = arith.muli %add3A_78, %mul3A_80 : vector<16xi32>
      %get3A_82 = arith.constant 32 : index
      %get3A_83 = tpu.vector_load %arg13[%get3A_82] {strides = array<i32>} : memref<128xi32, #tpu.memory_space<vmem>>, vector<16xi32>,
      %get3A_84 = vector.shape_cast %get3A_83 : vector<16xi32> to vector<16xi32>
      %add3A_85 = arith.addi %mul3A_81, %get3A_84 : vector<16xi32>
      %mul3A_86 = arith.constant 128 : i32
      %mul3A_87 = vector.broadcast %mul3A_86 : i32 to vector<16xi32>
      %mul3A_88 = arith.muli %add3A_85, %mul3A_87 : vector<16xi32>
      %get3A_89 = arith.constant 32 : index
      %get3A_90 = tpu.vector_load %arg14[%get3A_89] {strides = array<i32>} : memref<128xi32, #tpu.memory_space<vmem>>, vector<16xi32>,
      %get3A_91 = vector.shape_cast %get3A_90 : vector<16xi32> to vector<16xi32>
      %add3A_92 = arith.addi %mul3A_88, %get3A_91 : vector<16xi32>
      %swap3A_93 = arith.constant 32 : index
      %swap3A_94 = tpu.vector_load %arg15[%swap3A_93] {strides = array<i32>} : memref<128xi32, #tpu.memory_space<vmem>>, vector<16xi32>,
      %swap3A_95 = vector.shape_cast %swap3A_94 : vector<16xi32> to vector<16xi32>
      %swap3A_96 = vector.shape_cast %add3A_92 : vector<16xi32> to vector<16xi32>
      tpu.vector_store %arg15[%swap3A_93], %swap3A_96 {strides = array<i32>} : memref<128xi32, #tpu.memory_space<vmem>>, vector<16xi32>,
      %shift_right_arithmetic3A_97 = arith.constant 7 : i32
      %shift_right_arithmetic3A_98 = vector.broadcast %shift_right_arithmetic3A_97 : i32 to vector<16xi32>
      %shift_right_arithmetic3A_99 = arith.shrsi %add3A_92, %shift_right_arithmetic3A_98 : vector<16xi32>
      %swap3A_100 = arith.constant 32 : index
      %swap3A_101 = tpu.vector_load %arg9[%swap3A_100] {strides = array<i32>} : memref<128xi32, #tpu.memory_space<vmem>>, vector<16xi32>,
      %swap3A_102 = vector.shape_cast %swap3A_101 : vector<16xi32> to vector<16xi32>
      %swap3A_103 = vector.shape_cast %shift_right_arithmetic3A_99 : vector<16xi32> to vector<16xi32>
      tpu.vector_store %arg9[%swap3A_100], %swap3A_103 {strides = array<i32>} : memref<128xi32, #tpu.memory_space<vmem>>, vector<16xi32>,
      %get3A_104 = arith.constant 48 : index
      %get3A_105 = tpu.vector_load %arg11[%get3A_104] {strides = array<i32>} : memref<128xi32, #tpu.memory_space<vmem>>, vector<16xi32>,
      %get3A_106 = vector.shape_cast %get3A_105 : vector<16xi32> to vector<16xi32>
      %mul3A_107 = arith.constant 128 : i32
      %mul3A_108 = vector.broadcast %mul3A_107 : i32 to vector<16xi32>
      %mul3A_109 = arith.muli %get3A_106, %mul3A_108 : vector<16xi32>
      %get3A_110 = arith.constant 48 : index
      %get3A_111 = tpu.vector_load %arg12[%get3A_110] {strides = array<i32>} : memref<128xi32, #tpu.memory_space<vmem>>, vector<16xi32>,
      %get3A_112 = vector.shape_cast %get3A_111 : vector<16xi32> to vector<16xi32>
      %add3A_113 = arith.addi %mul3A_109, %get3A_112 : vector<16xi32>
      %mul3A_114 = arith.constant 128 : i32
      %mul3A_115 = vector.broadcast %mul3A_114 : i32 to vector<16xi32>
      %mul3A_116 = arith.muli %add3A_113, %mul3A_115 : vector<16xi32>
      %get3A_117 = arith.constant 48 : index
      %get3A_118 = tpu.vector_load %arg13[%get3A_117] {strides = array<i32>} : memref<128xi32, #tpu.memory_space<vmem>>, vector<16xi32>,
      %get3A_119 = vector.shape_cast %get3A_118 : vector<16xi32> to vector<16xi32>
      %add3A_120 = arith.addi %mul3A_116, %get3A_119 : vector<16xi32>
      %mul3A_121 = arith.constant 128 : i32
      %mul3A_122 = vector.broadcast %mul3A_121 : i32 to vector<16xi32>
      %mul3A_123 = arith.muli %add3A_120, %mul3A_122 : vector<16xi32>
      %get3A_124 = arith.constant 48 : index
      %get3A_125 = tpu.vector_load %arg14[%get3A_124] {strides = array<i32>} : memref<128xi32, #tpu.memory_space<vmem>>, vector<16xi32>,
      %get3A_126 = vector.shape_cast %get3A_125 : vector<16xi32> to vector<16xi32>
      %add3A_127 = arith.addi %mul3A_123, %get3A_126 : vector<16xi32>
      %swap3A_128 = arith.constant 48 : index
      %swap3A_129 = tpu.vector_load %arg15[%swap3A_128] {strides = array<i32>} : memref<128xi32, #tpu.memory_space<vmem>>, vector<16xi32>,
      %swap3A_130 = vector.shape_cast %swap3A_129 : vector<16xi32> to vector<16xi32>
      %swap3A_131 = vector.shape_cast %add3A_127 : vector<16xi32> to vector<16xi32>
      tpu.vector_store %arg15[%swap3A_128], %swap3A_131 {strides = array<i32>} : memref<128xi32, #tpu.memory_space<vmem>>, vector<16xi32>,
      %shift_right_arithmetic3A_132 = arith.constant 7 : i32
      %shift_right_arithmetic3A_133 = vector.broadcast %shift_right_arithmetic3A_132 : i32 to vector<16xi32>
      %shift_right_arithmetic3A_134 = arith.shrsi %add3A_127, %shift_right_arithmetic3A_133 : vector<16xi32>
      %swap3A_135 = arith.constant 48 : index
      %swap3A_136 = tpu.vector_load %arg9[%swap3A_135] {strides = array<i32>} : memref<128xi32, #tpu.memory_space<vmem>>, vector<16xi32>,
      %swap3A_137 = vector.shape_cast %swap3A_136 : vector<16xi32> to vector<16xi32>
      %swap3A_138 = vector.shape_cast %shift_right_arithmetic3A_134 : vector<16xi32> to vector<16xi32>
      tpu.vector_store %arg9[%swap3A_135], %swap3A_138 {strides = array<i32>} : memref<128xi32, #tpu.memory_space<vmem>>, vector<16xi32>,
      %get3A_139 = arith.constant 64 : index
      %get3A_140 = tpu.vector_load %arg11[%get3A_139] {strides = array<i32>} : memref<128xi32, #tpu.memory_space<vmem>>, vector<16xi32>,
      %get3A_141 = vector.shape_cast %get3A_140 : vector<16xi32> to vector<16xi32>
      %mul3A_142 = arith.constant 128 : i32
      %mul3A_143 = vector.broadcast %mul3A_142 : i32 to vector<16xi32>
      %mul3A_144 = arith.muli %get3A_141, %mul3A_143 : vector<16xi32>
      %get3A_145 = arith.constant 64 : index
      %get3A_146 = tpu.vector_load %arg12[%get3A_145] {strides = array<i32>} : memref<128xi32, #tpu.memory_space<vmem>>, vector<16xi32>,
      %get3A_147 = vector.shape_cast %get3A_146 : vector<16xi32> to vector<16xi32>
      %add3A_148 = arith.addi %mul3A_144, %get3A_147 : vector<16xi32>
      %mul3A_149 = arith.constant 128 : i32
      %mul3A_150 = vector.broadcast %mul3A_149 : i32 to vector<16xi32>
      %mul3A_151 = arith.muli %add3A_148, %mul3A_150 : vector<16xi32>
      %get3A_152 = arith.constant 64 : index
      %get3A_153 = tpu.vector_load %arg13[%get3A_152] {strides = array<i32>} : memref<128xi32, #tpu.memory_space<vmem>>, vector<16xi32>,
      %get3A_154 = vector.shape_cast %get3A_153 : vector<16xi32> to vector<16xi32>
      %add3A_155 = arith.addi %mul3A_151, %get3A_154 : vector<16xi32>
      %mul3A_156 = arith.constant 128 : i32
      %mul3A_157 = vector.broadcast %mul3A_156 : i32 to vector<16xi32>
      %mul3A_158 = arith.muli %add3A_155, %mul3A_157 : vector<16xi32>
      %get3A_159 = arith.constant 64 : index
      %get3A_160 = tpu.vector_load %arg14[%get3A_159] {strides = array<i32>} : memref<128xi32, #tpu.memory_space<vmem>>, vector<16xi32>,
      %get3A_161 = vector.shape_cast %get3A_160 : vector<16xi32> to vector<16xi32>
      %add3A_162 = arith.addi %mul3A_158, %get3A_161 : vector<16xi32>
      %swap3A_163 = arith.constant 64 : index
      %swap3A_164 = tpu.vector_load %arg15[%swap3A_163] {strides = array<i32>} : memref<128xi32, #tpu.memory_space<vmem>>, vector<16xi32>,
      %swap3A_165 = vector.shape_cast %swap3A_164 : vector<16xi32> to vector<16xi32>
      %swap3A_166 = vector.shape_cast %add3A_162 : vector<16xi32> to vector<16xi32>
      tpu.vector_store %arg15[%swap3A_163], %swap3A_166 {strides = array<i32>} : memref<128xi32, #tpu.memory_space<vmem>>, vector<16xi32>,
      %shift_right_arithmetic3A_167 = arith.constant 7 : i32
      %shift_right_arithmetic3A_168 = vector.broadcast %shift_right_arithmetic3A_167 : i32 to vector<16xi32>
      %shift_right_arithmetic3A_169 = arith.shrsi %add3A_162, %shift_right_arithmetic3A_168 : vector<16xi32>
      %swap3A_170 = arith.constant 64 : index
      %swap3A_171 = tpu.vector_load %arg9[%swap3A_170] {strides = array<i32>} : memref<128xi32, #tpu.memory_space<vmem>>, vector<16xi32>,
      %swap3A_172 = vector.shape_cast %swap3A_171 : vector<16xi32> to vector<16xi32>
      %swap3A_173 = vector.shape_cast %shift_right_arithmetic3A_169 : vector<16xi32> to vector<16xi32>
      tpu.vector_store %arg9[%swap3A_170], %swap3A_173 {strides = array<i32>} : memref<128xi32, #tpu.memory_space<vmem>>, vector<16xi32>,
      %get3A_174 = arith.constant 80 : index
      %get3A_175 = tpu.vector_load %arg11[%get3A_174] {strides = array<i32>} : memref<128xi32, #tpu.memory_space<vmem>>, vector<16xi32>,
      %get3A_176 = vector.shape_cast %get3A_175 : vector<16xi32> to vector<16xi32>
      %mul3A_177 = arith.constant 128 : i32
      %mul3A_178 = vector.broadcast %mul3A_177 : i32 to vector<16xi32>
      %mul3A_179 = arith.muli %get3A_176, %mul3A_178 : vector<16xi32>
      %get3A_180 = arith.constant 80 : index
      %get3A_181 = tpu.vector_load %arg12[%get3A_180] {strides = array<i32>} : memref<128xi32, #tpu.memory_space<vmem>>, vector<16xi32>,
      %get3A_182 = vector.shape_cast %get3A_181 : vector<16xi32> to vector<16xi32>
      %add3A_183 = arith.addi %mul3A_179, %get3A_182 : vector<16xi32>
      %mul3A_184 = arith.constant 128 : i32
      %mul3A_185 = vector.broadcast %mul3A_184 : i32 to vector<16xi32>
      %mul3A_186 = arith.muli %add3A_183, %mul3A_185 : vector<16xi32>
      %get3A_187 = arith.constant 80 : index
      %get3A_188 = tpu.vector_load %arg13[%get3A_187] {strides = array<i32>} : memref<128xi32, #tpu.memory_space<vmem>>, vector<16xi32>,
      %get3A_189 = vector.shape_cast %get3A_188 : vector<16xi32> to vector<16xi32>
      %add3A_190 = arith.addi %mul3A_186, %get3A_189 : vector<16xi32>
      %mul3A_191 = arith.constant 128 : i32
      %mul3A_192 = vector.broadcast %mul3A_191 : i32 to vector<16xi32>
      %mul3A_193 = arith.muli %add3A_190, %mul3A_192 : vector<16xi32>
      %get3A_194 = arith.constant 80 : index
      %get3A_195 = tpu.vector_load %arg14[%get3A_194] {strides = array<i32>} : memref<128xi32, #tpu.memory_space<vmem>>, vector<16xi32>,
      %get3A_196 = vector.shape_cast %get3A_195 : vector<16xi32> to vector<16xi32>
      %add3A_197 = arith.addi %mul3A_193, %get3A_196 : vector<16xi32>
      %swap3A_198 = arith.constant 80 : index
      %swap3A_199 = tpu.vector_load %arg15[%swap3A_198] {strides = array<i32>} : memref<128xi32, #tpu.memory_space<vmem>>, vector<16xi32>,
      %swap3A_200 = vector.shape_cast %swap3A_199 : vector<16xi32> to vector<16xi32>
      %swap3A_201 = vector.shape_cast %add3A_197 : vector<16xi32> to vector<16xi32>
      tpu.vector_store %arg15[%swap3A_198], %swap3A_201 {strides = array<i32>} : memref<128xi32, #tpu.memory_space<vmem>>, vector<16xi32>,
      %shift_right_arithmetic3A_202 = arith.constant 7 : i32
      %shift_right_arithmetic3A_203 = vector.broadcast %shift_right_arithmetic3A_202 : i32 to vector<16xi32>
      %shift_right_arithmetic3A_204 = arith.shrsi %add3A_197, %shift_right_arithmetic3A_203 : vector<16xi32>
      %swap3A_205 = arith.constant 80 : index
      %swap3A_206 = tpu.vector_load %arg9[%swap3A_205] {strides = array<i32>} : memref<128xi32, #tpu.memory_space<vmem>>, vector<16xi32>,
      %swap3A_207 = vector.shape_cast %swap3A_206 : vector<16xi32> to vector<16xi32>
      %swap3A_208 = vector.shape_cast %shift_right_arithmetic3A_204 : vector<16xi32> to vector<16xi32>
      tpu.vector_store %arg9[%swap3A_205], %swap3A_208 {strides = array<i32>} : memref<128xi32, #tpu.memory_space<vmem>>, vector<16xi32>,
      %get3A_209 = arith.constant 96 : index
      %get3A_210 = tpu.vector_load %arg11[%get3A_209] {strides = array<i32>} : memref<128xi32, #tpu.memory_space<vmem>>, vector<16xi32>,
      %get3A_211 = vector.shape_cast %get3A_210 : vector<16xi32> to vector<16xi32>
      %mul3A_212 = arith.constant 128 : i32
      %mul3A_213 = vector.broadcast %mul3A_212 : i32 to vector<16xi32>
      %mul3A_214 = arith.muli %get3A_211, %mul3A_213 : vector<16xi32>
      %get3A_215 = arith.constant 96 : index
      %get3A_216 = tpu.vector_load %arg12[%get3A_215] {strides = array<i32>} : memref<128xi32, #tpu.memory_space<vmem>>, vector<16xi32>,
      %get3A_217 = vector.shape_cast %get3A_216 : vector<16xi32> to vector<16xi32>
      %add3A_218 = arith.addi %mul3A_214, %get3A_217 : vector<16xi32>
      %mul3A_219 = arith.constant 128 : i32
      %mul3A_220 = vector.broadcast %mul3A_219 : i32 to vector<16xi32>
      %mul3A_221 = arith.muli %add3A_218, %mul3A_220 : vector<16xi32>
      %get3A_222 = arith.constant 96 : index
      %get3A_223 = tpu.vector_load %arg13[%get3A_222] {strides = array<i32>} : memref<128xi32, #tpu.memory_space<vmem>>, vector<16xi32>,
      %get3A_224 = vector.shape_cast %get3A_223 : vector<16xi32> to vector<16xi32>
      %add3A_225 = arith.addi %mul3A_221, %get3A_224 : vector<16xi32>
      %mul3A_226 = arith.constant 128 : i32
      %mul3A_227 = vector.broadcast %mul3A_226 : i32 to vector<16xi32>
      %mul3A_228 = arith.muli %add3A_225, %mul3A_227 : vector<16xi32>
      %get3A_229 = arith.constant 96 : index
      %get3A_230 = tpu.vector_load %arg14[%get3A_229] {strides = array<i32>} : memref<128xi32, #tpu.memory_space<vmem>>, vector<16xi32>,
      %get3A_231 = vector.shape_cast %get3A_230 : vector<16xi32> to vector<16xi32>
      %add3A_232 = arith.addi %mul3A_228, %get3A_231 : vector<16xi32>
      %swap3A_233 = arith.constant 96 : index
      %swap3A_234 = tpu.vector_load %arg15[%swap3A_233] {strides = array<i32>} : memref<128xi32, #tpu.memory_space<vmem>>, vector<16xi32>,
      %swap3A_235 = vector.shape_cast %swap3A_234 : vector<16xi32> to vector<16xi32>
      %swap3A_236 = vector.shape_cast %add3A_232 : vector<16xi32> to vector<16xi32>
      tpu.vector_store %arg15[%swap3A_233], %swap3A_236 {strides = array<i32>} : memref<128xi32, #tpu.memory_space<vmem>>, vector<16xi32>,
      %shift_right_arithmetic3A_237 = arith.constant 7 : i32
      %shift_right_arithmetic3A_238 = vector.broadcast %shift_right_arithmetic3A_237 : i32 to vector<16xi32>
      %shift_right_arithmetic3A_239 = arith.shrsi %add3A_232, %shift_right_arithmetic3A_238 : vector<16xi32>
      %swap3A_240 = arith.constant 96 : index
      %swap3A_241 = tpu.vector_load %arg9[%swap3A_240] {strides = array<i32>} : memref<128xi32, #tpu.memory_space<vmem>>, vector<16xi32>,
      %swap3A_242 = vector.shape_cast %swap3A_241 : vector<16xi32> to vector<16xi32>
      %swap3A_243 = vector.shape_cast %shift_right_arithmetic3A_239 : vector<16xi32> to vector<16xi32>
      tpu.vector_store %arg9[%swap3A_240], %swap3A_243 {strides = array<i32>} : memref<128xi32, #tpu.memory_space<vmem>>, vector<16xi32>,
      %get3A_244 = arith.constant 112 : index
      %get3A_245 = tpu.vector_load %arg11[%get3A_244] {strides = array<i32>} : memref<128xi32, #tpu.memory_space<vmem>>, vector<16xi32>,
      %get3A_246 = vector.shape_cast %get3A_245 : vector<16xi32> to vector<16xi32>
      %mul3A_247 = arith.constant 128 : i32
      %mul3A_248 = vector.broadcast %mul3A_247 : i32 to vector<16xi32>
      %mul3A_249 = arith.muli %get3A_246, %mul3A_248 : vector<16xi32>
      %get3A_250 = arith.constant 112 : index
      %get3A_251 = tpu.vector_load %arg12[%get3A_250] {strides = array<i32>} : memref<128xi32, #tpu.memory_space<vmem>>, vector<16xi32>,
      %get3A_252 = vector.shape_cast %get3A_251 : vector<16xi32> to vector<16xi32>
      %add3A_253 = arith.addi %mul3A_249, %get3A_252 : vector<16xi32>
      %mul3A_254 = arith.constant 128 : i32
      %mul3A_255 = vector.broadcast %mul3A_254 : i32 to vector<16xi32>
      %mul3A_256 = arith.muli %add3A_253, %mul3A_255 : vector<16xi32>
      %get3A_257 = arith.constant 112 : index
      %get3A_258 = tpu.vector_load %arg13[%get3A_257] {strides = array<i32>} : memref<128xi32, #tpu.memory_space<vmem>>, vector<16xi32>,
      %get3A_259 = vector.shape_cast %get3A_258 : vector<16xi32> to vector<16xi32>
      %add3A_260 = arith.addi %mul3A_256, %get3A_259 : vector<16xi32>
      %mul3A_261 = arith.constant 128 : i32
      %mul3A_262 = vector.broadcast %mul3A_261 : i32 to vector<16xi32>
      %mul3A_263 = arith.muli %add3A_260, %mul3A_262 : vector<16xi32>
      %get3A_264 = arith.constant 112 : index
      %get3A_265 = tpu.vector_load %arg14[%get3A_264] {strides = array<i32>} : memref<128xi32, #tpu.memory_space<vmem>>, vector<16xi32>,
      %get3A_266 = vector.shape_cast %get3A_265 : vector<16xi32> to vector<16xi32>
      %add3A_267 = arith.addi %mul3A_263, %get3A_266 : vector<16xi32>
      %swap3A_268 = arith.constant 112 : index
      %swap3A_269 = tpu.vector_load %arg15[%swap3A_268] {strides = array<i32>} : memref<128xi32, #tpu.memory_space<vmem>>, vector<16xi32>,
      %swap3A_270 = vector.shape_cast %swap3A_269 : vector<16xi32> to vector<16xi32>
      %swap3A_271 = vector.shape_cast %add3A_267 : vector<16xi32> to vector<16xi32>
      tpu.vector_store %arg15[%swap3A_268], %swap3A_271 {strides = array<i32>} : memref<128xi32, #tpu.memory_space<vmem>>, vector<16xi32>,
      %shift_right_arithmetic3A_272 = arith.constant 7 : i32
      %shift_right_arithmetic3A_273 = vector.broadcast %shift_right_arithmetic3A_272 : i32 to vector<16xi32>
      %shift_right_arithmetic3A_274 = arith.shrsi %add3A_267, %shift_right_arithmetic3A_273 : vector<16xi32>
      %swap3A_275 = arith.constant 112 : index
      %swap3A_276 = tpu.vector_load %arg9[%swap3A_275] {strides = array<i32>} : memref<128xi32, #tpu.memory_space<vmem>>, vector<16xi32>,
      %swap3A_277 = vector.shape_cast %swap3A_276 : vector<16xi32> to vector<16xi32>
      %swap3A_278 = vector.shape_cast %shift_right_arithmetic3A_274 : vector<16xi32> to vector<16xi32>
      tpu.vector_store %arg9[%swap3A_275], %swap3A_278 {strides = array<i32>} : memref<128xi32, #tpu.memory_space<vmem>>, vector<16xi32>,
      %dma_start3A = arith.constant 0 : i32
      %dma_start3A_279 = arith.constant 0 : i32
      %dma_start3A_280 = tpu.memref_slice %arg2[%dma_start3A, %dma_start3A_279] : memref<262144x128xf32, #tpu.memory_space<hbm>> -> memref<262144x128xf32, #tpu.memory_space<hbm>>
      tpu.enqueue_indirect_dma source(%dma_start3A_280 : memref<262144x128xf32, #tpu.memory_space<hbm>>) target(%arg10 : memref<128x128xf32, #tpu.memory_space<vmem>>) offsets(%arg9 : memref<128xi32, #tpu.memory_space<vmem>>) semaphore(%arg18 : memref<!tpu.dma_semaphore, #tpu.memory_space<semaphore_mem>>)
      %dma_wait3A = arith.constant 0 : i32
      %dma_wait3A_281 = arith.constant 0 : i32
      %dma_wait3A_282 = tpu.memref_slice %arg2[%dma_wait3A, %dma_wait3A_281] : memref<262144x128xf32, #tpu.memory_space<hbm>> -> memref<262144x128xf32, #tpu.memory_space<hbm>>
      tpu.wait_indirect_dma semaphore(%arg18 : memref<!tpu.dma_semaphore, #tpu.memory_space<semaphore_mem>>) src(%dma_wait3A_282 : memref<262144x128xf32, #tpu.memory_space<hbm>>) dst(%arg10 : memref<128x128xf32, #tpu.memory_space<vmem>>)
      %iota3A = tpu.iota {dimensions = array<i32: 0>} : vector<16xi32>
      %get3A_283 = arith.constant 0 : index
      %get3A_284 = tpu.vector_load %arg15[%get3A_283] {strides = array<i32>} : memref<128xi32, #tpu.memory_space<vmem>>, vector<16xi32>,
      %get3A_285 = vector.shape_cast %get3A_284 : vector<16xi32> to vector<16xi32>
      %and3A_286 = arith.constant 127 : i32
      %and3A_287 = vector.broadcast %and3A_286 : i32 to vector<16xi32>
      %and3A_288 = arith.andi %get3A_285, %and3A_287 : vector<16xi32>
      %convert_element_type3A_289 = arith.sitofp %and3A_288 : vector<16xi32> to vector<16xf32>
      %swap3A_290 = arith.constant 0 : index
      %swap3A_291 = tpu.vector_load %arg16[%swap3A_290] {strides = array<i32>} : memref<128xf32, #tpu.memory_space<vmem>>, vector<16xf32>,
      %swap3A_292 = vector.shape_cast %swap3A_291 : vector<16xf32> to vector<16xf32>
      %swap3A_293 = vector.shape_cast %convert_element_type3A_289 : vector<16xf32> to vector<16xf32>
      tpu.vector_store %arg16[%swap3A_290], %swap3A_293 {strides = array<i32>} : memref<128xf32, #tpu.memory_space<vmem>>, vector<16xf32>,
      %add3A_294 = arith.constant 0 : i32
      %add3A_295 = vector.broadcast %add3A_294 : i32 to vector<16xi32>
      %add3A_296 = arith.addi %iota3A, %add3A_295 : vector<16xi32>
      %broadcast_in_dim3A = arith.constant 1 : i32
      %broadcast_in_dim3A_297 = vector.broadcast %broadcast_in_dim3A : i32 to vector<16xi32>
      %sub3A = arith.constant 1 : i32
      %sub3A_298 = vector.broadcast %sub3A : i32 to vector<16xi32>
      %sub3A_299 = arith.subi %iota3A, %sub3A_298 : vector<16xi32>
      %max3A = arith.constant 0 : i32
      %max3A_300 = vector.broadcast %max3A : i32 to vector<16xi32>
      %max3A_301 = arith.maxsi %sub3A_299, %max3A_300 : vector<16xi32>
      %broadcast_in_dim3A_302 = vector.shape_cast %max3A_301 : vector<16xi32> to vector<16x1xi32>
      %gather3A = vector.shape_cast %broadcast_in_dim3A_302 : vector<16x1xi32> to vector<16xi32>
      %gather3A_303 = tpu.dynamic_gather %get3A_285[%gather3A] in [0] : vector<16xi32>, vector<16xi32> -> vector<16xi32>
      %sub3A_304 = arith.subi %gather3A_303, %get3A_285 : vector<16xi32>
      %abs3A = math.absi %sub3A_304 : vector<16xi32>
      %min3A = arith.constant 1 : i32
      %min3A_305 = vector.broadcast %min3A : i32 to vector<16xi32>
      %min3A_306 = arith.minsi %abs3A, %min3A_305 : vector<16xi32>
      %sub3A_307 = arith.subi %iota3A, %max3A_301 : vector<16xi32>
      %min3A_308 = arith.constant 1 : i32
      %min3A_309 = vector.broadcast %min3A_308 : i32 to vector<16xi32>
      %min3A_310 = arith.minsi %sub3A_307, %min3A_309 : vector<16xi32>
      %sub3A_311 = arith.constant 1 : i32
      %sub3A_312 = vector.broadcast %sub3A_311 : i32 to vector<16xi32>
      %sub3A_313 = arith.subi %sub3A_312, %min3A_306 : vector<16xi32>
      %mul3A_314 = arith.muli %sub3A_313, %min3A_310 : vector<16xi32>
      %sub3A_315 = arith.constant 1 : i32
      %sub3A_316 = vector.broadcast %sub3A_315 : i32 to vector<16xi32>
      %sub3A_317 = arith.subi %sub3A_316, %mul3A_314 : vector<16xi32>
      %mul3A_318 = arith.muli %broadcast_in_dim3A_297, %sub3A_317 : vector<16xi32>
      %sub3A_319 = arith.constant 2 : i32
      %sub3A_320 = vector.broadcast %sub3A_319 : i32 to vector<16xi32>
      %sub3A_321 = arith.subi %iota3A, %sub3A_320 : vector<16xi32>
      %max3A_322 = arith.constant 0 : i32
      %max3A_323 = vector.broadcast %max3A_322 : i32 to vector<16xi32>
      %max3A_324 = arith.maxsi %sub3A_321, %max3A_323 : vector<16xi32>
      %broadcast_in_dim3A_325 = vector.shape_cast %max3A_324 : vector<16xi32> to vector<16x1xi32>
      %gather3A_326 = vector.shape_cast %broadcast_in_dim3A_325 : vector<16x1xi32> to vector<16xi32>
      %gather3A_327 = tpu.dynamic_gather %get3A_285[%gather3A_326] in [0] : vector<16xi32>, vector<16xi32> -> vector<16xi32>
      %sub3A_328 = arith.subi %gather3A_327, %get3A_285 : vector<16xi32>
      %abs3A_329 = math.absi %sub3A_328 : vector<16xi32>
      %min3A_330 = arith.constant 1 : i32
      %min3A_331 = vector.broadcast %min3A_330 : i32 to vector<16xi32>
      %min3A_332 = arith.minsi %abs3A_329, %min3A_331 : vector<16xi32>
      %sub3A_333 = arith.subi %iota3A, %max3A_324 : vector<16xi32>
      %min3A_334 = arith.constant 1 : i32
      %min3A_335 = vector.broadcast %min3A_334 : i32 to vector<16xi32>
      %min3A_336 = arith.minsi %sub3A_333, %min3A_335 : vector<16xi32>
      %sub3A_337 = arith.constant 1 : i32
      %sub3A_338 = vector.broadcast %sub3A_337 : i32 to vector<16xi32>
      %sub3A_339 = arith.subi %sub3A_338, %min3A_332 : vector<16xi32>
      %mul3A_340 = arith.muli %sub3A_339, %min3A_336 : vector<16xi32>
      %sub3A_341 = arith.constant 1 : i32
      %sub3A_342 = vector.broadcast %sub3A_341 : i32 to vector<16xi32>
      %sub3A_343 = arith.subi %sub3A_342, %mul3A_340 : vector<16xi32>
      %mul3A_344 = arith.muli %mul3A_318, %sub3A_343 : vector<16xi32>
      %sub3A_345 = arith.constant 3 : i32
      %sub3A_346 = vector.broadcast %sub3A_345 : i32 to vector<16xi32>
      %sub3A_347 = arith.subi %iota3A, %sub3A_346 : vector<16xi32>
      %max3A_348 = arith.constant 0 : i32
      %max3A_349 = vector.broadcast %max3A_348 : i32 to vector<16xi32>
      %max3A_350 = arith.maxsi %sub3A_347, %max3A_349 : vector<16xi32>
      %broadcast_in_dim3A_351 = vector.shape_cast %max3A_350 : vector<16xi32> to vector<16x1xi32>
      %gather3A_352 = vector.shape_cast %broadcast_in_dim3A_351 : vector<16x1xi32> to vector<16xi32>
      %gather3A_353 = tpu.dynamic_gather %get3A_285[%gather3A_352] in [0] : vector<16xi32>, vector<16xi32> -> vector<16xi32>
      %sub3A_354 = arith.subi %gather3A_353, %get3A_285 : vector<16xi32>
      %abs3A_355 = math.absi %sub3A_354 : vector<16xi32>
      %min3A_356 = arith.constant 1 : i32
      %min3A_357 = vector.broadcast %min3A_356 : i32 to vector<16xi32>
      %min3A_358 = arith.minsi %abs3A_355, %min3A_357 : vector<16xi32>
      %sub3A_359 = arith.subi %iota3A, %max3A_350 : vector<16xi32>
      %min3A_360 = arith.constant 1 : i32
      %min3A_361 = vector.broadcast %min3A_360 : i32 to vector<16xi32>
      %min3A_362 = arith.minsi %sub3A_359, %min3A_361 : vector<16xi32>
      %sub3A_363 = arith.constant 1 : i32
      %sub3A_364 = vector.broadcast %sub3A_363 : i32 to vector<16xi32>
      %sub3A_365 = arith.subi %sub3A_364, %min3A_358 : vector<16xi32>
      %mul3A_366 = arith.muli %sub3A_365, %min3A_362 : vector<16xi32>
      %sub3A_367 = arith.constant 1 : i32
      %sub3A_368 = vector.broadcast %sub3A_367 : i32 to vector<16xi32>
      %sub3A_369 = arith.subi %sub3A_368, %mul3A_366 : vector<16xi32>
      %mul3A_370 = arith.muli %mul3A_344, %sub3A_369 : vector<16xi32>
      %sub3A_371 = arith.constant 4 : i32
      %sub3A_372 = vector.broadcast %sub3A_371 : i32 to vector<16xi32>
      %sub3A_373 = arith.subi %iota3A, %sub3A_372 : vector<16xi32>
      %max3A_374 = arith.constant 0 : i32
      %max3A_375 = vector.broadcast %max3A_374 : i32 to vector<16xi32>
      %max3A_376 = arith.maxsi %sub3A_373, %max3A_375 : vector<16xi32>
      %broadcast_in_dim3A_377 = vector.shape_cast %max3A_376 : vector<16xi32> to vector<16x1xi32>
      %gather3A_378 = vector.shape_cast %broadcast_in_dim3A_377 : vector<16x1xi32> to vector<16xi32>
      %gather3A_379 = tpu.dynamic_gather %get3A_285[%gather3A_378] in [0] : vector<16xi32>, vector<16xi32> -> vector<16xi32>
      %sub3A_380 = arith.subi %gather3A_379, %get3A_285 : vector<16xi32>
      %abs3A_381 = math.absi %sub3A_380 : vector<16xi32>
      %min3A_382 = arith.constant 1 : i32
      %min3A_383 = vector.broadcast %min3A_382 : i32 to vector<16xi32>
      %min3A_384 = arith.minsi %abs3A_381, %min3A_383 : vector<16xi32>
      %sub3A_385 = arith.subi %iota3A, %max3A_376 : vector<16xi32>
      %min3A_386 = arith.constant 1 : i32
      %min3A_387 = vector.broadcast %min3A_386 : i32 to vector<16xi32>
      %min3A_388 = arith.minsi %sub3A_385, %min3A_387 : vector<16xi32>
      %sub3A_389 = arith.constant 1 : i32
      %sub3A_390 = vector.broadcast %sub3A_389 : i32 to vector<16xi32>
      %sub3A_391 = arith.subi %sub3A_390, %min3A_384 : vector<16xi32>
      %mul3A_392 = arith.muli %sub3A_391, %min3A_388 : vector<16xi32>
      %sub3A_393 = arith.constant 1 : i32
      %sub3A_394 = vector.broadcast %sub3A_393 : i32 to vector<16xi32>
      %sub3A_395 = arith.subi %sub3A_394, %mul3A_392 : vector<16xi32>
      %mul3A_396 = arith.muli %mul3A_370, %sub3A_395 : vector<16xi32>
      %sub3A_397 = arith.constant 5 : i32
      %sub3A_398 = vector.broadcast %sub3A_397 : i32 to vector<16xi32>
      %sub3A_399 = arith.subi %iota3A, %sub3A_398 : vector<16xi32>
      %max3A_400 = arith.constant 0 : i32
      %max3A_401 = vector.broadcast %max3A_400 : i32 to vector<16xi32>
      %max3A_402 = arith.maxsi %sub3A_399, %max3A_401 : vector<16xi32>
      %broadcast_in_dim3A_403 = vector.shape_cast %max3A_402 : vector<16xi32> to vector<16x1xi32>
      %gather3A_404 = vector.shape_cast %broadcast_in_dim3A_403 : vector<16x1xi32> to vector<16xi32>
      %gather3A_405 = tpu.dynamic_gather %get3A_285[%gather3A_404] in [0] : vector<16xi32>, vector<16xi32> -> vector<16xi32>
      %sub3A_406 = arith.subi %gather3A_405, %get3A_285 : vector<16xi32>
      %abs3A_407 = math.absi %sub3A_406 : vector<16xi32>
      %min3A_408 = arith.constant 1 : i32
      %min3A_409 = vector.broadcast %min3A_408 : i32 to vector<16xi32>
      %min3A_410 = arith.minsi %abs3A_407, %min3A_409 : vector<16xi32>
      %sub3A_411 = arith.subi %iota3A, %max3A_402 : vector<16xi32>
      %min3A_412 = arith.constant 1 : i32
      %min3A_413 = vector.broadcast %min3A_412 : i32 to vector<16xi32>
      %min3A_414 = arith.minsi %sub3A_411, %min3A_413 : vector<16xi32>
      %sub3A_415 = arith.constant 1 : i32
      %sub3A_416 = vector.broadcast %sub3A_415 : i32 to vector<16xi32>
      %sub3A_417 = arith.subi %sub3A_416, %min3A_410 : vector<16xi32>
      %mul3A_418 = arith.muli %sub3A_417, %min3A_414 : vector<16xi32>
      %sub3A_419 = arith.constant 1 : i32
      %sub3A_420 = vector.broadcast %sub3A_419 : i32 to vector<16xi32>
      %sub3A_421 = arith.subi %sub3A_420, %mul3A_418 : vector<16xi32>
      %mul3A_422 = arith.muli %mul3A_396, %sub3A_421 : vector<16xi32>
      %sub3A_423 = arith.constant 6 : i32
      %sub3A_424 = vector.broadcast %sub3A_423 : i32 to vector<16xi32>
      %sub3A_425 = arith.subi %iota3A, %sub3A_424 : vector<16xi32>
      %max3A_426 = arith.constant 0 : i32
      %max3A_427 = vector.broadcast %max3A_426 : i32 to vector<16xi32>
      %max3A_428 = arith.maxsi %sub3A_425, %max3A_427 : vector<16xi32>
      %broadcast_in_dim3A_429 = vector.shape_cast %max3A_428 : vector<16xi32> to vector<16x1xi32>
      %gather3A_430 = vector.shape_cast %broadcast_in_dim3A_429 : vector<16x1xi32> to vector<16xi32>
      %gather3A_431 = tpu.dynamic_gather %get3A_285[%gather3A_430] in [0] : vector<16xi32>, vector<16xi32> -> vector<16xi32>
      %sub3A_432 = arith.subi %gather3A_431, %get3A_285 : vector<16xi32>
      %abs3A_433 = math.absi %sub3A_432 : vector<16xi32>
      %min3A_434 = arith.constant 1 : i32
      %min3A_435 = vector.broadcast %min3A_434 : i32 to vector<16xi32>
      %min3A_436 = arith.minsi %abs3A_433, %min3A_435 : vector<16xi32>
      %sub3A_437 = arith.subi %iota3A, %max3A_428 : vector<16xi32>
      %min3A_438 = arith.constant 1 : i32
      %min3A_439 = vector.broadcast %min3A_438 : i32 to vector<16xi32>
      %min3A_440 = arith.minsi %sub3A_437, %min3A_439 : vector<16xi32>
      %sub3A_441 = arith.constant 1 : i32
      %sub3A_442 = vector.broadcast %sub3A_441 : i32 to vector<16xi32>
      %sub3A_443 = arith.subi %sub3A_442, %min3A_436 : vector<16xi32>
      %mul3A_444 = arith.muli %sub3A_443, %min3A_440 : vector<16xi32>
      %sub3A_445 = arith.constant 1 : i32
      %sub3A_446 = vector.broadcast %sub3A_445 : i32 to vector<16xi32>
      %sub3A_447 = arith.subi %sub3A_446, %mul3A_444 : vector<16xi32>
      %mul3A_448 = arith.muli %mul3A_422, %sub3A_447 : vector<16xi32>
      %sub3A_449 = arith.constant 7 : i32
      %sub3A_450 = vector.broadcast %sub3A_449 : i32 to vector<16xi32>
      %sub3A_451 = arith.subi %iota3A, %sub3A_450 : vector<16xi32>
      %max3A_452 = arith.constant 0 : i32
      %max3A_453 = vector.broadcast %max3A_452 : i32 to vector<16xi32>
      %max3A_454 = arith.maxsi %sub3A_451, %max3A_453 : vector<16xi32>
      %broadcast_in_dim3A_455 = vector.shape_cast %max3A_454 : vector<16xi32> to vector<16x1xi32>
      %gather3A_456 = vector.shape_cast %broadcast_in_dim3A_455 : vector<16x1xi32> to vector<16xi32>
      %gather3A_457 = tpu.dynamic_gather %get3A_285[%gather3A_456] in [0] : vector<16xi32>, vector<16xi32> -> vector<16xi32>
      %sub3A_458 = arith.subi %gather3A_457, %get3A_285 : vector<16xi32>
      %abs3A_459 = math.absi %sub3A_458 : vector<16xi32>
      %min3A_460 = arith.constant 1 : i32
      %min3A_461 = vector.broadcast %min3A_460 : i32 to vector<16xi32>
      %min3A_462 = arith.minsi %abs3A_459, %min3A_461 : vector<16xi32>
      %sub3A_463 = arith.subi %iota3A, %max3A_454 : vector<16xi32>
      %min3A_464 = arith.constant 1 : i32
      %min3A_465 = vector.broadcast %min3A_464 : i32 to vector<16xi32>
      %min3A_466 = arith.minsi %sub3A_463, %min3A_465 : vector<16xi32>
      %sub3A_467 = arith.constant 1 : i32
      %sub3A_468 = vector.broadcast %sub3A_467 : i32 to vector<16xi32>
      %sub3A_469 = arith.subi %sub3A_468, %min3A_462 : vector<16xi32>
      %mul3A_470 = arith.muli %sub3A_469, %min3A_466 : vector<16xi32>
      %sub3A_471 = arith.constant 1 : i32
      %sub3A_472 = vector.broadcast %sub3A_471 : i32 to vector<16xi32>
      %sub3A_473 = arith.subi %sub3A_472, %mul3A_470 : vector<16xi32>
      %mul3A_474 = arith.muli %mul3A_448, %sub3A_473 : vector<16xi32>
      %convert_element_type3A_475 = arith.sitofp %mul3A_474 : vector<16xi32> to vector<16xf32>
      %swap3A_476 = arith.constant 0 : index
      %swap3A_477 = tpu.vector_load %arg17[%swap3A_476] {strides = array<i32>} : memref<128xf32, #tpu.memory_space<vmem>>, vector<16xf32>,
      %swap3A_478 = vector.shape_cast %swap3A_477 : vector<16xf32> to vector<16xf32>
      %swap3A_479 = vector.shape_cast %convert_element_type3A_475 : vector<16xf32> to vector<16xf32>
      tpu.vector_store %arg17[%swap3A_476], %swap3A_479 {strides = array<i32>} : memref<128xf32, #tpu.memory_space<vmem>>, vector<16xf32>,
      %get3A_480 = arith.constant 16 : index
      %get3A_481 = tpu.vector_load %arg15[%get3A_480] {strides = array<i32>} : memref<128xi32, #tpu.memory_space<vmem>>, vector<16xi32>,
      %get3A_482 = vector.shape_cast %get3A_481 : vector<16xi32> to vector<16xi32>
      %and3A_483 = arith.constant 127 : i32
      %and3A_484 = vector.broadcast %and3A_483 : i32 to vector<16xi32>
      %and3A_485 = arith.andi %get3A_482, %and3A_484 : vector<16xi32>
      %convert_element_type3A_486 = arith.sitofp %and3A_485 : vector<16xi32> to vector<16xf32>
      %swap3A_487 = arith.constant 16 : index
      %swap3A_488 = tpu.vector_load %arg16[%swap3A_487] {strides = array<i32>} : memref<128xf32, #tpu.memory_space<vmem>>, vector<16xf32>,
      %swap3A_489 = vector.shape_cast %swap3A_488 : vector<16xf32> to vector<16xf32>
      %swap3A_490 = vector.shape_cast %convert_element_type3A_486 : vector<16xf32> to vector<16xf32>
      tpu.vector_store %arg16[%swap3A_487], %swap3A_490 {strides = array<i32>} : memref<128xf32, #tpu.memory_space<vmem>>, vector<16xf32>,
      %add3A_491 = arith.constant 16 : i32
      %add3A_492 = vector.broadcast %add3A_491 : i32 to vector<16xi32>
      %add3A_493 = arith.addi %iota3A, %add3A_492 : vector<16xi32>
      %broadcast_in_dim3A_494 = arith.constant 1 : i32
      %broadcast_in_dim3A_495 = vector.broadcast %broadcast_in_dim3A_494 : i32 to vector<16xi32>
      %sub3A_496 = arith.constant 1 : i32
      %sub3A_497 = vector.broadcast %sub3A_496 : i32 to vector<16xi32>
      %sub3A_498 = arith.subi %iota3A, %sub3A_497 : vector<16xi32>
      %max3A_499 = arith.constant 0 : i32
      %max3A_500 = vector.broadcast %max3A_499 : i32 to vector<16xi32>
      %max3A_501 = arith.maxsi %sub3A_498, %max3A_500 : vector<16xi32>
      %broadcast_in_dim3A_502 = vector.shape_cast %max3A_501 : vector<16xi32> to vector<16x1xi32>
      %gather3A_503 = vector.shape_cast %broadcast_in_dim3A_502 : vector<16x1xi32> to vector<16xi32>
      %gather3A_504 = tpu.dynamic_gather %get3A_482[%gather3A_503] in [0] : vector<16xi32>, vector<16xi32> -> vector<16xi32>
      %sub3A_505 = arith.subi %gather3A_504, %get3A_482 : vector<16xi32>
      %abs3A_506 = math.absi %sub3A_505 : vector<16xi32>
      %min3A_507 = arith.constant 1 : i32
      %min3A_508 = vector.broadcast %min3A_507 : i32 to vector<16xi32>
      %min3A_509 = arith.minsi %abs3A_506, %min3A_508 : vector<16xi32>
      %sub3A_510 = arith.subi %iota3A, %max3A_501 : vector<16xi32>
      %min3A_511 = arith.constant 1 : i32
      %min3A_512 = vector.broadcast %min3A_511 : i32 to vector<16xi32>
      %min3A_513 = arith.minsi %sub3A_510, %min3A_512 : vector<16xi32>
      %sub3A_514 = arith.constant 1 : i32
      %sub3A_515 = vector.broadcast %sub3A_514 : i32 to vector<16xi32>
      %sub3A_516 = arith.subi %sub3A_515, %min3A_509 : vector<16xi32>
      %mul3A_517 = arith.muli %sub3A_516, %min3A_513 : vector<16xi32>
      %sub3A_518 = arith.constant 1 : i32
      %sub3A_519 = vector.broadcast %sub3A_518 : i32 to vector<16xi32>
      %sub3A_520 = arith.subi %sub3A_519, %mul3A_517 : vector<16xi32>
      %mul3A_521 = arith.muli %broadcast_in_dim3A_495, %sub3A_520 : vector<16xi32>
      %sub3A_522 = arith.constant 2 : i32
      %sub3A_523 = vector.broadcast %sub3A_522 : i32 to vector<16xi32>
      %sub3A_524 = arith.subi %iota3A, %sub3A_523 : vector<16xi32>
      %max3A_525 = arith.constant 0 : i32
      %max3A_526 = vector.broadcast %max3A_525 : i32 to vector<16xi32>
      %max3A_527 = arith.maxsi %sub3A_524, %max3A_526 : vector<16xi32>
      %broadcast_in_dim3A_528 = vector.shape_cast %max3A_527 : vector<16xi32> to vector<16x1xi32>
      %gather3A_529 = vector.shape_cast %broadcast_in_dim3A_528 : vector<16x1xi32> to vector<16xi32>
      %gather3A_530 = tpu.dynamic_gather %get3A_482[%gather3A_529] in [0] : vector<16xi32>, vector<16xi32> -> vector<16xi32>
      %sub3A_531 = arith.subi %gather3A_530, %get3A_482 : vector<16xi32>
      %abs3A_532 = math.absi %sub3A_531 : vector<16xi32>
      %min3A_533 = arith.constant 1 : i32
      %min3A_534 = vector.broadcast %min3A_533 : i32 to vector<16xi32>
      %min3A_535 = arith.minsi %abs3A_532, %min3A_534 : vector<16xi32>
      %sub3A_536 = arith.subi %iota3A, %max3A_527 : vector<16xi32>
      %min3A_537 = arith.constant 1 : i32
      %min3A_538 = vector.broadcast %min3A_537 : i32 to vector<16xi32>
      %min3A_539 = arith.minsi %sub3A_536, %min3A_538 : vector<16xi32>
      %sub3A_540 = arith.constant 1 : i32
      %sub3A_541 = vector.broadcast %sub3A_540 : i32 to vector<16xi32>
      %sub3A_542 = arith.subi %sub3A_541, %min3A_535 : vector<16xi32>
      %mul3A_543 = arith.muli %sub3A_542, %min3A_539 : vector<16xi32>
      %sub3A_544 = arith.constant 1 : i32
      %sub3A_545 = vector.broadcast %sub3A_544 : i32 to vector<16xi32>
      %sub3A_546 = arith.subi %sub3A_545, %mul3A_543 : vector<16xi32>
      %mul3A_547 = arith.muli %mul3A_521, %sub3A_546 : vector<16xi32>
      %sub3A_548 = arith.constant 3 : i32
      %sub3A_549 = vector.broadcast %sub3A_548 : i32 to vector<16xi32>
      %sub3A_550 = arith.subi %iota3A, %sub3A_549 : vector<16xi32>
      %max3A_551 = arith.constant 0 : i32
      %max3A_552 = vector.broadcast %max3A_551 : i32 to vector<16xi32>
      %max3A_553 = arith.maxsi %sub3A_550, %max3A_552 : vector<16xi32>
      %broadcast_in_dim3A_554 = vector.shape_cast %max3A_553 : vector<16xi32> to vector<16x1xi32>
      %gather3A_555 = vector.shape_cast %broadcast_in_dim3A_554 : vector<16x1xi32> to vector<16xi32>
      %gather3A_556 = tpu.dynamic_gather %get3A_482[%gather3A_555] in [0] : vector<16xi32>, vector<16xi32> -> vector<16xi32>
      %sub3A_557 = arith.subi %gather3A_556, %get3A_482 : vector<16xi32>
      %abs3A_558 = math.absi %sub3A_557 : vector<16xi32>
      %min3A_559 = arith.constant 1 : i32
      %min3A_560 = vector.broadcast %min3A_559 : i32 to vector<16xi32>
      %min3A_561 = arith.minsi %abs3A_558, %min3A_560 : vector<16xi32>
      %sub3A_562 = arith.subi %iota3A, %max3A_553 : vector<16xi32>
      %min3A_563 = arith.constant 1 : i32
      %min3A_564 = vector.broadcast %min3A_563 : i32 to vector<16xi32>
      %min3A_565 = arith.minsi %sub3A_562, %min3A_564 : vector<16xi32>
      %sub3A_566 = arith.constant 1 : i32
      %sub3A_567 = vector.broadcast %sub3A_566 : i32 to vector<16xi32>
      %sub3A_568 = arith.subi %sub3A_567, %min3A_561 : vector<16xi32>
      %mul3A_569 = arith.muli %sub3A_568, %min3A_565 : vector<16xi32>
      %sub3A_570 = arith.constant 1 : i32
      %sub3A_571 = vector.broadcast %sub3A_570 : i32 to vector<16xi32>
      %sub3A_572 = arith.subi %sub3A_571, %mul3A_569 : vector<16xi32>
      %mul3A_573 = arith.muli %mul3A_547, %sub3A_572 : vector<16xi32>
      %sub3A_574 = arith.constant 4 : i32
      %sub3A_575 = vector.broadcast %sub3A_574 : i32 to vector<16xi32>
      %sub3A_576 = arith.subi %iota3A, %sub3A_575 : vector<16xi32>
      %max3A_577 = arith.constant 0 : i32
      %max3A_578 = vector.broadcast %max3A_577 : i32 to vector<16xi32>
      %max3A_579 = arith.maxsi %sub3A_576, %max3A_578 : vector<16xi32>
      %broadcast_in_dim3A_580 = vector.shape_cast %max3A_579 : vector<16xi32> to vector<16x1xi32>
      %gather3A_581 = vector.shape_cast %broadcast_in_dim3A_580 : vector<16x1xi32> to vector<16xi32>
      %gather3A_582 = tpu.dynamic_gather %get3A_482[%gather3A_581] in [0] : vector<16xi32>, vector<16xi32> -> vector<16xi32>
      %sub3A_583 = arith.subi %gather3A_582, %get3A_482 : vector<16xi32>
      %abs3A_584 = math.absi %sub3A_583 : vector<16xi32>
      %min3A_585 = arith.constant 1 : i32
      %min3A_586 = vector.broadcast %min3A_585 : i32 to vector<16xi32>
      %min3A_587 = arith.minsi %abs3A_584, %min3A_586 : vector<16xi32>
      %sub3A_588 = arith.subi %iota3A, %max3A_579 : vector<16xi32>
      %min3A_589 = arith.constant 1 : i32
      %min3A_590 = vector.broadcast %min3A_589 : i32 to vector<16xi32>
      %min3A_591 = arith.minsi %sub3A_588, %min3A_590 : vector<16xi32>
      %sub3A_592 = arith.constant 1 : i32
      %sub3A_593 = vector.broadcast %sub3A_592 : i32 to vector<16xi32>
      %sub3A_594 = arith.subi %sub3A_593, %min3A_587 : vector<16xi32>
      %mul3A_595 = arith.muli %sub3A_594, %min3A_591 : vector<16xi32>
      %sub3A_596 = arith.constant 1 : i32
      %sub3A_597 = vector.broadcast %sub3A_596 : i32 to vector<16xi32>
      %sub3A_598 = arith.subi %sub3A_597, %mul3A_595 : vector<16xi32>
      %mul3A_599 = arith.muli %mul3A_573, %sub3A_598 : vector<16xi32>
      %sub3A_600 = arith.constant 5 : i32
      %sub3A_601 = vector.broadcast %sub3A_600 : i32 to vector<16xi32>
      %sub3A_602 = arith.subi %iota3A, %sub3A_601 : vector<16xi32>
      %max3A_603 = arith.constant 0 : i32
      %max3A_604 = vector.broadcast %max3A_603 : i32 to vector<16xi32>
      %max3A_605 = arith.maxsi %sub3A_602, %max3A_604 : vector<16xi32>
      %broadcast_in_dim3A_606 = vector.shape_cast %max3A_605 : vector<16xi32> to vector<16x1xi32>
      %gather3A_607 = vector.shape_cast %broadcast_in_dim3A_606 : vector<16x1xi32> to vector<16xi32>
      %gather3A_608 = tpu.dynamic_gather %get3A_482[%gather3A_607] in [0] : vector<16xi32>, vector<16xi32> -> vector<16xi32>
      %sub3A_609 = arith.subi %gather3A_608, %get3A_482 : vector<16xi32>
      %abs3A_610 = math.absi %sub3A_609 : vector<16xi32>
      %min3A_611 = arith.constant 1 : i32
      %min3A_612 = vector.broadcast %min3A_611 : i32 to vector<16xi32>
      %min3A_613 = arith.minsi %abs3A_610, %min3A_612 : vector<16xi32>
      %sub3A_614 = arith.subi %iota3A, %max3A_605 : vector<16xi32>
      %min3A_615 = arith.constant 1 : i32
      %min3A_616 = vector.broadcast %min3A_615 : i32 to vector<16xi32>
      %min3A_617 = arith.minsi %sub3A_614, %min3A_616 : vector<16xi32>
      %sub3A_618 = arith.constant 1 : i32
      %sub3A_619 = vector.broadcast %sub3A_618 : i32 to vector<16xi32>
      %sub3A_620 = arith.subi %sub3A_619, %min3A_613 : vector<16xi32>
      %mul3A_621 = arith.muli %sub3A_620, %min3A_617 : vector<16xi32>
      %sub3A_622 = arith.constant 1 : i32
      %sub3A_623 = vector.broadcast %sub3A_622 : i32 to vector<16xi32>
      %sub3A_624 = arith.subi %sub3A_623, %mul3A_621 : vector<16xi32>
      %mul3A_625 = arith.muli %mul3A_599, %sub3A_624 : vector<16xi32>
      %sub3A_626 = arith.constant 6 : i32
      %sub3A_627 = vector.broadcast %sub3A_626 : i32 to vector<16xi32>
      %sub3A_628 = arith.subi %iota3A, %sub3A_627 : vector<16xi32>
      %max3A_629 = arith.constant 0 : i32
      %max3A_630 = vector.broadcast %max3A_629 : i32 to vector<16xi32>
      %max3A_631 = arith.maxsi %sub3A_628, %max3A_630 : vector<16xi32>
      %broadcast_in_dim3A_632 = vector.shape_cast %max3A_631 : vector<16xi32> to vector<16x1xi32>
      %gather3A_633 = vector.shape_cast %broadcast_in_dim3A_632 : vector<16x1xi32> to vector<16xi32>
      %gather3A_634 = tpu.dynamic_gather %get3A_482[%gather3A_633] in [0] : vector<16xi32>, vector<16xi32> -> vector<16xi32>
      %sub3A_635 = arith.subi %gather3A_634, %get3A_482 : vector<16xi32>
      %abs3A_636 = math.absi %sub3A_635 : vector<16xi32>
      %min3A_637 = arith.constant 1 : i32
      %min3A_638 = vector.broadcast %min3A_637 : i32 to vector<16xi32>
      %min3A_639 = arith.minsi %abs3A_636, %min3A_638 : vector<16xi32>
      %sub3A_640 = arith.subi %iota3A, %max3A_631 : vector<16xi32>
      %min3A_641 = arith.constant 1 : i32
      %min3A_642 = vector.broadcast %min3A_641 : i32 to vector<16xi32>
      %min3A_643 = arith.minsi %sub3A_640, %min3A_642 : vector<16xi32>
      %sub3A_644 = arith.constant 1 : i32
      %sub3A_645 = vector.broadcast %sub3A_644 : i32 to vector<16xi32>
      %sub3A_646 = arith.subi %sub3A_645, %min3A_639 : vector<16xi32>
      %mul3A_647 = arith.muli %sub3A_646, %min3A_643 : vector<16xi32>
      %sub3A_648 = arith.constant 1 : i32
      %sub3A_649 = vector.broadcast %sub3A_648 : i32 to vector<16xi32>
      %sub3A_650 = arith.subi %sub3A_649, %mul3A_647 : vector<16xi32>
      %mul3A_651 = arith.muli %mul3A_625, %sub3A_650 : vector<16xi32>
      %sub3A_652 = arith.constant 7 : i32
      %sub3A_653 = vector.broadcast %sub3A_652 : i32 to vector<16xi32>
      %sub3A_654 = arith.subi %iota3A, %sub3A_653 : vector<16xi32>
      %max3A_655 = arith.constant 0 : i32
      %max3A_656 = vector.broadcast %max3A_655 : i32 to vector<16xi32>
      %max3A_657 = arith.maxsi %sub3A_654, %max3A_656 : vector<16xi32>
      %broadcast_in_dim3A_658 = vector.shape_cast %max3A_657 : vector<16xi32> to vector<16x1xi32>
      %gather3A_659 = vector.shape_cast %broadcast_in_dim3A_658 : vector<16x1xi32> to vector<16xi32>
      %gather3A_660 = tpu.dynamic_gather %get3A_482[%gather3A_659] in [0] : vector<16xi32>, vector<16xi32> -> vector<16xi32>
      %sub3A_661 = arith.subi %gather3A_660, %get3A_482 : vector<16xi32>
      %abs3A_662 = math.absi %sub3A_661 : vector<16xi32>
      %min3A_663 = arith.constant 1 : i32
      %min3A_664 = vector.broadcast %min3A_663 : i32 to vector<16xi32>
      %min3A_665 = arith.minsi %abs3A_662, %min3A_664 : vector<16xi32>
      %sub3A_666 = arith.subi %iota3A, %max3A_657 : vector<16xi32>
      %min3A_667 = arith.constant 1 : i32
      %min3A_668 = vector.broadcast %min3A_667 : i32 to vector<16xi32>
      %min3A_669 = arith.minsi %sub3A_666, %min3A_668 : vector<16xi32>
      %sub3A_670 = arith.constant 1 : i32
      %sub3A_671 = vector.broadcast %sub3A_670 : i32 to vector<16xi32>
      %sub3A_672 = arith.subi %sub3A_671, %min3A_665 : vector<16xi32>
      %mul3A_673 = arith.muli %sub3A_672, %min3A_669 : vector<16xi32>
      %sub3A_674 = arith.constant 1 : i32
      %sub3A_675 = vector.broadcast %sub3A_674 : i32 to vector<16xi32>
      %sub3A_676 = arith.subi %sub3A_675, %mul3A_673 : vector<16xi32>
      %mul3A_677 = arith.muli %mul3A_651, %sub3A_676 : vector<16xi32>
      %convert_element_type3A_678 = arith.sitofp %mul3A_677 : vector<16xi32> to vector<16xf32>
      %swap3A_679 = arith.constant 16 : index
      %swap3A_680 = tpu.vector_load %arg17[%swap3A_679] {strides = array<i32>} : memref<128xf32, #tpu.memory_space<vmem>>, vector<16xf32>,
      %swap3A_681 = vector.shape_cast %swap3A_680 : vector<16xf32> to vector<16xf32>
      %swap3A_682 = vector.shape_cast %convert_element_type3A_678 : vector<16xf32> to vector<16xf32>
      tpu.vector_store %arg17[%swap3A_679], %swap3A_682 {strides = array<i32>} : memref<128xf32, #tpu.memory_space<vmem>>, vector<16xf32>,
      %get3A_683 = arith.constant 32 : index
      %get3A_684 = tpu.vector_load %arg15[%get3A_683] {strides = array<i32>} : memref<128xi32, #tpu.memory_space<vmem>>, vector<16xi32>,
      %get3A_685 = vector.shape_cast %get3A_684 : vector<16xi32> to vector<16xi32>
      %and3A_686 = arith.constant 127 : i32
      %and3A_687 = vector.broadcast %and3A_686 : i32 to vector<16xi32>
      %and3A_688 = arith.andi %get3A_685, %and3A_687 : vector<16xi32>
      %convert_element_type3A_689 = arith.sitofp %and3A_688 : vector<16xi32> to vector<16xf32>
      %swap3A_690 = arith.constant 32 : index
      %swap3A_691 = tpu.vector_load %arg16[%swap3A_690] {strides = array<i32>} : memref<128xf32, #tpu.memory_space<vmem>>, vector<16xf32>,
      %swap3A_692 = vector.shape_cast %swap3A_691 : vector<16xf32> to vector<16xf32>
      %swap3A_693 = vector.shape_cast %convert_element_type3A_689 : vector<16xf32> to vector<16xf32>
      tpu.vector_store %arg16[%swap3A_690], %swap3A_693 {strides = array<i32>} : memref<128xf32, #tpu.memory_space<vmem>>, vector<16xf32>,
      %add3A_694 = arith.constant 32 : i32
      %add3A_695 = vector.broadcast %add3A_694 : i32 to vector<16xi32>
      %add3A_696 = arith.addi %iota3A, %add3A_695 : vector<16xi32>
      %broadcast_in_dim3A_697 = arith.constant 1 : i32
      %broadcast_in_dim3A_698 = vector.broadcast %broadcast_in_dim3A_697 : i32 to vector<16xi32>
      %sub3A_699 = arith.constant 1 : i32
      %sub3A_700 = vector.broadcast %sub3A_699 : i32 to vector<16xi32>
      %sub3A_701 = arith.subi %iota3A, %sub3A_700 : vector<16xi32>
      %max3A_702 = arith.constant 0 : i32
      %max3A_703 = vector.broadcast %max3A_702 : i32 to vector<16xi32>
      %max3A_704 = arith.maxsi %sub3A_701, %max3A_703 : vector<16xi32>
      %broadcast_in_dim3A_705 = vector.shape_cast %max3A_704 : vector<16xi32> to vector<16x1xi32>
      %gather3A_706 = vector.shape_cast %broadcast_in_dim3A_705 : vector<16x1xi32> to vector<16xi32>
      %gather3A_707 = tpu.dynamic_gather %get3A_685[%gather3A_706] in [0] : vector<16xi32>, vector<16xi32> -> vector<16xi32>
      %sub3A_708 = arith.subi %gather3A_707, %get3A_685 : vector<16xi32>
      %abs3A_709 = math.absi %sub3A_708 : vector<16xi32>
      %min3A_710 = arith.constant 1 : i32
      %min3A_711 = vector.broadcast %min3A_710 : i32 to vector<16xi32>
      %min3A_712 = arith.minsi %abs3A_709, %min3A_711 : vector<16xi32>
      %sub3A_713 = arith.subi %iota3A, %max3A_704 : vector<16xi32>
      %min3A_714 = arith.constant 1 : i32
      %min3A_715 = vector.broadcast %min3A_714 : i32 to vector<16xi32>
      %min3A_716 = arith.minsi %sub3A_713, %min3A_715 : vector<16xi32>
      %sub3A_717 = arith.constant 1 : i32
      %sub3A_718 = vector.broadcast %sub3A_717 : i32 to vector<16xi32>
      %sub3A_719 = arith.subi %sub3A_718, %min3A_712 : vector<16xi32>
      %mul3A_720 = arith.muli %sub3A_719, %min3A_716 : vector<16xi32>
      %sub3A_721 = arith.constant 1 : i32
      %sub3A_722 = vector.broadcast %sub3A_721 : i32 to vector<16xi32>
      %sub3A_723 = arith.subi %sub3A_722, %mul3A_720 : vector<16xi32>
      %mul3A_724 = arith.muli %broadcast_in_dim3A_698, %sub3A_723 : vector<16xi32>
      %sub3A_725 = arith.constant 2 : i32
      %sub3A_726 = vector.broadcast %sub3A_725 : i32 to vector<16xi32>
      %sub3A_727 = arith.subi %iota3A, %sub3A_726 : vector<16xi32>
      %max3A_728 = arith.constant 0 : i32
      %max3A_729 = vector.broadcast %max3A_728 : i32 to vector<16xi32>
      %max3A_730 = arith.maxsi %sub3A_727, %max3A_729 : vector<16xi32>
      %broadcast_in_dim3A_731 = vector.shape_cast %max3A_730 : vector<16xi32> to vector<16x1xi32>
      %gather3A_732 = vector.shape_cast %broadcast_in_dim3A_731 : vector<16x1xi32> to vector<16xi32>
      %gather3A_733 = tpu.dynamic_gather %get3A_685[%gather3A_732] in [0] : vector<16xi32>, vector<16xi32> -> vector<16xi32>
      %sub3A_734 = arith.subi %gather3A_733, %get3A_685 : vector<16xi32>
      %abs3A_735 = math.absi %sub3A_734 : vector<16xi32>
      %min3A_736 = arith.constant 1 : i32
      %min3A_737 = vector.broadcast %min3A_736 : i32 to vector<16xi32>
      %min3A_738 = arith.minsi %abs3A_735, %min3A_737 : vector<16xi32>
      %sub3A_739 = arith.subi %iota3A, %max3A_730 : vector<16xi32>
      %min3A_740 = arith.constant 1 : i32
      %min3A_741 = vector.broadcast %min3A_740 : i32 to vector<16xi32>
      %min3A_742 = arith.minsi %sub3A_739, %min3A_741 : vector<16xi32>
      %sub3A_743 = arith.constant 1 : i32
      %sub3A_744 = vector.broadcast %sub3A_743 : i32 to vector<16xi32>
      %sub3A_745 = arith.subi %sub3A_744, %min3A_738 : vector<16xi32>
      %mul3A_746 = arith.muli %sub3A_745, %min3A_742 : vector<16xi32>
      %sub3A_747 = arith.constant 1 : i32
      %sub3A_748 = vector.broadcast %sub3A_747 : i32 to vector<16xi32>
      %sub3A_749 = arith.subi %sub3A_748, %mul3A_746 : vector<16xi32>
      %mul3A_750 = arith.muli %mul3A_724, %sub3A_749 : vector<16xi32>
      %sub3A_751 = arith.constant 3 : i32
      %sub3A_752 = vector.broadcast %sub3A_751 : i32 to vector<16xi32>
      %sub3A_753 = arith.subi %iota3A, %sub3A_752 : vector<16xi32>
      %max3A_754 = arith.constant 0 : i32
      %max3A_755 = vector.broadcast %max3A_754 : i32 to vector<16xi32>
      %max3A_756 = arith.maxsi %sub3A_753, %max3A_755 : vector<16xi32>
      %broadcast_in_dim3A_757 = vector.shape_cast %max3A_756 : vector<16xi32> to vector<16x1xi32>
      %gather3A_758 = vector.shape_cast %broadcast_in_dim3A_757 : vector<16x1xi32> to vector<16xi32>
      %gather3A_759 = tpu.dynamic_gather %get3A_685[%gather3A_758] in [0] : vector<16xi32>, vector<16xi32> -> vector<16xi32>
      %sub3A_760 = arith.subi %gather3A_759, %get3A_685 : vector<16xi32>
      %abs3A_761 = math.absi %sub3A_760 : vector<16xi32>
      %min3A_762 = arith.constant 1 : i32
      %min3A_763 = vector.broadcast %min3A_762 : i32 to vector<16xi32>
      %min3A_764 = arith.minsi %abs3A_761, %min3A_763 : vector<16xi32>
      %sub3A_765 = arith.subi %iota3A, %max3A_756 : vector<16xi32>
      %min3A_766 = arith.constant 1 : i32
      %min3A_767 = vector.broadcast %min3A_766 : i32 to vector<16xi32>
      %min3A_768 = arith.minsi %sub3A_765, %min3A_767 : vector<16xi32>
      %sub3A_769 = arith.constant 1 : i32
      %sub3A_770 = vector.broadcast %sub3A_769 : i32 to vector<16xi32>
      %sub3A_771 = arith.subi %sub3A_770, %min3A_764 : vector<16xi32>
      %mul3A_772 = arith.muli %sub3A_771, %min3A_768 : vector<16xi32>
      %sub3A_773 = arith.constant 1 : i32
      %sub3A_774 = vector.broadcast %sub3A_773 : i32 to vector<16xi32>
      %sub3A_775 = arith.subi %sub3A_774, %mul3A_772 : vector<16xi32>
      %mul3A_776 = arith.muli %mul3A_750, %sub3A_775 : vector<16xi32>
      %sub3A_777 = arith.constant 4 : i32
      %sub3A_778 = vector.broadcast %sub3A_777 : i32 to vector<16xi32>
      %sub3A_779 = arith.subi %iota3A, %sub3A_778 : vector<16xi32>
      %max3A_780 = arith.constant 0 : i32
      %max3A_781 = vector.broadcast %max3A_780 : i32 to vector<16xi32>
      %max3A_782 = arith.maxsi %sub3A_779, %max3A_781 : vector<16xi32>
      %broadcast_in_dim3A_783 = vector.shape_cast %max3A_782 : vector<16xi32> to vector<16x1xi32>
      %gather3A_784 = vector.shape_cast %broadcast_in_dim3A_783 : vector<16x1xi32> to vector<16xi32>
      %gather3A_785 = tpu.dynamic_gather %get3A_685[%gather3A_784] in [0] : vector<16xi32>, vector<16xi32> -> vector<16xi32>
      %sub3A_786 = arith.subi %gather3A_785, %get3A_685 : vector<16xi32>
      %abs3A_787 = math.absi %sub3A_786 : vector<16xi32>
      %min3A_788 = arith.constant 1 : i32
      %min3A_789 = vector.broadcast %min3A_788 : i32 to vector<16xi32>
      %min3A_790 = arith.minsi %abs3A_787, %min3A_789 : vector<16xi32>
      %sub3A_791 = arith.subi %iota3A, %max3A_782 : vector<16xi32>
      %min3A_792 = arith.constant 1 : i32
      %min3A_793 = vector.broadcast %min3A_792 : i32 to vector<16xi32>
      %min3A_794 = arith.minsi %sub3A_791, %min3A_793 : vector<16xi32>
      %sub3A_795 = arith.constant 1 : i32
      %sub3A_796 = vector.broadcast %sub3A_795 : i32 to vector<16xi32>
      %sub3A_797 = arith.subi %sub3A_796, %min3A_790 : vector<16xi32>
      %mul3A_798 = arith.muli %sub3A_797, %min3A_794 : vector<16xi32>
      %sub3A_799 = arith.constant 1 : i32
      %sub3A_800 = vector.broadcast %sub3A_799 : i32 to vector<16xi32>
      %sub3A_801 = arith.subi %sub3A_800, %mul3A_798 : vector<16xi32>
      %mul3A_802 = arith.muli %mul3A_776, %sub3A_801 : vector<16xi32>
      %sub3A_803 = arith.constant 5 : i32
      %sub3A_804 = vector.broadcast %sub3A_803 : i32 to vector<16xi32>
      %sub3A_805 = arith.subi %iota3A, %sub3A_804 : vector<16xi32>
      %max3A_806 = arith.constant 0 : i32
      %max3A_807 = vector.broadcast %max3A_806 : i32 to vector<16xi32>
      %max3A_808 = arith.maxsi %sub3A_805, %max3A_807 : vector<16xi32>
      %broadcast_in_dim3A_809 = vector.shape_cast %max3A_808 : vector<16xi32> to vector<16x1xi32>
      %gather3A_810 = vector.shape_cast %broadcast_in_dim3A_809 : vector<16x1xi32> to vector<16xi32>
      %gather3A_811 = tpu.dynamic_gather %get3A_685[%gather3A_810] in [0] : vector<16xi32>, vector<16xi32> -> vector<16xi32>
      %sub3A_812 = arith.subi %gather3A_811, %get3A_685 : vector<16xi32>
      %abs3A_813 = math.absi %sub3A_812 : vector<16xi32>
      %min3A_814 = arith.constant 1 : i32
      %min3A_815 = vector.broadcast %min3A_814 : i32 to vector<16xi32>
      %min3A_816 = arith.minsi %abs3A_813, %min3A_815 : vector<16xi32>
      %sub3A_817 = arith.subi %iota3A, %max3A_808 : vector<16xi32>
      %min3A_818 = arith.constant 1 : i32
      %min3A_819 = vector.broadcast %min3A_818 : i32 to vector<16xi32>
      %min3A_820 = arith.minsi %sub3A_817, %min3A_819 : vector<16xi32>
      %sub3A_821 = arith.constant 1 : i32
      %sub3A_822 = vector.broadcast %sub3A_821 : i32 to vector<16xi32>
      %sub3A_823 = arith.subi %sub3A_822, %min3A_816 : vector<16xi32>
      %mul3A_824 = arith.muli %sub3A_823, %min3A_820 : vector<16xi32>
      %sub3A_825 = arith.constant 1 : i32
      %sub3A_826 = vector.broadcast %sub3A_825 : i32 to vector<16xi32>
      %sub3A_827 = arith.subi %sub3A_826, %mul3A_824 : vector<16xi32>
      %mul3A_828 = arith.muli %mul3A_802, %sub3A_827 : vector<16xi32>
      %sub3A_829 = arith.constant 6 : i32
      %sub3A_830 = vector.broadcast %sub3A_829 : i32 to vector<16xi32>
      %sub3A_831 = arith.subi %iota3A, %sub3A_830 : vector<16xi32>
      %max3A_832 = arith.constant 0 : i32
      %max3A_833 = vector.broadcast %max3A_832 : i32 to vector<16xi32>
      %max3A_834 = arith.maxsi %sub3A_831, %max3A_833 : vector<16xi32>
      %broadcast_in_dim3A_835 = vector.shape_cast %max3A_834 : vector<16xi32> to vector<16x1xi32>
      %gather3A_836 = vector.shape_cast %broadcast_in_dim3A_835 : vector<16x1xi32> to vector<16xi32>
      %gather3A_837 = tpu.dynamic_gather %get3A_685[%gather3A_836] in [0] : vector<16xi32>, vector<16xi32> -> vector<16xi32>
      %sub3A_838 = arith.subi %gather3A_837, %get3A_685 : vector<16xi32>
      %abs3A_839 = math.absi %sub3A_838 : vector<16xi32>
      %min3A_840 = arith.constant 1 : i32
      %min3A_841 = vector.broadcast %min3A_840 : i32 to vector<16xi32>
      %min3A_842 = arith.minsi %abs3A_839, %min3A_841 : vector<16xi32>
      %sub3A_843 = arith.subi %iota3A, %max3A_834 : vector<16xi32>
      %min3A_844 = arith.constant 1 : i32
      %min3A_845 = vector.broadcast %min3A_844 : i32 to vector<16xi32>
      %min3A_846 = arith.minsi %sub3A_843, %min3A_845 : vector<16xi32>
      %sub3A_847 = arith.constant 1 : i32
      %sub3A_848 = vector.broadcast %sub3A_847 : i32 to vector<16xi32>
      %sub3A_849 = arith.subi %sub3A_848, %min3A_842 : vector<16xi32>
      %mul3A_850 = arith.muli %sub3A_849, %min3A_846 : vector<16xi32>
      %sub3A_851 = arith.constant 1 : i32
      %sub3A_852 = vector.broadcast %sub3A_851 : i32 to vector<16xi32>
      %sub3A_853 = arith.subi %sub3A_852, %mul3A_850 : vector<16xi32>
      %mul3A_854 = arith.muli %mul3A_828, %sub3A_853 : vector<16xi32>
      %sub3A_855 = arith.constant 7 : i32
      %sub3A_856 = vector.broadcast %sub3A_855 : i32 to vector<16xi32>
      %sub3A_857 = arith.subi %iota3A, %sub3A_856 : vector<16xi32>
      %max3A_858 = arith.constant 0 : i32
      %max3A_859 = vector.broadcast %max3A_858 : i32 to vector<16xi32>
      %max3A_860 = arith.maxsi %sub3A_857, %max3A_859 : vector<16xi32>
      %broadcast_in_dim3A_861 = vector.shape_cast %max3A_860 : vector<16xi32> to vector<16x1xi32>
      %gather3A_862 = vector.shape_cast %broadcast_in_dim3A_861 : vector<16x1xi32> to vector<16xi32>
      %gather3A_863 = tpu.dynamic_gather %get3A_685[%gather3A_862] in [0] : vector<16xi32>, vector<16xi32> -> vector<16xi32>
      %sub3A_864 = arith.subi %gather3A_863, %get3A_685 : vector<16xi32>
      %abs3A_865 = math.absi %sub3A_864 : vector<16xi32>
      %min3A_866 = arith.constant 1 : i32
      %min3A_867 = vector.broadcast %min3A_866 : i32 to vector<16xi32>
      %min3A_868 = arith.minsi %abs3A_865, %min3A_867 : vector<16xi32>
      %sub3A_869 = arith.subi %iota3A, %max3A_860 : vector<16xi32>
      %min3A_870 = arith.constant 1 : i32
      %min3A_871 = vector.broadcast %min3A_870 : i32 to vector<16xi32>
      %min3A_872 = arith.minsi %sub3A_869, %min3A_871 : vector<16xi32>
      %sub3A_873 = arith.constant 1 : i32
      %sub3A_874 = vector.broadcast %sub3A_873 : i32 to vector<16xi32>
      %sub3A_875 = arith.subi %sub3A_874, %min3A_868 : vector<16xi32>
      %mul3A_876 = arith.muli %sub3A_875, %min3A_872 : vector<16xi32>
      %sub3A_877 = arith.constant 1 : i32
      %sub3A_878 = vector.broadcast %sub3A_877 : i32 to vector<16xi32>
      %sub3A_879 = arith.subi %sub3A_878, %mul3A_876 : vector<16xi32>
      %mul3A_880 = arith.muli %mul3A_854, %sub3A_879 : vector<16xi32>
      %convert_element_type3A_881 = arith.sitofp %mul3A_880 : vector<16xi32> to vector<16xf32>
      %swap3A_882 = arith.constant 32 : index
      %swap3A_883 = tpu.vector_load %arg17[%swap3A_882] {strides = array<i32>} : memref<128xf32, #tpu.memory_space<vmem>>, vector<16xf32>,
      %swap3A_884 = vector.shape_cast %swap3A_883 : vector<16xf32> to vector<16xf32>
      %swap3A_885 = vector.shape_cast %convert_element_type3A_881 : vector<16xf32> to vector<16xf32>
      tpu.vector_store %arg17[%swap3A_882], %swap3A_885 {strides = array<i32>} : memref<128xf32, #tpu.memory_space<vmem>>, vector<16xf32>,
      %get3A_886 = arith.constant 48 : index
      %get3A_887 = tpu.vector_load %arg15[%get3A_886] {strides = array<i32>} : memref<128xi32, #tpu.memory_space<vmem>>, vector<16xi32>,
      %get3A_888 = vector.shape_cast %get3A_887 : vector<16xi32> to vector<16xi32>
      %and3A_889 = arith.constant 127 : i32
      %and3A_890 = vector.broadcast %and3A_889 : i32 to vector<16xi32>
      %and3A_891 = arith.andi %get3A_888, %and3A_890 : vector<16xi32>
      %convert_element_type3A_892 = arith.sitofp %and3A_891 : vector<16xi32> to vector<16xf32>
      %swap3A_893 = arith.constant 48 : index
      %swap3A_894 = tpu.vector_load %arg16[%swap3A_893] {strides = array<i32>} : memref<128xf32, #tpu.memory_space<vmem>>, vector<16xf32>,
      %swap3A_895 = vector.shape_cast %swap3A_894 : vector<16xf32> to vector<16xf32>
      %swap3A_896 = vector.shape_cast %convert_element_type3A_892 : vector<16xf32> to vector<16xf32>
      tpu.vector_store %arg16[%swap3A_893], %swap3A_896 {strides = array<i32>} : memref<128xf32, #tpu.memory_space<vmem>>, vector<16xf32>,
      %add3A_897 = arith.constant 48 : i32
      %add3A_898 = vector.broadcast %add3A_897 : i32 to vector<16xi32>
      %add3A_899 = arith.addi %iota3A, %add3A_898 : vector<16xi32>
      %broadcast_in_dim3A_900 = arith.constant 1 : i32
      %broadcast_in_dim3A_901 = vector.broadcast %broadcast_in_dim3A_900 : i32 to vector<16xi32>
      %sub3A_902 = arith.constant 1 : i32
      %sub3A_903 = vector.broadcast %sub3A_902 : i32 to vector<16xi32>
      %sub3A_904 = arith.subi %iota3A, %sub3A_903 : vector<16xi32>
      %max3A_905 = arith.constant 0 : i32
      %max3A_906 = vector.broadcast %max3A_905 : i32 to vector<16xi32>
      %max3A_907 = arith.maxsi %sub3A_904, %max3A_906 : vector<16xi32>
      %broadcast_in_dim3A_908 = vector.shape_cast %max3A_907 : vector<16xi32> to vector<16x1xi32>
      %gather3A_909 = vector.shape_cast %broadcast_in_dim3A_908 : vector<16x1xi32> to vector<16xi32>
      %gather3A_910 = tpu.dynamic_gather %get3A_888[%gather3A_909] in [0] : vector<16xi32>, vector<16xi32> -> vector<16xi32>
      %sub3A_911 = arith.subi %gather3A_910, %get3A_888 : vector<16xi32>
      %abs3A_912 = math.absi %sub3A_911 : vector<16xi32>
      %min3A_913 = arith.constant 1 : i32
      %min3A_914 = vector.broadcast %min3A_913 : i32 to vector<16xi32>
      %min3A_915 = arith.minsi %abs3A_912, %min3A_914 : vector<16xi32>
      %sub3A_916 = arith.subi %iota3A, %max3A_907 : vector<16xi32>
      %min3A_917 = arith.constant 1 : i32
      %min3A_918 = vector.broadcast %min3A_917 : i32 to vector<16xi32>
      %min3A_919 = arith.minsi %sub3A_916, %min3A_918 : vector<16xi32>
      %sub3A_920 = arith.constant 1 : i32
      %sub3A_921 = vector.broadcast %sub3A_920 : i32 to vector<16xi32>
      %sub3A_922 = arith.subi %sub3A_921, %min3A_915 : vector<16xi32>
      %mul3A_923 = arith.muli %sub3A_922, %min3A_919 : vector<16xi32>
      %sub3A_924 = arith.constant 1 : i32
      %sub3A_925 = vector.broadcast %sub3A_924 : i32 to vector<16xi32>
      %sub3A_926 = arith.subi %sub3A_925, %mul3A_923 : vector<16xi32>
      %mul3A_927 = arith.muli %broadcast_in_dim3A_901, %sub3A_926 : vector<16xi32>
      %sub3A_928 = arith.constant 2 : i32
      %sub3A_929 = vector.broadcast %sub3A_928 : i32 to vector<16xi32>
      %sub3A_930 = arith.subi %iota3A, %sub3A_929 : vector<16xi32>
      %max3A_931 = arith.constant 0 : i32
      %max3A_932 = vector.broadcast %max3A_931 : i32 to vector<16xi32>
      %max3A_933 = arith.maxsi %sub3A_930, %max3A_932 : vector<16xi32>
      %broadcast_in_dim3A_934 = vector.shape_cast %max3A_933 : vector<16xi32> to vector<16x1xi32>
      %gather3A_935 = vector.shape_cast %broadcast_in_dim3A_934 : vector<16x1xi32> to vector<16xi32>
      %gather3A_936 = tpu.dynamic_gather %get3A_888[%gather3A_935] in [0] : vector<16xi32>, vector<16xi32> -> vector<16xi32>
      %sub3A_937 = arith.subi %gather3A_936, %get3A_888 : vector<16xi32>
      %abs3A_938 = math.absi %sub3A_937 : vector<16xi32>
      %min3A_939 = arith.constant 1 : i32
      %min3A_940 = vector.broadcast %min3A_939 : i32 to vector<16xi32>
      %min3A_941 = arith.minsi %abs3A_938, %min3A_940 : vector<16xi32>
      %sub3A_942 = arith.subi %iota3A, %max3A_933 : vector<16xi32>
      %min3A_943 = arith.constant 1 : i32
      %min3A_944 = vector.broadcast %min3A_943 : i32 to vector<16xi32>
      %min3A_945 = arith.minsi %sub3A_942, %min3A_944 : vector<16xi32>
      %sub3A_946 = arith.constant 1 : i32
      %sub3A_947 = vector.broadcast %sub3A_946 : i32 to vector<16xi32>
      %sub3A_948 = arith.subi %sub3A_947, %min3A_941 : vector<16xi32>
      %mul3A_949 = arith.muli %sub3A_948, %min3A_945 : vector<16xi32>
      %sub3A_950 = arith.constant 1 : i32
      %sub3A_951 = vector.broadcast %sub3A_950 : i32 to vector<16xi32>
      %sub3A_952 = arith.subi %sub3A_951, %mul3A_949 : vector<16xi32>
      %mul3A_953 = arith.muli %mul3A_927, %sub3A_952 : vector<16xi32>
      %sub3A_954 = arith.constant 3 : i32
      %sub3A_955 = vector.broadcast %sub3A_954 : i32 to vector<16xi32>
      %sub3A_956 = arith.subi %iota3A, %sub3A_955 : vector<16xi32>
      %max3A_957 = arith.constant 0 : i32
      %max3A_958 = vector.broadcast %max3A_957 : i32 to vector<16xi32>
      %max3A_959 = arith.maxsi %sub3A_956, %max3A_958 : vector<16xi32>
      %broadcast_in_dim3A_960 = vector.shape_cast %max3A_959 : vector<16xi32> to vector<16x1xi32>
      %gather3A_961 = vector.shape_cast %broadcast_in_dim3A_960 : vector<16x1xi32> to vector<16xi32>
      %gather3A_962 = tpu.dynamic_gather %get3A_888[%gather3A_961] in [0] : vector<16xi32>, vector<16xi32> -> vector<16xi32>
      %sub3A_963 = arith.subi %gather3A_962, %get3A_888 : vector<16xi32>
      %abs3A_964 = math.absi %sub3A_963 : vector<16xi32>
      %min3A_965 = arith.constant 1 : i32
      %min3A_966 = vector.broadcast %min3A_965 : i32 to vector<16xi32>
      %min3A_967 = arith.minsi %abs3A_964, %min3A_966 : vector<16xi32>
      %sub3A_968 = arith.subi %iota3A, %max3A_959 : vector<16xi32>
      %min3A_969 = arith.constant 1 : i32
      %min3A_970 = vector.broadcast %min3A_969 : i32 to vector<16xi32>
      %min3A_971 = arith.minsi %sub3A_968, %min3A_970 : vector<16xi32>
      %sub3A_972 = arith.constant 1 : i32
      %sub3A_973 = vector.broadcast %sub3A_972 : i32 to vector<16xi32>
      %sub3A_974 = arith.subi %sub3A_973, %min3A_967 : vector<16xi32>
      %mul3A_975 = arith.muli %sub3A_974, %min3A_971 : vector<16xi32>
      %sub3A_976 = arith.constant 1 : i32
      %sub3A_977 = vector.broadcast %sub3A_976 : i32 to vector<16xi32>
      %sub3A_978 = arith.subi %sub3A_977, %mul3A_975 : vector<16xi32>
      %mul3A_979 = arith.muli %mul3A_953, %sub3A_978 : vector<16xi32>
      %sub3A_980 = arith.constant 4 : i32
      %sub3A_981 = vector.broadcast %sub3A_980 : i32 to vector<16xi32>
      %sub3A_982 = arith.subi %iota3A, %sub3A_981 : vector<16xi32>
      %max3A_983 = arith.constant 0 : i32
      %max3A_984 = vector.broadcast %max3A_983 : i32 to vector<16xi32>
      %max3A_985 = arith.maxsi %sub3A_982, %max3A_984 : vector<16xi32>
      %broadcast_in_dim3A_986 = vector.shape_cast %max3A_985 : vector<16xi32> to vector<16x1xi32>
      %gather3A_987 = vector.shape_cast %broadcast_in_dim3A_986 : vector<16x1xi32> to vector<16xi32>
      %gather3A_988 = tpu.dynamic_gather %get3A_888[%gather3A_987] in [0] : vector<16xi32>, vector<16xi32> -> vector<16xi32>
      %sub3A_989 = arith.subi %gather3A_988, %get3A_888 : vector<16xi32>
      %abs3A_990 = math.absi %sub3A_989 : vector<16xi32>
      %min3A_991 = arith.constant 1 : i32
      %min3A_992 = vector.broadcast %min3A_991 : i32 to vector<16xi32>
      %min3A_993 = arith.minsi %abs3A_990, %min3A_992 : vector<16xi32>
      %sub3A_994 = arith.subi %iota3A, %max3A_985 : vector<16xi32>
      %min3A_995 = arith.constant 1 : i32
      %min3A_996 = vector.broadcast %min3A_995 : i32 to vector<16xi32>
      %min3A_997 = arith.minsi %sub3A_994, %min3A_996 : vector<16xi32>
      %sub3A_998 = arith.constant 1 : i32
      %sub3A_999 = vector.broadcast %sub3A_998 : i32 to vector<16xi32>
      %sub3A_1000 = arith.subi %sub3A_999, %min3A_993 : vector<16xi32>
      %mul3A_1001 = arith.muli %sub3A_1000, %min3A_997 : vector<16xi32>
      %sub3A_1002 = arith.constant 1 : i32
      %sub3A_1003 = vector.broadcast %sub3A_1002 : i32 to vector<16xi32>
      %sub3A_1004 = arith.subi %sub3A_1003, %mul3A_1001 : vector<16xi32>
      %mul3A_1005 = arith.muli %mul3A_979, %sub3A_1004 : vector<16xi32>
      %sub3A_1006 = arith.constant 5 : i32
      %sub3A_1007 = vector.broadcast %sub3A_1006 : i32 to vector<16xi32>
      %sub3A_1008 = arith.subi %iota3A, %sub3A_1007 : vector<16xi32>
      %max3A_1009 = arith.constant 0 : i32
      %max3A_1010 = vector.broadcast %max3A_1009 : i32 to vector<16xi32>
      %max3A_1011 = arith.maxsi %sub3A_1008, %max3A_1010 : vector<16xi32>
      %broadcast_in_dim3A_1012 = vector.shape_cast %max3A_1011 : vector<16xi32> to vector<16x1xi32>
      %gather3A_1013 = vector.shape_cast %broadcast_in_dim3A_1012 : vector<16x1xi32> to vector<16xi32>
      %gather3A_1014 = tpu.dynamic_gather %get3A_888[%gather3A_1013] in [0] : vector<16xi32>, vector<16xi32> -> vector<16xi32>
      %sub3A_1015 = arith.subi %gather3A_1014, %get3A_888 : vector<16xi32>
      %abs3A_1016 = math.absi %sub3A_1015 : vector<16xi32>
      %min3A_1017 = arith.constant 1 : i32
      %min3A_1018 = vector.broadcast %min3A_1017 : i32 to vector<16xi32>
      %min3A_1019 = arith.minsi %abs3A_1016, %min3A_1018 : vector<16xi32>
      %sub3A_1020 = arith.subi %iota3A, %max3A_1011 : vector<16xi32>
      %min3A_1021 = arith.constant 1 : i32
      %min3A_1022 = vector.broadcast %min3A_1021 : i32 to vector<16xi32>
      %min3A_1023 = arith.minsi %sub3A_1020, %min3A_1022 : vector<16xi32>
      %sub3A_1024 = arith.constant 1 : i32
      %sub3A_1025 = vector.broadcast %sub3A_1024 : i32 to vector<16xi32>
      %sub3A_1026 = arith.subi %sub3A_1025, %min3A_1019 : vector<16xi32>
      %mul3A_1027 = arith.muli %sub3A_1026, %min3A_1023 : vector<16xi32>
      %sub3A_1028 = arith.constant 1 : i32
      %sub3A_1029 = vector.broadcast %sub3A_1028 : i32 to vector<16xi32>
      %sub3A_1030 = arith.subi %sub3A_1029, %mul3A_1027 : vector<16xi32>
      %mul3A_1031 = arith.muli %mul3A_1005, %sub3A_1030 : vector<16xi32>
      %sub3A_1032 = arith.constant 6 : i32
      %sub3A_1033 = vector.broadcast %sub3A_1032 : i32 to vector<16xi32>
      %sub3A_1034 = arith.subi %iota3A, %sub3A_1033 : vector<16xi32>
      %max3A_1035 = arith.constant 0 : i32
      %max3A_1036 = vector.broadcast %max3A_1035 : i32 to vector<16xi32>
      %max3A_1037 = arith.maxsi %sub3A_1034, %max3A_1036 : vector<16xi32>
      %broadcast_in_dim3A_1038 = vector.shape_cast %max3A_1037 : vector<16xi32> to vector<16x1xi32>
      %gather3A_1039 = vector.shape_cast %broadcast_in_dim3A_1038 : vector<16x1xi32> to vector<16xi32>
      %gather3A_1040 = tpu.dynamic_gather %get3A_888[%gather3A_1039] in [0] : vector<16xi32>, vector<16xi32> -> vector<16xi32>
      %sub3A_1041 = arith.subi %gather3A_1040, %get3A_888 : vector<16xi32>
      %abs3A_1042 = math.absi %sub3A_1041 : vector<16xi32>
      %min3A_1043 = arith.constant 1 : i32
      %min3A_1044 = vector.broadcast %min3A_1043 : i32 to vector<16xi32>
      %min3A_1045 = arith.minsi %abs3A_1042, %min3A_1044 : vector<16xi32>
      %sub3A_1046 = arith.subi %iota3A, %max3A_1037 : vector<16xi32>
      %min3A_1047 = arith.constant 1 : i32
      %min3A_1048 = vector.broadcast %min3A_1047 : i32 to vector<16xi32>
      %min3A_1049 = arith.minsi %sub3A_1046, %min3A_1048 : vector<16xi32>
      %sub3A_1050 = arith.constant 1 : i32
      %sub3A_1051 = vector.broadcast %sub3A_1050 : i32 to vector<16xi32>
      %sub3A_1052 = arith.subi %sub3A_1051, %min3A_1045 : vector<16xi32>
      %mul3A_1053 = arith.muli %sub3A_1052, %min3A_1049 : vector<16xi32>
      %sub3A_1054 = arith.constant 1 : i32
      %sub3A_1055 = vector.broadcast %sub3A_1054 : i32 to vector<16xi32>
      %sub3A_1056 = arith.subi %sub3A_1055, %mul3A_1053 : vector<16xi32>
      %mul3A_1057 = arith.muli %mul3A_1031, %sub3A_1056 : vector<16xi32>
      %sub3A_1058 = arith.constant 7 : i32
      %sub3A_1059 = vector.broadcast %sub3A_1058 : i32 to vector<16xi32>
      %sub3A_1060 = arith.subi %iota3A, %sub3A_1059 : vector<16xi32>
      %max3A_1061 = arith.constant 0 : i32
      %max3A_1062 = vector.broadcast %max3A_1061 : i32 to vector<16xi32>
      %max3A_1063 = arith.maxsi %sub3A_1060, %max3A_1062 : vector<16xi32>
      %broadcast_in_dim3A_1064 = vector.shape_cast %max3A_1063 : vector<16xi32> to vector<16x1xi32>
      %gather3A_1065 = vector.shape_cast %broadcast_in_dim3A_1064 : vector<16x1xi32> to vector<16xi32>
      %gather3A_1066 = tpu.dynamic_gather %get3A_888[%gather3A_1065] in [0] : vector<16xi32>, vector<16xi32> -> vector<16xi32>
      %sub3A_1067 = arith.subi %gather3A_1066, %get3A_888 : vector<16xi32>
      %abs3A_1068 = math.absi %sub3A_1067 : vector<16xi32>
      %min3A_1069 = arith.constant 1 : i32
      %min3A_1070 = vector.broadcast %min3A_1069 : i32 to vector<16xi32>
      %min3A_1071 = arith.minsi %abs3A_1068, %min3A_1070 : vector<16xi32>
      %sub3A_1072 = arith.subi %iota3A, %max3A_1063 : vector<16xi32>
      %min3A_1073 = arith.constant 1 : i32
      %min3A_1074 = vector.broadcast %min3A_1073 : i32 to vector<16xi32>
      %min3A_1075 = arith.minsi %sub3A_1072, %min3A_1074 : vector<16xi32>
      %sub3A_1076 = arith.constant 1 : i32
      %sub3A_1077 = vector.broadcast %sub3A_1076 : i32 to vector<16xi32>
      %sub3A_1078 = arith.subi %sub3A_1077, %min3A_1071 : vector<16xi32>
      %mul3A_1079 = arith.muli %sub3A_1078, %min3A_1075 : vector<16xi32>
      %sub3A_1080 = arith.constant 1 : i32
      %sub3A_1081 = vector.broadcast %sub3A_1080 : i32 to vector<16xi32>
      %sub3A_1082 = arith.subi %sub3A_1081, %mul3A_1079 : vector<16xi32>
      %mul3A_1083 = arith.muli %mul3A_1057, %sub3A_1082 : vector<16xi32>
      %convert_element_type3A_1084 = arith.sitofp %mul3A_1083 : vector<16xi32> to vector<16xf32>
      %swap3A_1085 = arith.constant 48 : index
      %swap3A_1086 = tpu.vector_load %arg17[%swap3A_1085] {strides = array<i32>} : memref<128xf32, #tpu.memory_space<vmem>>, vector<16xf32>,
      %swap3A_1087 = vector.shape_cast %swap3A_1086 : vector<16xf32> to vector<16xf32>
      %swap3A_1088 = vector.shape_cast %convert_element_type3A_1084 : vector<16xf32> to vector<16xf32>
      tpu.vector_store %arg17[%swap3A_1085], %swap3A_1088 {strides = array<i32>} : memref<128xf32, #tpu.memory_space<vmem>>, vector<16xf32>,
      %get3A_1089 = arith.constant 64 : index
      %get3A_1090 = tpu.vector_load %arg15[%get3A_1089] {strides = array<i32>} : memref<128xi32, #tpu.memory_space<vmem>>, vector<16xi32>,
      %get3A_1091 = vector.shape_cast %get3A_1090 : vector<16xi32> to vector<16xi32>
      %and3A_1092 = arith.constant 127 : i32
      %and3A_1093 = vector.broadcast %and3A_1092 : i32 to vector<16xi32>
      %and3A_1094 = arith.andi %get3A_1091, %and3A_1093 : vector<16xi32>
      %convert_element_type3A_1095 = arith.sitofp %and3A_1094 : vector<16xi32> to vector<16xf32>
      %swap3A_1096 = arith.constant 64 : index
      %swap3A_1097 = tpu.vector_load %arg16[%swap3A_1096] {strides = array<i32>} : memref<128xf32, #tpu.memory_space<vmem>>, vector<16xf32>,
      %swap3A_1098 = vector.shape_cast %swap3A_1097 : vector<16xf32> to vector<16xf32>
      %swap3A_1099 = vector.shape_cast %convert_element_type3A_1095 : vector<16xf32> to vector<16xf32>
      tpu.vector_store %arg16[%swap3A_1096], %swap3A_1099 {strides = array<i32>} : memref<128xf32, #tpu.memory_space<vmem>>, vector<16xf32>,
      %add3A_1100 = arith.constant 64 : i32
      %add3A_1101 = vector.broadcast %add3A_1100 : i32 to vector<16xi32>
      %add3A_1102 = arith.addi %iota3A, %add3A_1101 : vector<16xi32>
      %broadcast_in_dim3A_1103 = arith.constant 1 : i32
      %broadcast_in_dim3A_1104 = vector.broadcast %broadcast_in_dim3A_1103 : i32 to vector<16xi32>
      %sub3A_1105 = arith.constant 1 : i32
      %sub3A_1106 = vector.broadcast %sub3A_1105 : i32 to vector<16xi32>
      %sub3A_1107 = arith.subi %iota3A, %sub3A_1106 : vector<16xi32>
      %max3A_1108 = arith.constant 0 : i32
      %max3A_1109 = vector.broadcast %max3A_1108 : i32 to vector<16xi32>
      %max3A_1110 = arith.maxsi %sub3A_1107, %max3A_1109 : vector<16xi32>
      %broadcast_in_dim3A_1111 = vector.shape_cast %max3A_1110 : vector<16xi32> to vector<16x1xi32>
      %gather3A_1112 = vector.shape_cast %broadcast_in_dim3A_1111 : vector<16x1xi32> to vector<16xi32>
      %gather3A_1113 = tpu.dynamic_gather %get3A_1091[%gather3A_1112] in [0] : vector<16xi32>, vector<16xi32> -> vector<16xi32>
      %sub3A_1114 = arith.subi %gather3A_1113, %get3A_1091 : vector<16xi32>
      %abs3A_1115 = math.absi %sub3A_1114 : vector<16xi32>
      %min3A_1116 = arith.constant 1 : i32
      %min3A_1117 = vector.broadcast %min3A_1116 : i32 to vector<16xi32>
      %min3A_1118 = arith.minsi %abs3A_1115, %min3A_1117 : vector<16xi32>
      %sub3A_1119 = arith.subi %iota3A, %max3A_1110 : vector<16xi32>
      %min3A_1120 = arith.constant 1 : i32
      %min3A_1121 = vector.broadcast %min3A_1120 : i32 to vector<16xi32>
      %min3A_1122 = arith.minsi %sub3A_1119, %min3A_1121 : vector<16xi32>
      %sub3A_1123 = arith.constant 1 : i32
      %sub3A_1124 = vector.broadcast %sub3A_1123 : i32 to vector<16xi32>
      %sub3A_1125 = arith.subi %sub3A_1124, %min3A_1118 : vector<16xi32>
      %mul3A_1126 = arith.muli %sub3A_1125, %min3A_1122 : vector<16xi32>
      %sub3A_1127 = arith.constant 1 : i32
      %sub3A_1128 = vector.broadcast %sub3A_1127 : i32 to vector<16xi32>
      %sub3A_1129 = arith.subi %sub3A_1128, %mul3A_1126 : vector<16xi32>
      %mul3A_1130 = arith.muli %broadcast_in_dim3A_1104, %sub3A_1129 : vector<16xi32>
      %sub3A_1131 = arith.constant 2 : i32
      %sub3A_1132 = vector.broadcast %sub3A_1131 : i32 to vector<16xi32>
      %sub3A_1133 = arith.subi %iota3A, %sub3A_1132 : vector<16xi32>
      %max3A_1134 = arith.constant 0 : i32
      %max3A_1135 = vector.broadcast %max3A_1134 : i32 to vector<16xi32>
      %max3A_1136 = arith.maxsi %sub3A_1133, %max3A_1135 : vector<16xi32>
      %broadcast_in_dim3A_1137 = vector.shape_cast %max3A_1136 : vector<16xi32> to vector<16x1xi32>
      %gather3A_1138 = vector.shape_cast %broadcast_in_dim3A_1137 : vector<16x1xi32> to vector<16xi32>
      %gather3A_1139 = tpu.dynamic_gather %get3A_1091[%gather3A_1138] in [0] : vector<16xi32>, vector<16xi32> -> vector<16xi32>
      %sub3A_1140 = arith.subi %gather3A_1139, %get3A_1091 : vector<16xi32>
      %abs3A_1141 = math.absi %sub3A_1140 : vector<16xi32>
      %min3A_1142 = arith.constant 1 : i32
      %min3A_1143 = vector.broadcast %min3A_1142 : i32 to vector<16xi32>
      %min3A_1144 = arith.minsi %abs3A_1141, %min3A_1143 : vector<16xi32>
      %sub3A_1145 = arith.subi %iota3A, %max3A_1136 : vector<16xi32>
      %min3A_1146 = arith.constant 1 : i32
      %min3A_1147 = vector.broadcast %min3A_1146 : i32 to vector<16xi32>
      %min3A_1148 = arith.minsi %sub3A_1145, %min3A_1147 : vector<16xi32>
      %sub3A_1149 = arith.constant 1 : i32
      %sub3A_1150 = vector.broadcast %sub3A_1149 : i32 to vector<16xi32>
      %sub3A_1151 = arith.subi %sub3A_1150, %min3A_1144 : vector<16xi32>
      %mul3A_1152 = arith.muli %sub3A_1151, %min3A_1148 : vector<16xi32>
      %sub3A_1153 = arith.constant 1 : i32
      %sub3A_1154 = vector.broadcast %sub3A_1153 : i32 to vector<16xi32>
      %sub3A_1155 = arith.subi %sub3A_1154, %mul3A_1152 : vector<16xi32>
      %mul3A_1156 = arith.muli %mul3A_1130, %sub3A_1155 : vector<16xi32>
      %sub3A_1157 = arith.constant 3 : i32
      %sub3A_1158 = vector.broadcast %sub3A_1157 : i32 to vector<16xi32>
      %sub3A_1159 = arith.subi %iota3A, %sub3A_1158 : vector<16xi32>
      %max3A_1160 = arith.constant 0 : i32
      %max3A_1161 = vector.broadcast %max3A_1160 : i32 to vector<16xi32>
      %max3A_1162 = arith.maxsi %sub3A_1159, %max3A_1161 : vector<16xi32>
      %broadcast_in_dim3A_1163 = vector.shape_cast %max3A_1162 : vector<16xi32> to vector<16x1xi32>
      %gather3A_1164 = vector.shape_cast %broadcast_in_dim3A_1163 : vector<16x1xi32> to vector<16xi32>
      %gather3A_1165 = tpu.dynamic_gather %get3A_1091[%gather3A_1164] in [0] : vector<16xi32>, vector<16xi32> -> vector<16xi32>
      %sub3A_1166 = arith.subi %gather3A_1165, %get3A_1091 : vector<16xi32>
      %abs3A_1167 = math.absi %sub3A_1166 : vector<16xi32>
      %min3A_1168 = arith.constant 1 : i32
      %min3A_1169 = vector.broadcast %min3A_1168 : i32 to vector<16xi32>
      %min3A_1170 = arith.minsi %abs3A_1167, %min3A_1169 : vector<16xi32>
      %sub3A_1171 = arith.subi %iota3A, %max3A_1162 : vector<16xi32>
      %min3A_1172 = arith.constant 1 : i32
      %min3A_1173 = vector.broadcast %min3A_1172 : i32 to vector<16xi32>
      %min3A_1174 = arith.minsi %sub3A_1171, %min3A_1173 : vector<16xi32>
      %sub3A_1175 = arith.constant 1 : i32
      %sub3A_1176 = vector.broadcast %sub3A_1175 : i32 to vector<16xi32>
      %sub3A_1177 = arith.subi %sub3A_1176, %min3A_1170 : vector<16xi32>
      %mul3A_1178 = arith.muli %sub3A_1177, %min3A_1174 : vector<16xi32>
      %sub3A_1179 = arith.constant 1 : i32
      %sub3A_1180 = vector.broadcast %sub3A_1179 : i32 to vector<16xi32>
      %sub3A_1181 = arith.subi %sub3A_1180, %mul3A_1178 : vector<16xi32>
      %mul3A_1182 = arith.muli %mul3A_1156, %sub3A_1181 : vector<16xi32>
      %sub3A_1183 = arith.constant 4 : i32
      %sub3A_1184 = vector.broadcast %sub3A_1183 : i32 to vector<16xi32>
      %sub3A_1185 = arith.subi %iota3A, %sub3A_1184 : vector<16xi32>
      %max3A_1186 = arith.constant 0 : i32
      %max3A_1187 = vector.broadcast %max3A_1186 : i32 to vector<16xi32>
      %max3A_1188 = arith.maxsi %sub3A_1185, %max3A_1187 : vector<16xi32>
      %broadcast_in_dim3A_1189 = vector.shape_cast %max3A_1188 : vector<16xi32> to vector<16x1xi32>
      %gather3A_1190 = vector.shape_cast %broadcast_in_dim3A_1189 : vector<16x1xi32> to vector<16xi32>
      %gather3A_1191 = tpu.dynamic_gather %get3A_1091[%gather3A_1190] in [0] : vector<16xi32>, vector<16xi32> -> vector<16xi32>
      %sub3A_1192 = arith.subi %gather3A_1191, %get3A_1091 : vector<16xi32>
      %abs3A_1193 = math.absi %sub3A_1192 : vector<16xi32>
      %min3A_1194 = arith.constant 1 : i32
      %min3A_1195 = vector.broadcast %min3A_1194 : i32 to vector<16xi32>
      %min3A_1196 = arith.minsi %abs3A_1193, %min3A_1195 : vector<16xi32>
      %sub3A_1197 = arith.subi %iota3A, %max3A_1188 : vector<16xi32>
      %min3A_1198 = arith.constant 1 : i32
      %min3A_1199 = vector.broadcast %min3A_1198 : i32 to vector<16xi32>
      %min3A_1200 = arith.minsi %sub3A_1197, %min3A_1199 : vector<16xi32>
      %sub3A_1201 = arith.constant 1 : i32
      %sub3A_1202 = vector.broadcast %sub3A_1201 : i32 to vector<16xi32>
      %sub3A_1203 = arith.subi %sub3A_1202, %min3A_1196 : vector<16xi32>
      %mul3A_1204 = arith.muli %sub3A_1203, %min3A_1200 : vector<16xi32>
      %sub3A_1205 = arith.constant 1 : i32
      %sub3A_1206 = vector.broadcast %sub3A_1205 : i32 to vector<16xi32>
      %sub3A_1207 = arith.subi %sub3A_1206, %mul3A_1204 : vector<16xi32>
      %mul3A_1208 = arith.muli %mul3A_1182, %sub3A_1207 : vector<16xi32>
      %sub3A_1209 = arith.constant 5 : i32
      %sub3A_1210 = vector.broadcast %sub3A_1209 : i32 to vector<16xi32>
      %sub3A_1211 = arith.subi %iota3A, %sub3A_1210 : vector<16xi32>
      %max3A_1212 = arith.constant 0 : i32
      %max3A_1213 = vector.broadcast %max3A_1212 : i32 to vector<16xi32>
      %max3A_1214 = arith.maxsi %sub3A_1211, %max3A_1213 : vector<16xi32>
      %broadcast_in_dim3A_1215 = vector.shape_cast %max3A_1214 : vector<16xi32> to vector<16x1xi32>
      %gather3A_1216 = vector.shape_cast %broadcast_in_dim3A_1215 : vector<16x1xi32> to vector<16xi32>
      %gather3A_1217 = tpu.dynamic_gather %get3A_1091[%gather3A_1216] in [0] : vector<16xi32>, vector<16xi32> -> vector<16xi32>
      %sub3A_1218 = arith.subi %gather3A_1217, %get3A_1091 : vector<16xi32>
      %abs3A_1219 = math.absi %sub3A_1218 : vector<16xi32>
      %min3A_1220 = arith.constant 1 : i32
      %min3A_1221 = vector.broadcast %min3A_1220 : i32 to vector<16xi32>
      %min3A_1222 = arith.minsi %abs3A_1219, %min3A_1221 : vector<16xi32>
      %sub3A_1223 = arith.subi %iota3A, %max3A_1214 : vector<16xi32>
      %min3A_1224 = arith.constant 1 : i32
      %min3A_1225 = vector.broadcast %min3A_1224 : i32 to vector<16xi32>
      %min3A_1226 = arith.minsi %sub3A_1223, %min3A_1225 : vector<16xi32>
      %sub3A_1227 = arith.constant 1 : i32
      %sub3A_1228 = vector.broadcast %sub3A_1227 : i32 to vector<16xi32>
      %sub3A_1229 = arith.subi %sub3A_1228, %min3A_1222 : vector<16xi32>
      %mul3A_1230 = arith.muli %sub3A_1229, %min3A_1226 : vector<16xi32>
      %sub3A_1231 = arith.constant 1 : i32
      %sub3A_1232 = vector.broadcast %sub3A_1231 : i32 to vector<16xi32>
      %sub3A_1233 = arith.subi %sub3A_1232, %mul3A_1230 : vector<16xi32>
      %mul3A_1234 = arith.muli %mul3A_1208, %sub3A_1233 : vector<16xi32>
      %sub3A_1235 = arith.constant 6 : i32
      %sub3A_1236 = vector.broadcast %sub3A_1235 : i32 to vector<16xi32>
      %sub3A_1237 = arith.subi %iota3A, %sub3A_1236 : vector<16xi32>
      %max3A_1238 = arith.constant 0 : i32
      %max3A_1239 = vector.broadcast %max3A_1238 : i32 to vector<16xi32>
      %max3A_1240 = arith.maxsi %sub3A_1237, %max3A_1239 : vector<16xi32>
      %broadcast_in_dim3A_1241 = vector.shape_cast %max3A_1240 : vector<16xi32> to vector<16x1xi32>
      %gather3A_1242 = vector.shape_cast %broadcast_in_dim3A_1241 : vector<16x1xi32> to vector<16xi32>
      %gather3A_1243 = tpu.dynamic_gather %get3A_1091[%gather3A_1242] in [0] : vector<16xi32>, vector<16xi32> -> vector<16xi32>
      %sub3A_1244 = arith.subi %gather3A_1243, %get3A_1091 : vector<16xi32>
      %abs3A_1245 = math.absi %sub3A_1244 : vector<16xi32>
      %min3A_1246 = arith.constant 1 : i32
      %min3A_1247 = vector.broadcast %min3A_1246 : i32 to vector<16xi32>
      %min3A_1248 = arith.minsi %abs3A_1245, %min3A_1247 : vector<16xi32>
      %sub3A_1249 = arith.subi %iota3A, %max3A_1240 : vector<16xi32>
      %min3A_1250 = arith.constant 1 : i32
      %min3A_1251 = vector.broadcast %min3A_1250 : i32 to vector<16xi32>
      %min3A_1252 = arith.minsi %sub3A_1249, %min3A_1251 : vector<16xi32>
      %sub3A_1253 = arith.constant 1 : i32
      %sub3A_1254 = vector.broadcast %sub3A_1253 : i32 to vector<16xi32>
      %sub3A_1255 = arith.subi %sub3A_1254, %min3A_1248 : vector<16xi32>
      %mul3A_1256 = arith.muli %sub3A_1255, %min3A_1252 : vector<16xi32>
      %sub3A_1257 = arith.constant 1 : i32
      %sub3A_1258 = vector.broadcast %sub3A_1257 : i32 to vector<16xi32>
      %sub3A_1259 = arith.subi %sub3A_1258, %mul3A_1256 : vector<16xi32>
      %mul3A_1260 = arith.muli %mul3A_1234, %sub3A_1259 : vector<16xi32>
      %sub3A_1261 = arith.constant 7 : i32
      %sub3A_1262 = vector.broadcast %sub3A_1261 : i32 to vector<16xi32>
      %sub3A_1263 = arith.subi %iota3A, %sub3A_1262 : vector<16xi32>
      %max3A_1264 = arith.constant 0 : i32
      %max3A_1265 = vector.broadcast %max3A_1264 : i32 to vector<16xi32>
      %max3A_1266 = arith.maxsi %sub3A_1263, %max3A_1265 : vector<16xi32>
      %broadcast_in_dim3A_1267 = vector.shape_cast %max3A_1266 : vector<16xi32> to vector<16x1xi32>
      %gather3A_1268 = vector.shape_cast %broadcast_in_dim3A_1267 : vector<16x1xi32> to vector<16xi32>
      %gather3A_1269 = tpu.dynamic_gather %get3A_1091[%gather3A_1268] in [0] : vector<16xi32>, vector<16xi32> -> vector<16xi32>
      %sub3A_1270 = arith.subi %gather3A_1269, %get3A_1091 : vector<16xi32>
      %abs3A_1271 = math.absi %sub3A_1270 : vector<16xi32>
      %min3A_1272 = arith.constant 1 : i32
      %min3A_1273 = vector.broadcast %min3A_1272 : i32 to vector<16xi32>
      %min3A_1274 = arith.minsi %abs3A_1271, %min3A_1273 : vector<16xi32>
      %sub3A_1275 = arith.subi %iota3A, %max3A_1266 : vector<16xi32>
      %min3A_1276 = arith.constant 1 : i32
      %min3A_1277 = vector.broadcast %min3A_1276 : i32 to vector<16xi32>
      %min3A_1278 = arith.minsi %sub3A_1275, %min3A_1277 : vector<16xi32>
      %sub3A_1279 = arith.constant 1 : i32
      %sub3A_1280 = vector.broadcast %sub3A_1279 : i32 to vector<16xi32>
      %sub3A_1281 = arith.subi %sub3A_1280, %min3A_1274 : vector<16xi32>
      %mul3A_1282 = arith.muli %sub3A_1281, %min3A_1278 : vector<16xi32>
      %sub3A_1283 = arith.constant 1 : i32
      %sub3A_1284 = vector.broadcast %sub3A_1283 : i32 to vector<16xi32>
      %sub3A_1285 = arith.subi %sub3A_1284, %mul3A_1282 : vector<16xi32>
      %mul3A_1286 = arith.muli %mul3A_1260, %sub3A_1285 : vector<16xi32>
      %convert_element_type3A_1287 = arith.sitofp %mul3A_1286 : vector<16xi32> to vector<16xf32>
      %swap3A_1288 = arith.constant 64 : index
      %swap3A_1289 = tpu.vector_load %arg17[%swap3A_1288] {strides = array<i32>} : memref<128xf32, #tpu.memory_space<vmem>>, vector<16xf32>,
      %swap3A_1290 = vector.shape_cast %swap3A_1289 : vector<16xf32> to vector<16xf32>
      %swap3A_1291 = vector.shape_cast %convert_element_type3A_1287 : vector<16xf32> to vector<16xf32>
      tpu.vector_store %arg17[%swap3A_1288], %swap3A_1291 {strides = array<i32>} : memref<128xf32, #tpu.memory_space<vmem>>, vector<16xf32>,
      %get3A_1292 = arith.constant 80 : index
      %get3A_1293 = tpu.vector_load %arg15[%get3A_1292] {strides = array<i32>} : memref<128xi32, #tpu.memory_space<vmem>>, vector<16xi32>,
      %get3A_1294 = vector.shape_cast %get3A_1293 : vector<16xi32> to vector<16xi32>
      %and3A_1295 = arith.constant 127 : i32
      %and3A_1296 = vector.broadcast %and3A_1295 : i32 to vector<16xi32>
      %and3A_1297 = arith.andi %get3A_1294, %and3A_1296 : vector<16xi32>
      %convert_element_type3A_1298 = arith.sitofp %and3A_1297 : vector<16xi32> to vector<16xf32>
      %swap3A_1299 = arith.constant 80 : index
      %swap3A_1300 = tpu.vector_load %arg16[%swap3A_1299] {strides = array<i32>} : memref<128xf32, #tpu.memory_space<vmem>>, vector<16xf32>,
      %swap3A_1301 = vector.shape_cast %swap3A_1300 : vector<16xf32> to vector<16xf32>
      %swap3A_1302 = vector.shape_cast %convert_element_type3A_1298 : vector<16xf32> to vector<16xf32>
      tpu.vector_store %arg16[%swap3A_1299], %swap3A_1302 {strides = array<i32>} : memref<128xf32, #tpu.memory_space<vmem>>, vector<16xf32>,
      %add3A_1303 = arith.constant 80 : i32
      %add3A_1304 = vector.broadcast %add3A_1303 : i32 to vector<16xi32>
      %add3A_1305 = arith.addi %iota3A, %add3A_1304 : vector<16xi32>
      %broadcast_in_dim3A_1306 = arith.constant 1 : i32
      %broadcast_in_dim3A_1307 = vector.broadcast %broadcast_in_dim3A_1306 : i32 to vector<16xi32>
      %sub3A_1308 = arith.constant 1 : i32
      %sub3A_1309 = vector.broadcast %sub3A_1308 : i32 to vector<16xi32>
      %sub3A_1310 = arith.subi %iota3A, %sub3A_1309 : vector<16xi32>
      %max3A_1311 = arith.constant 0 : i32
      %max3A_1312 = vector.broadcast %max3A_1311 : i32 to vector<16xi32>
      %max3A_1313 = arith.maxsi %sub3A_1310, %max3A_1312 : vector<16xi32>
      %broadcast_in_dim3A_1314 = vector.shape_cast %max3A_1313 : vector<16xi32> to vector<16x1xi32>
      %gather3A_1315 = vector.shape_cast %broadcast_in_dim3A_1314 : vector<16x1xi32> to vector<16xi32>
      %gather3A_1316 = tpu.dynamic_gather %get3A_1294[%gather3A_1315] in [0] : vector<16xi32>, vector<16xi32> -> vector<16xi32>
      %sub3A_1317 = arith.subi %gather3A_1316, %get3A_1294 : vector<16xi32>
      %abs3A_1318 = math.absi %sub3A_1317 : vector<16xi32>
      %min3A_1319 = arith.constant 1 : i32
      %min3A_1320 = vector.broadcast %min3A_1319 : i32 to vector<16xi32>
      %min3A_1321 = arith.minsi %abs3A_1318, %min3A_1320 : vector<16xi32>
      %sub3A_1322 = arith.subi %iota3A, %max3A_1313 : vector<16xi32>
      %min3A_1323 = arith.constant 1 : i32
      %min3A_1324 = vector.broadcast %min3A_1323 : i32 to vector<16xi32>
      %min3A_1325 = arith.minsi %sub3A_1322, %min3A_1324 : vector<16xi32>
      %sub3A_1326 = arith.constant 1 : i32
      %sub3A_1327 = vector.broadcast %sub3A_1326 : i32 to vector<16xi32>
      %sub3A_1328 = arith.subi %sub3A_1327, %min3A_1321 : vector<16xi32>
      %mul3A_1329 = arith.muli %sub3A_1328, %min3A_1325 : vector<16xi32>
      %sub3A_1330 = arith.constant 1 : i32
      %sub3A_1331 = vector.broadcast %sub3A_1330 : i32 to vector<16xi32>
      %sub3A_1332 = arith.subi %sub3A_1331, %mul3A_1329 : vector<16xi32>
      %mul3A_1333 = arith.muli %broadcast_in_dim3A_1307, %sub3A_1332 : vector<16xi32>
      %sub3A_1334 = arith.constant 2 : i32
      %sub3A_1335 = vector.broadcast %sub3A_1334 : i32 to vector<16xi32>
      %sub3A_1336 = arith.subi %iota3A, %sub3A_1335 : vector<16xi32>
      %max3A_1337 = arith.constant 0 : i32
      %max3A_1338 = vector.broadcast %max3A_1337 : i32 to vector<16xi32>
      %max3A_1339 = arith.maxsi %sub3A_1336, %max3A_1338 : vector<16xi32>
      %broadcast_in_dim3A_1340 = vector.shape_cast %max3A_1339 : vector<16xi32> to vector<16x1xi32>
      %gather3A_1341 = vector.shape_cast %broadcast_in_dim3A_1340 : vector<16x1xi32> to vector<16xi32>
      %gather3A_1342 = tpu.dynamic_gather %get3A_1294[%gather3A_1341] in [0] : vector<16xi32>, vector<16xi32> -> vector<16xi32>
      %sub3A_1343 = arith.subi %gather3A_1342, %get3A_1294 : vector<16xi32>
      %abs3A_1344 = math.absi %sub3A_1343 : vector<16xi32>
      %min3A_1345 = arith.constant 1 : i32
      %min3A_1346 = vector.broadcast %min3A_1345 : i32 to vector<16xi32>
      %min3A_1347 = arith.minsi %abs3A_1344, %min3A_1346 : vector<16xi32>
      %sub3A_1348 = arith.subi %iota3A, %max3A_1339 : vector<16xi32>
      %min3A_1349 = arith.constant 1 : i32
      %min3A_1350 = vector.broadcast %min3A_1349 : i32 to vector<16xi32>
      %min3A_1351 = arith.minsi %sub3A_1348, %min3A_1350 : vector<16xi32>
      %sub3A_1352 = arith.constant 1 : i32
      %sub3A_1353 = vector.broadcast %sub3A_1352 : i32 to vector<16xi32>
      %sub3A_1354 = arith.subi %sub3A_1353, %min3A_1347 : vector<16xi32>
      %mul3A_1355 = arith.muli %sub3A_1354, %min3A_1351 : vector<16xi32>
      %sub3A_1356 = arith.constant 1 : i32
      %sub3A_1357 = vector.broadcast %sub3A_1356 : i32 to vector<16xi32>
      %sub3A_1358 = arith.subi %sub3A_1357, %mul3A_1355 : vector<16xi32>
      %mul3A_1359 = arith.muli %mul3A_1333, %sub3A_1358 : vector<16xi32>
      %sub3A_1360 = arith.constant 3 : i32
      %sub3A_1361 = vector.broadcast %sub3A_1360 : i32 to vector<16xi32>
      %sub3A_1362 = arith.subi %iota3A, %sub3A_1361 : vector<16xi32>
      %max3A_1363 = arith.constant 0 : i32
      %max3A_1364 = vector.broadcast %max3A_1363 : i32 to vector<16xi32>
      %max3A_1365 = arith.maxsi %sub3A_1362, %max3A_1364 : vector<16xi32>
      %broadcast_in_dim3A_1366 = vector.shape_cast %max3A_1365 : vector<16xi32> to vector<16x1xi32>
      %gather3A_1367 = vector.shape_cast %broadcast_in_dim3A_1366 : vector<16x1xi32> to vector<16xi32>
      %gather3A_1368 = tpu.dynamic_gather %get3A_1294[%gather3A_1367] in [0] : vector<16xi32>, vector<16xi32> -> vector<16xi32>
      %sub3A_1369 = arith.subi %gather3A_1368, %get3A_1294 : vector<16xi32>
      %abs3A_1370 = math.absi %sub3A_1369 : vector<16xi32>
      %min3A_1371 = arith.constant 1 : i32
      %min3A_1372 = vector.broadcast %min3A_1371 : i32 to vector<16xi32>
      %min3A_1373 = arith.minsi %abs3A_1370, %min3A_1372 : vector<16xi32>
      %sub3A_1374 = arith.subi %iota3A, %max3A_1365 : vector<16xi32>
      %min3A_1375 = arith.constant 1 : i32
      %min3A_1376 = vector.broadcast %min3A_1375 : i32 to vector<16xi32>
      %min3A_1377 = arith.minsi %sub3A_1374, %min3A_1376 : vector<16xi32>
      %sub3A_1378 = arith.constant 1 : i32
      %sub3A_1379 = vector.broadcast %sub3A_1378 : i32 to vector<16xi32>
      %sub3A_1380 = arith.subi %sub3A_1379, %min3A_1373 : vector<16xi32>
      %mul3A_1381 = arith.muli %sub3A_1380, %min3A_1377 : vector<16xi32>
      %sub3A_1382 = arith.constant 1 : i32
      %sub3A_1383 = vector.broadcast %sub3A_1382 : i32 to vector<16xi32>
      %sub3A_1384 = arith.subi %sub3A_1383, %mul3A_1381 : vector<16xi32>
      %mul3A_1385 = arith.muli %mul3A_1359, %sub3A_1384 : vector<16xi32>
      %sub3A_1386 = arith.constant 4 : i32
      %sub3A_1387 = vector.broadcast %sub3A_1386 : i32 to vector<16xi32>
      %sub3A_1388 = arith.subi %iota3A, %sub3A_1387 : vector<16xi32>
      %max3A_1389 = arith.constant 0 : i32
      %max3A_1390 = vector.broadcast %max3A_1389 : i32 to vector<16xi32>
      %max3A_1391 = arith.maxsi %sub3A_1388, %max3A_1390 : vector<16xi32>
      %broadcast_in_dim3A_1392 = vector.shape_cast %max3A_1391 : vector<16xi32> to vector<16x1xi32>
      %gather3A_1393 = vector.shape_cast %broadcast_in_dim3A_1392 : vector<16x1xi32> to vector<16xi32>
      %gather3A_1394 = tpu.dynamic_gather %get3A_1294[%gather3A_1393] in [0] : vector<16xi32>, vector<16xi32> -> vector<16xi32>
      %sub3A_1395 = arith.subi %gather3A_1394, %get3A_1294 : vector<16xi32>
      %abs3A_1396 = math.absi %sub3A_1395 : vector<16xi32>
      %min3A_1397 = arith.constant 1 : i32
      %min3A_1398 = vector.broadcast %min3A_1397 : i32 to vector<16xi32>
      %min3A_1399 = arith.minsi %abs3A_1396, %min3A_1398 : vector<16xi32>
      %sub3A_1400 = arith.subi %iota3A, %max3A_1391 : vector<16xi32>
      %min3A_1401 = arith.constant 1 : i32
      %min3A_1402 = vector.broadcast %min3A_1401 : i32 to vector<16xi32>
      %min3A_1403 = arith.minsi %sub3A_1400, %min3A_1402 : vector<16xi32>
      %sub3A_1404 = arith.constant 1 : i32
      %sub3A_1405 = vector.broadcast %sub3A_1404 : i32 to vector<16xi32>
      %sub3A_1406 = arith.subi %sub3A_1405, %min3A_1399 : vector<16xi32>
      %mul3A_1407 = arith.muli %sub3A_1406, %min3A_1403 : vector<16xi32>
      %sub3A_1408 = arith.constant 1 : i32
      %sub3A_1409 = vector.broadcast %sub3A_1408 : i32 to vector<16xi32>
      %sub3A_1410 = arith.subi %sub3A_1409, %mul3A_1407 : vector<16xi32>
      %mul3A_1411 = arith.muli %mul3A_1385, %sub3A_1410 : vector<16xi32>
      %sub3A_1412 = arith.constant 5 : i32
      %sub3A_1413 = vector.broadcast %sub3A_1412 : i32 to vector<16xi32>
      %sub3A_1414 = arith.subi %iota3A, %sub3A_1413 : vector<16xi32>
      %max3A_1415 = arith.constant 0 : i32
      %max3A_1416 = vector.broadcast %max3A_1415 : i32 to vector<16xi32>
      %max3A_1417 = arith.maxsi %sub3A_1414, %max3A_1416 : vector<16xi32>
      %broadcast_in_dim3A_1418 = vector.shape_cast %max3A_1417 : vector<16xi32> to vector<16x1xi32>
      %gather3A_1419 = vector.shape_cast %broadcast_in_dim3A_1418 : vector<16x1xi32> to vector<16xi32>
      %gather3A_1420 = tpu.dynamic_gather %get3A_1294[%gather3A_1419] in [0] : vector<16xi32>, vector<16xi32> -> vector<16xi32>
      %sub3A_1421 = arith.subi %gather3A_1420, %get3A_1294 : vector<16xi32>
      %abs3A_1422 = math.absi %sub3A_1421 : vector<16xi32>
      %min3A_1423 = arith.constant 1 : i32
      %min3A_1424 = vector.broadcast %min3A_1423 : i32 to vector<16xi32>
      %min3A_1425 = arith.minsi %abs3A_1422, %min3A_1424 : vector<16xi32>
      %sub3A_1426 = arith.subi %iota3A, %max3A_1417 : vector<16xi32>
      %min3A_1427 = arith.constant 1 : i32
      %min3A_1428 = vector.broadcast %min3A_1427 : i32 to vector<16xi32>
      %min3A_1429 = arith.minsi %sub3A_1426, %min3A_1428 : vector<16xi32>
      %sub3A_1430 = arith.constant 1 : i32
      %sub3A_1431 = vector.broadcast %sub3A_1430 : i32 to vector<16xi32>
      %sub3A_1432 = arith.subi %sub3A_1431, %min3A_1425 : vector<16xi32>
      %mul3A_1433 = arith.muli %sub3A_1432, %min3A_1429 : vector<16xi32>
      %sub3A_1434 = arith.constant 1 : i32
      %sub3A_1435 = vector.broadcast %sub3A_1434 : i32 to vector<16xi32>
      %sub3A_1436 = arith.subi %sub3A_1435, %mul3A_1433 : vector<16xi32>
      %mul3A_1437 = arith.muli %mul3A_1411, %sub3A_1436 : vector<16xi32>
      %sub3A_1438 = arith.constant 6 : i32
      %sub3A_1439 = vector.broadcast %sub3A_1438 : i32 to vector<16xi32>
      %sub3A_1440 = arith.subi %iota3A, %sub3A_1439 : vector<16xi32>
      %max3A_1441 = arith.constant 0 : i32
      %max3A_1442 = vector.broadcast %max3A_1441 : i32 to vector<16xi32>
      %max3A_1443 = arith.maxsi %sub3A_1440, %max3A_1442 : vector<16xi32>
      %broadcast_in_dim3A_1444 = vector.shape_cast %max3A_1443 : vector<16xi32> to vector<16x1xi32>
      %gather3A_1445 = vector.shape_cast %broadcast_in_dim3A_1444 : vector<16x1xi32> to vector<16xi32>
      %gather3A_1446 = tpu.dynamic_gather %get3A_1294[%gather3A_1445] in [0] : vector<16xi32>, vector<16xi32> -> vector<16xi32>
      %sub3A_1447 = arith.subi %gather3A_1446, %get3A_1294 : vector<16xi32>
      %abs3A_1448 = math.absi %sub3A_1447 : vector<16xi32>
      %min3A_1449 = arith.constant 1 : i32
      %min3A_1450 = vector.broadcast %min3A_1449 : i32 to vector<16xi32>
      %min3A_1451 = arith.minsi %abs3A_1448, %min3A_1450 : vector<16xi32>
      %sub3A_1452 = arith.subi %iota3A, %max3A_1443 : vector<16xi32>
      %min3A_1453 = arith.constant 1 : i32
      %min3A_1454 = vector.broadcast %min3A_1453 : i32 to vector<16xi32>
      %min3A_1455 = arith.minsi %sub3A_1452, %min3A_1454 : vector<16xi32>
      %sub3A_1456 = arith.constant 1 : i32
      %sub3A_1457 = vector.broadcast %sub3A_1456 : i32 to vector<16xi32>
      %sub3A_1458 = arith.subi %sub3A_1457, %min3A_1451 : vector<16xi32>
      %mul3A_1459 = arith.muli %sub3A_1458, %min3A_1455 : vector<16xi32>
      %sub3A_1460 = arith.constant 1 : i32
      %sub3A_1461 = vector.broadcast %sub3A_1460 : i32 to vector<16xi32>
      %sub3A_1462 = arith.subi %sub3A_1461, %mul3A_1459 : vector<16xi32>
      %mul3A_1463 = arith.muli %mul3A_1437, %sub3A_1462 : vector<16xi32>
      %sub3A_1464 = arith.constant 7 : i32
      %sub3A_1465 = vector.broadcast %sub3A_1464 : i32 to vector<16xi32>
      %sub3A_1466 = arith.subi %iota3A, %sub3A_1465 : vector<16xi32>
      %max3A_1467 = arith.constant 0 : i32
      %max3A_1468 = vector.broadcast %max3A_1467 : i32 to vector<16xi32>
      %max3A_1469 = arith.maxsi %sub3A_1466, %max3A_1468 : vector<16xi32>
      %broadcast_in_dim3A_1470 = vector.shape_cast %max3A_1469 : vector<16xi32> to vector<16x1xi32>
      %gather3A_1471 = vector.shape_cast %broadcast_in_dim3A_1470 : vector<16x1xi32> to vector<16xi32>
      %gather3A_1472 = tpu.dynamic_gather %get3A_1294[%gather3A_1471] in [0] : vector<16xi32>, vector<16xi32> -> vector<16xi32>
      %sub3A_1473 = arith.subi %gather3A_1472, %get3A_1294 : vector<16xi32>
      %abs3A_1474 = math.absi %sub3A_1473 : vector<16xi32>
      %min3A_1475 = arith.constant 1 : i32
      %min3A_1476 = vector.broadcast %min3A_1475 : i32 to vector<16xi32>
      %min3A_1477 = arith.minsi %abs3A_1474, %min3A_1476 : vector<16xi32>
      %sub3A_1478 = arith.subi %iota3A, %max3A_1469 : vector<16xi32>
      %min3A_1479 = arith.constant 1 : i32
      %min3A_1480 = vector.broadcast %min3A_1479 : i32 to vector<16xi32>
      %min3A_1481 = arith.minsi %sub3A_1478, %min3A_1480 : vector<16xi32>
      %sub3A_1482 = arith.constant 1 : i32
      %sub3A_1483 = vector.broadcast %sub3A_1482 : i32 to vector<16xi32>
      %sub3A_1484 = arith.subi %sub3A_1483, %min3A_1477 : vector<16xi32>
      %mul3A_1485 = arith.muli %sub3A_1484, %min3A_1481 : vector<16xi32>
      %sub3A_1486 = arith.constant 1 : i32
      %sub3A_1487 = vector.broadcast %sub3A_1486 : i32 to vector<16xi32>
      %sub3A_1488 = arith.subi %sub3A_1487, %mul3A_1485 : vector<16xi32>
      %mul3A_1489 = arith.muli %mul3A_1463, %sub3A_1488 : vector<16xi32>
      %convert_element_type3A_1490 = arith.sitofp %mul3A_1489 : vector<16xi32> to vector<16xf32>
      %swap3A_1491 = arith.constant 80 : index
      %swap3A_1492 = tpu.vector_load %arg17[%swap3A_1491] {strides = array<i32>} : memref<128xf32, #tpu.memory_space<vmem>>, vector<16xf32>,
      %swap3A_1493 = vector.shape_cast %swap3A_1492 : vector<16xf32> to vector<16xf32>
      %swap3A_1494 = vector.shape_cast %convert_element_type3A_1490 : vector<16xf32> to vector<16xf32>
      tpu.vector_store %arg17[%swap3A_1491], %swap3A_1494 {strides = array<i32>} : memref<128xf32, #tpu.memory_space<vmem>>, vector<16xf32>,
      %get3A_1495 = arith.constant 96 : index
      %get3A_1496 = tpu.vector_load %arg15[%get3A_1495] {strides = array<i32>} : memref<128xi32, #tpu.memory_space<vmem>>, vector<16xi32>,
      %get3A_1497 = vector.shape_cast %get3A_1496 : vector<16xi32> to vector<16xi32>
      %and3A_1498 = arith.constant 127 : i32
      %and3A_1499 = vector.broadcast %and3A_1498 : i32 to vector<16xi32>
      %and3A_1500 = arith.andi %get3A_1497, %and3A_1499 : vector<16xi32>
      %convert_element_type3A_1501 = arith.sitofp %and3A_1500 : vector<16xi32> to vector<16xf32>
      %swap3A_1502 = arith.constant 96 : index
      %swap3A_1503 = tpu.vector_load %arg16[%swap3A_1502] {strides = array<i32>} : memref<128xf32, #tpu.memory_space<vmem>>, vector<16xf32>,
      %swap3A_1504 = vector.shape_cast %swap3A_1503 : vector<16xf32> to vector<16xf32>
      %swap3A_1505 = vector.shape_cast %convert_element_type3A_1501 : vector<16xf32> to vector<16xf32>
      tpu.vector_store %arg16[%swap3A_1502], %swap3A_1505 {strides = array<i32>} : memref<128xf32, #tpu.memory_space<vmem>>, vector<16xf32>,
      %add3A_1506 = arith.constant 96 : i32
      %add3A_1507 = vector.broadcast %add3A_1506 : i32 to vector<16xi32>
      %add3A_1508 = arith.addi %iota3A, %add3A_1507 : vector<16xi32>
      %broadcast_in_dim3A_1509 = arith.constant 1 : i32
      %broadcast_in_dim3A_1510 = vector.broadcast %broadcast_in_dim3A_1509 : i32 to vector<16xi32>
      %sub3A_1511 = arith.constant 1 : i32
      %sub3A_1512 = vector.broadcast %sub3A_1511 : i32 to vector<16xi32>
      %sub3A_1513 = arith.subi %iota3A, %sub3A_1512 : vector<16xi32>
      %max3A_1514 = arith.constant 0 : i32
      %max3A_1515 = vector.broadcast %max3A_1514 : i32 to vector<16xi32>
      %max3A_1516 = arith.maxsi %sub3A_1513, %max3A_1515 : vector<16xi32>
      %broadcast_in_dim3A_1517 = vector.shape_cast %max3A_1516 : vector<16xi32> to vector<16x1xi32>
      %gather3A_1518 = vector.shape_cast %broadcast_in_dim3A_1517 : vector<16x1xi32> to vector<16xi32>
      %gather3A_1519 = tpu.dynamic_gather %get3A_1497[%gather3A_1518] in [0] : vector<16xi32>, vector<16xi32> -> vector<16xi32>
      %sub3A_1520 = arith.subi %gather3A_1519, %get3A_1497 : vector<16xi32>
      %abs3A_1521 = math.absi %sub3A_1520 : vector<16xi32>
      %min3A_1522 = arith.constant 1 : i32
      %min3A_1523 = vector.broadcast %min3A_1522 : i32 to vector<16xi32>
      %min3A_1524 = arith.minsi %abs3A_1521, %min3A_1523 : vector<16xi32>
      %sub3A_1525 = arith.subi %iota3A, %max3A_1516 : vector<16xi32>
      %min3A_1526 = arith.constant 1 : i32
      %min3A_1527 = vector.broadcast %min3A_1526 : i32 to vector<16xi32>
      %min3A_1528 = arith.minsi %sub3A_1525, %min3A_1527 : vector<16xi32>
      %sub3A_1529 = arith.constant 1 : i32
      %sub3A_1530 = vector.broadcast %sub3A_1529 : i32 to vector<16xi32>
      %sub3A_1531 = arith.subi %sub3A_1530, %min3A_1524 : vector<16xi32>
      %mul3A_1532 = arith.muli %sub3A_1531, %min3A_1528 : vector<16xi32>
      %sub3A_1533 = arith.constant 1 : i32
      %sub3A_1534 = vector.broadcast %sub3A_1533 : i32 to vector<16xi32>
      %sub3A_1535 = arith.subi %sub3A_1534, %mul3A_1532 : vector<16xi32>
      %mul3A_1536 = arith.muli %broadcast_in_dim3A_1510, %sub3A_1535 : vector<16xi32>
      %sub3A_1537 = arith.constant 2 : i32
      %sub3A_1538 = vector.broadcast %sub3A_1537 : i32 to vector<16xi32>
      %sub3A_1539 = arith.subi %iota3A, %sub3A_1538 : vector<16xi32>
      %max3A_1540 = arith.constant 0 : i32
      %max3A_1541 = vector.broadcast %max3A_1540 : i32 to vector<16xi32>
      %max3A_1542 = arith.maxsi %sub3A_1539, %max3A_1541 : vector<16xi32>
      %broadcast_in_dim3A_1543 = vector.shape_cast %max3A_1542 : vector<16xi32> to vector<16x1xi32>
      %gather3A_1544 = vector.shape_cast %broadcast_in_dim3A_1543 : vector<16x1xi32> to vector<16xi32>
      %gather3A_1545 = tpu.dynamic_gather %get3A_1497[%gather3A_1544] in [0] : vector<16xi32>, vector<16xi32> -> vector<16xi32>
      %sub3A_1546 = arith.subi %gather3A_1545, %get3A_1497 : vector<16xi32>
      %abs3A_1547 = math.absi %sub3A_1546 : vector<16xi32>
      %min3A_1548 = arith.constant 1 : i32
      %min3A_1549 = vector.broadcast %min3A_1548 : i32 to vector<16xi32>
      %min3A_1550 = arith.minsi %abs3A_1547, %min3A_1549 : vector<16xi32>
      %sub3A_1551 = arith.subi %iota3A, %max3A_1542 : vector<16xi32>
      %min3A_1552 = arith.constant 1 : i32
      %min3A_1553 = vector.broadcast %min3A_1552 : i32 to vector<16xi32>
      %min3A_1554 = arith.minsi %sub3A_1551, %min3A_1553 : vector<16xi32>
      %sub3A_1555 = arith.constant 1 : i32
      %sub3A_1556 = vector.broadcast %sub3A_1555 : i32 to vector<16xi32>
      %sub3A_1557 = arith.subi %sub3A_1556, %min3A_1550 : vector<16xi32>
      %mul3A_1558 = arith.muli %sub3A_1557, %min3A_1554 : vector<16xi32>
      %sub3A_1559 = arith.constant 1 : i32
      %sub3A_1560 = vector.broadcast %sub3A_1559 : i32 to vector<16xi32>
      %sub3A_1561 = arith.subi %sub3A_1560, %mul3A_1558 : vector<16xi32>
      %mul3A_1562 = arith.muli %mul3A_1536, %sub3A_1561 : vector<16xi32>
      %sub3A_1563 = arith.constant 3 : i32
      %sub3A_1564 = vector.broadcast %sub3A_1563 : i32 to vector<16xi32>
      %sub3A_1565 = arith.subi %iota3A, %sub3A_1564 : vector<16xi32>
      %max3A_1566 = arith.constant 0 : i32
      %max3A_1567 = vector.broadcast %max3A_1566 : i32 to vector<16xi32>
      %max3A_1568 = arith.maxsi %sub3A_1565, %max3A_1567 : vector<16xi32>
      %broadcast_in_dim3A_1569 = vector.shape_cast %max3A_1568 : vector<16xi32> to vector<16x1xi32>
      %gather3A_1570 = vector.shape_cast %broadcast_in_dim3A_1569 : vector<16x1xi32> to vector<16xi32>
      %gather3A_1571 = tpu.dynamic_gather %get3A_1497[%gather3A_1570] in [0] : vector<16xi32>, vector<16xi32> -> vector<16xi32>
      %sub3A_1572 = arith.subi %gather3A_1571, %get3A_1497 : vector<16xi32>
      %abs3A_1573 = math.absi %sub3A_1572 : vector<16xi32>
      %min3A_1574 = arith.constant 1 : i32
      %min3A_1575 = vector.broadcast %min3A_1574 : i32 to vector<16xi32>
      %min3A_1576 = arith.minsi %abs3A_1573, %min3A_1575 : vector<16xi32>
      %sub3A_1577 = arith.subi %iota3A, %max3A_1568 : vector<16xi32>
      %min3A_1578 = arith.constant 1 : i32
      %min3A_1579 = vector.broadcast %min3A_1578 : i32 to vector<16xi32>
      %min3A_1580 = arith.minsi %sub3A_1577, %min3A_1579 : vector<16xi32>
      %sub3A_1581 = arith.constant 1 : i32
      %sub3A_1582 = vector.broadcast %sub3A_1581 : i32 to vector<16xi32>
      %sub3A_1583 = arith.subi %sub3A_1582, %min3A_1576 : vector<16xi32>
      %mul3A_1584 = arith.muli %sub3A_1583, %min3A_1580 : vector<16xi32>
      %sub3A_1585 = arith.constant 1 : i32
      %sub3A_1586 = vector.broadcast %sub3A_1585 : i32 to vector<16xi32>
      %sub3A_1587 = arith.subi %sub3A_1586, %mul3A_1584 : vector<16xi32>
      %mul3A_1588 = arith.muli %mul3A_1562, %sub3A_1587 : vector<16xi32>
      %sub3A_1589 = arith.constant 4 : i32
      %sub3A_1590 = vector.broadcast %sub3A_1589 : i32 to vector<16xi32>
      %sub3A_1591 = arith.subi %iota3A, %sub3A_1590 : vector<16xi32>
      %max3A_1592 = arith.constant 0 : i32
      %max3A_1593 = vector.broadcast %max3A_1592 : i32 to vector<16xi32>
      %max3A_1594 = arith.maxsi %sub3A_1591, %max3A_1593 : vector<16xi32>
      %broadcast_in_dim3A_1595 = vector.shape_cast %max3A_1594 : vector<16xi32> to vector<16x1xi32>
      %gather3A_1596 = vector.shape_cast %broadcast_in_dim3A_1595 : vector<16x1xi32> to vector<16xi32>
      %gather3A_1597 = tpu.dynamic_gather %get3A_1497[%gather3A_1596] in [0] : vector<16xi32>, vector<16xi32> -> vector<16xi32>
      %sub3A_1598 = arith.subi %gather3A_1597, %get3A_1497 : vector<16xi32>
      %abs3A_1599 = math.absi %sub3A_1598 : vector<16xi32>
      %min3A_1600 = arith.constant 1 : i32
      %min3A_1601 = vector.broadcast %min3A_1600 : i32 to vector<16xi32>
      %min3A_1602 = arith.minsi %abs3A_1599, %min3A_1601 : vector<16xi32>
      %sub3A_1603 = arith.subi %iota3A, %max3A_1594 : vector<16xi32>
      %min3A_1604 = arith.constant 1 : i32
      %min3A_1605 = vector.broadcast %min3A_1604 : i32 to vector<16xi32>
      %min3A_1606 = arith.minsi %sub3A_1603, %min3A_1605 : vector<16xi32>
      %sub3A_1607 = arith.constant 1 : i32
      %sub3A_1608 = vector.broadcast %sub3A_1607 : i32 to vector<16xi32>
      %sub3A_1609 = arith.subi %sub3A_1608, %min3A_1602 : vector<16xi32>
      %mul3A_1610 = arith.muli %sub3A_1609, %min3A_1606 : vector<16xi32>
      %sub3A_1611 = arith.constant 1 : i32
      %sub3A_1612 = vector.broadcast %sub3A_1611 : i32 to vector<16xi32>
      %sub3A_1613 = arith.subi %sub3A_1612, %mul3A_1610 : vector<16xi32>
      %mul3A_1614 = arith.muli %mul3A_1588, %sub3A_1613 : vector<16xi32>
      %sub3A_1615 = arith.constant 5 : i32
      %sub3A_1616 = vector.broadcast %sub3A_1615 : i32 to vector<16xi32>
      %sub3A_1617 = arith.subi %iota3A, %sub3A_1616 : vector<16xi32>
      %max3A_1618 = arith.constant 0 : i32
      %max3A_1619 = vector.broadcast %max3A_1618 : i32 to vector<16xi32>
      %max3A_1620 = arith.maxsi %sub3A_1617, %max3A_1619 : vector<16xi32>
      %broadcast_in_dim3A_1621 = vector.shape_cast %max3A_1620 : vector<16xi32> to vector<16x1xi32>
      %gather3A_1622 = vector.shape_cast %broadcast_in_dim3A_1621 : vector<16x1xi32> to vector<16xi32>
      %gather3A_1623 = tpu.dynamic_gather %get3A_1497[%gather3A_1622] in [0] : vector<16xi32>, vector<16xi32> -> vector<16xi32>
      %sub3A_1624 = arith.subi %gather3A_1623, %get3A_1497 : vector<16xi32>
      %abs3A_1625 = math.absi %sub3A_1624 : vector<16xi32>
      %min3A_1626 = arith.constant 1 : i32
      %min3A_1627 = vector.broadcast %min3A_1626 : i32 to vector<16xi32>
      %min3A_1628 = arith.minsi %abs3A_1625, %min3A_1627 : vector<16xi32>
      %sub3A_1629 = arith.subi %iota3A, %max3A_1620 : vector<16xi32>
      %min3A_1630 = arith.constant 1 : i32
      %min3A_1631 = vector.broadcast %min3A_1630 : i32 to vector<16xi32>
      %min3A_1632 = arith.minsi %sub3A_1629, %min3A_1631 : vector<16xi32>
      %sub3A_1633 = arith.constant 1 : i32
      %sub3A_1634 = vector.broadcast %sub3A_1633 : i32 to vector<16xi32>
      %sub3A_1635 = arith.subi %sub3A_1634, %min3A_1628 : vector<16xi32>
      %mul3A_1636 = arith.muli %sub3A_1635, %min3A_1632 : vector<16xi32>
      %sub3A_1637 = arith.constant 1 : i32
      %sub3A_1638 = vector.broadcast %sub3A_1637 : i32 to vector<16xi32>
      %sub3A_1639 = arith.subi %sub3A_1638, %mul3A_1636 : vector<16xi32>
      %mul3A_1640 = arith.muli %mul3A_1614, %sub3A_1639 : vector<16xi32>
      %sub3A_1641 = arith.constant 6 : i32
      %sub3A_1642 = vector.broadcast %sub3A_1641 : i32 to vector<16xi32>
      %sub3A_1643 = arith.subi %iota3A, %sub3A_1642 : vector<16xi32>
      %max3A_1644 = arith.constant 0 : i32
      %max3A_1645 = vector.broadcast %max3A_1644 : i32 to vector<16xi32>
      %max3A_1646 = arith.maxsi %sub3A_1643, %max3A_1645 : vector<16xi32>
      %broadcast_in_dim3A_1647 = vector.shape_cast %max3A_1646 : vector<16xi32> to vector<16x1xi32>
      %gather3A_1648 = vector.shape_cast %broadcast_in_dim3A_1647 : vector<16x1xi32> to vector<16xi32>
      %gather3A_1649 = tpu.dynamic_gather %get3A_1497[%gather3A_1648] in [0] : vector<16xi32>, vector<16xi32> -> vector<16xi32>
      %sub3A_1650 = arith.subi %gather3A_1649, %get3A_1497 : vector<16xi32>
      %abs3A_1651 = math.absi %sub3A_1650 : vector<16xi32>
      %min3A_1652 = arith.constant 1 : i32
      %min3A_1653 = vector.broadcast %min3A_1652 : i32 to vector<16xi32>
      %min3A_1654 = arith.minsi %abs3A_1651, %min3A_1653 : vector<16xi32>
      %sub3A_1655 = arith.subi %iota3A, %max3A_1646 : vector<16xi32>
      %min3A_1656 = arith.constant 1 : i32
      %min3A_1657 = vector.broadcast %min3A_1656 : i32 to vector<16xi32>
      %min3A_1658 = arith.minsi %sub3A_1655, %min3A_1657 : vector<16xi32>
      %sub3A_1659 = arith.constant 1 : i32
      %sub3A_1660 = vector.broadcast %sub3A_1659 : i32 to vector<16xi32>
      %sub3A_1661 = arith.subi %sub3A_1660, %min3A_1654 : vector<16xi32>
      %mul3A_1662 = arith.muli %sub3A_1661, %min3A_1658 : vector<16xi32>
      %sub3A_1663 = arith.constant 1 : i32
      %sub3A_1664 = vector.broadcast %sub3A_1663 : i32 to vector<16xi32>
      %sub3A_1665 = arith.subi %sub3A_1664, %mul3A_1662 : vector<16xi32>
      %mul3A_1666 = arith.muli %mul3A_1640, %sub3A_1665 : vector<16xi32>
      %sub3A_1667 = arith.constant 7 : i32
      %sub3A_1668 = vector.broadcast %sub3A_1667 : i32 to vector<16xi32>
      %sub3A_1669 = arith.subi %iota3A, %sub3A_1668 : vector<16xi32>
      %max3A_1670 = arith.constant 0 : i32
      %max3A_1671 = vector.broadcast %max3A_1670 : i32 to vector<16xi32>
      %max3A_1672 = arith.maxsi %sub3A_1669, %max3A_1671 : vector<16xi32>
      %broadcast_in_dim3A_1673 = vector.shape_cast %max3A_1672 : vector<16xi32> to vector<16x1xi32>
      %gather3A_1674 = vector.shape_cast %broadcast_in_dim3A_1673 : vector<16x1xi32> to vector<16xi32>
      %gather3A_1675 = tpu.dynamic_gather %get3A_1497[%gather3A_1674] in [0] : vector<16xi32>, vector<16xi32> -> vector<16xi32>
      %sub3A_1676 = arith.subi %gather3A_1675, %get3A_1497 : vector<16xi32>
      %abs3A_1677 = math.absi %sub3A_1676 : vector<16xi32>
      %min3A_1678 = arith.constant 1 : i32
      %min3A_1679 = vector.broadcast %min3A_1678 : i32 to vector<16xi32>
      %min3A_1680 = arith.minsi %abs3A_1677, %min3A_1679 : vector<16xi32>
      %sub3A_1681 = arith.subi %iota3A, %max3A_1672 : vector<16xi32>
      %min3A_1682 = arith.constant 1 : i32
      %min3A_1683 = vector.broadcast %min3A_1682 : i32 to vector<16xi32>
      %min3A_1684 = arith.minsi %sub3A_1681, %min3A_1683 : vector<16xi32>
      %sub3A_1685 = arith.constant 1 : i32
      %sub3A_1686 = vector.broadcast %sub3A_1685 : i32 to vector<16xi32>
      %sub3A_1687 = arith.subi %sub3A_1686, %min3A_1680 : vector<16xi32>
      %mul3A_1688 = arith.muli %sub3A_1687, %min3A_1684 : vector<16xi32>
      %sub3A_1689 = arith.constant 1 : i32
      %sub3A_1690 = vector.broadcast %sub3A_1689 : i32 to vector<16xi32>
      %sub3A_1691 = arith.subi %sub3A_1690, %mul3A_1688 : vector<16xi32>
      %mul3A_1692 = arith.muli %mul3A_1666, %sub3A_1691 : vector<16xi32>
      %convert_element_type3A_1693 = arith.sitofp %mul3A_1692 : vector<16xi32> to vector<16xf32>
      %swap3A_1694 = arith.constant 96 : index
      %swap3A_1695 = tpu.vector_load %arg17[%swap3A_1694] {strides = array<i32>} : memref<128xf32, #tpu.memory_space<vmem>>, vector<16xf32>,
      %swap3A_1696 = vector.shape_cast %swap3A_1695 : vector<16xf32> to vector<16xf32>
      %swap3A_1697 = vector.shape_cast %convert_element_type3A_1693 : vector<16xf32> to vector<16xf32>
      tpu.vector_store %arg17[%swap3A_1694], %swap3A_1697 {strides = array<i32>} : memref<128xf32, #tpu.memory_space<vmem>>, vector<16xf32>,
      %get3A_1698 = arith.constant 112 : index
      %get3A_1699 = tpu.vector_load %arg15[%get3A_1698] {strides = array<i32>} : memref<128xi32, #tpu.memory_space<vmem>>, vector<16xi32>,
      %get3A_1700 = vector.shape_cast %get3A_1699 : vector<16xi32> to vector<16xi32>
      %and3A_1701 = arith.constant 127 : i32
      %and3A_1702 = vector.broadcast %and3A_1701 : i32 to vector<16xi32>
      %and3A_1703 = arith.andi %get3A_1700, %and3A_1702 : vector<16xi32>
      %convert_element_type3A_1704 = arith.sitofp %and3A_1703 : vector<16xi32> to vector<16xf32>
      %swap3A_1705 = arith.constant 112 : index
      %swap3A_1706 = tpu.vector_load %arg16[%swap3A_1705] {strides = array<i32>} : memref<128xf32, #tpu.memory_space<vmem>>, vector<16xf32>,
      %swap3A_1707 = vector.shape_cast %swap3A_1706 : vector<16xf32> to vector<16xf32>
      %swap3A_1708 = vector.shape_cast %convert_element_type3A_1704 : vector<16xf32> to vector<16xf32>
      tpu.vector_store %arg16[%swap3A_1705], %swap3A_1708 {strides = array<i32>} : memref<128xf32, #tpu.memory_space<vmem>>, vector<16xf32>,
      %add3A_1709 = arith.constant 112 : i32
      %add3A_1710 = vector.broadcast %add3A_1709 : i32 to vector<16xi32>
      %add3A_1711 = arith.addi %iota3A, %add3A_1710 : vector<16xi32>
      %broadcast_in_dim3A_1712 = arith.constant 1 : i32
      %broadcast_in_dim3A_1713 = vector.broadcast %broadcast_in_dim3A_1712 : i32 to vector<16xi32>
      %sub3A_1714 = arith.constant 1 : i32
      %sub3A_1715 = vector.broadcast %sub3A_1714 : i32 to vector<16xi32>
      %sub3A_1716 = arith.subi %iota3A, %sub3A_1715 : vector<16xi32>
      %max3A_1717 = arith.constant 0 : i32
      %max3A_1718 = vector.broadcast %max3A_1717 : i32 to vector<16xi32>
      %max3A_1719 = arith.maxsi %sub3A_1716, %max3A_1718 : vector<16xi32>
      %broadcast_in_dim3A_1720 = vector.shape_cast %max3A_1719 : vector<16xi32> to vector<16x1xi32>
      %gather3A_1721 = vector.shape_cast %broadcast_in_dim3A_1720 : vector<16x1xi32> to vector<16xi32>
      %gather3A_1722 = tpu.dynamic_gather %get3A_1700[%gather3A_1721] in [0] : vector<16xi32>, vector<16xi32> -> vector<16xi32>
      %sub3A_1723 = arith.subi %gather3A_1722, %get3A_1700 : vector<16xi32>
      %abs3A_1724 = math.absi %sub3A_1723 : vector<16xi32>
      %min3A_1725 = arith.constant 1 : i32
      %min3A_1726 = vector.broadcast %min3A_1725 : i32 to vector<16xi32>
      %min3A_1727 = arith.minsi %abs3A_1724, %min3A_1726 : vector<16xi32>
      %sub3A_1728 = arith.subi %iota3A, %max3A_1719 : vector<16xi32>
      %min3A_1729 = arith.constant 1 : i32
      %min3A_1730 = vector.broadcast %min3A_1729 : i32 to vector<16xi32>
      %min3A_1731 = arith.minsi %sub3A_1728, %min3A_1730 : vector<16xi32>
      %sub3A_1732 = arith.constant 1 : i32
      %sub3A_1733 = vector.broadcast %sub3A_1732 : i32 to vector<16xi32>
      %sub3A_1734 = arith.subi %sub3A_1733, %min3A_1727 : vector<16xi32>
      %mul3A_1735 = arith.muli %sub3A_1734, %min3A_1731 : vector<16xi32>
      %sub3A_1736 = arith.constant 1 : i32
      %sub3A_1737 = vector.broadcast %sub3A_1736 : i32 to vector<16xi32>
      %sub3A_1738 = arith.subi %sub3A_1737, %mul3A_1735 : vector<16xi32>
      %mul3A_1739 = arith.muli %broadcast_in_dim3A_1713, %sub3A_1738 : vector<16xi32>
      %sub3A_1740 = arith.constant 2 : i32
      %sub3A_1741 = vector.broadcast %sub3A_1740 : i32 to vector<16xi32>
      %sub3A_1742 = arith.subi %iota3A, %sub3A_1741 : vector<16xi32>
      %max3A_1743 = arith.constant 0 : i32
      %max3A_1744 = vector.broadcast %max3A_1743 : i32 to vector<16xi32>
      %max3A_1745 = arith.maxsi %sub3A_1742, %max3A_1744 : vector<16xi32>
      %broadcast_in_dim3A_1746 = vector.shape_cast %max3A_1745 : vector<16xi32> to vector<16x1xi32>
      %gather3A_1747 = vector.shape_cast %broadcast_in_dim3A_1746 : vector<16x1xi32> to vector<16xi32>
      %gather3A_1748 = tpu.dynamic_gather %get3A_1700[%gather3A_1747] in [0] : vector<16xi32>, vector<16xi32> -> vector<16xi32>
      %sub3A_1749 = arith.subi %gather3A_1748, %get3A_1700 : vector<16xi32>
      %abs3A_1750 = math.absi %sub3A_1749 : vector<16xi32>
      %min3A_1751 = arith.constant 1 : i32
      %min3A_1752 = vector.broadcast %min3A_1751 : i32 to vector<16xi32>
      %min3A_1753 = arith.minsi %abs3A_1750, %min3A_1752 : vector<16xi32>
      %sub3A_1754 = arith.subi %iota3A, %max3A_1745 : vector<16xi32>
      %min3A_1755 = arith.constant 1 : i32
      %min3A_1756 = vector.broadcast %min3A_1755 : i32 to vector<16xi32>
      %min3A_1757 = arith.minsi %sub3A_1754, %min3A_1756 : vector<16xi32>
      %sub3A_1758 = arith.constant 1 : i32
      %sub3A_1759 = vector.broadcast %sub3A_1758 : i32 to vector<16xi32>
      %sub3A_1760 = arith.subi %sub3A_1759, %min3A_1753 : vector<16xi32>
      %mul3A_1761 = arith.muli %sub3A_1760, %min3A_1757 : vector<16xi32>
      %sub3A_1762 = arith.constant 1 : i32
      %sub3A_1763 = vector.broadcast %sub3A_1762 : i32 to vector<16xi32>
      %sub3A_1764 = arith.subi %sub3A_1763, %mul3A_1761 : vector<16xi32>
      %mul3A_1765 = arith.muli %mul3A_1739, %sub3A_1764 : vector<16xi32>
      %sub3A_1766 = arith.constant 3 : i32
      %sub3A_1767 = vector.broadcast %sub3A_1766 : i32 to vector<16xi32>
      %sub3A_1768 = arith.subi %iota3A, %sub3A_1767 : vector<16xi32>
      %max3A_1769 = arith.constant 0 : i32
      %max3A_1770 = vector.broadcast %max3A_1769 : i32 to vector<16xi32>
      %max3A_1771 = arith.maxsi %sub3A_1768, %max3A_1770 : vector<16xi32>
      %broadcast_in_dim3A_1772 = vector.shape_cast %max3A_1771 : vector<16xi32> to vector<16x1xi32>
      %gather3A_1773 = vector.shape_cast %broadcast_in_dim3A_1772 : vector<16x1xi32> to vector<16xi32>
      %gather3A_1774 = tpu.dynamic_gather %get3A_1700[%gather3A_1773] in [0] : vector<16xi32>, vector<16xi32> -> vector<16xi32>
      %sub3A_1775 = arith.subi %gather3A_1774, %get3A_1700 : vector<16xi32>
      %abs3A_1776 = math.absi %sub3A_1775 : vector<16xi32>
      %min3A_1777 = arith.constant 1 : i32
      %min3A_1778 = vector.broadcast %min3A_1777 : i32 to vector<16xi32>
      %min3A_1779 = arith.minsi %abs3A_1776, %min3A_1778 : vector<16xi32>
      %sub3A_1780 = arith.subi %iota3A, %max3A_1771 : vector<16xi32>
      %min3A_1781 = arith.constant 1 : i32
      %min3A_1782 = vector.broadcast %min3A_1781 : i32 to vector<16xi32>
      %min3A_1783 = arith.minsi %sub3A_1780, %min3A_1782 : vector<16xi32>
      %sub3A_1784 = arith.constant 1 : i32
      %sub3A_1785 = vector.broadcast %sub3A_1784 : i32 to vector<16xi32>
      %sub3A_1786 = arith.subi %sub3A_1785, %min3A_1779 : vector<16xi32>
      %mul3A_1787 = arith.muli %sub3A_1786, %min3A_1783 : vector<16xi32>
      %sub3A_1788 = arith.constant 1 : i32
      %sub3A_1789 = vector.broadcast %sub3A_1788 : i32 to vector<16xi32>
      %sub3A_1790 = arith.subi %sub3A_1789, %mul3A_1787 : vector<16xi32>
      %mul3A_1791 = arith.muli %mul3A_1765, %sub3A_1790 : vector<16xi32>
      %sub3A_1792 = arith.constant 4 : i32
      %sub3A_1793 = vector.broadcast %sub3A_1792 : i32 to vector<16xi32>
      %sub3A_1794 = arith.subi %iota3A, %sub3A_1793 : vector<16xi32>
      %max3A_1795 = arith.constant 0 : i32
      %max3A_1796 = vector.broadcast %max3A_1795 : i32 to vector<16xi32>
      %max3A_1797 = arith.maxsi %sub3A_1794, %max3A_1796 : vector<16xi32>
      %broadcast_in_dim3A_1798 = vector.shape_cast %max3A_1797 : vector<16xi32> to vector<16x1xi32>
      %gather3A_1799 = vector.shape_cast %broadcast_in_dim3A_1798 : vector<16x1xi32> to vector<16xi32>
      %gather3A_1800 = tpu.dynamic_gather %get3A_1700[%gather3A_1799] in [0] : vector<16xi32>, vector<16xi32> -> vector<16xi32>
      %sub3A_1801 = arith.subi %gather3A_1800, %get3A_1700 : vector<16xi32>
      %abs3A_1802 = math.absi %sub3A_1801 : vector<16xi32>
      %min3A_1803 = arith.constant 1 : i32
      %min3A_1804 = vector.broadcast %min3A_1803 : i32 to vector<16xi32>
      %min3A_1805 = arith.minsi %abs3A_1802, %min3A_1804 : vector<16xi32>
      %sub3A_1806 = arith.subi %iota3A, %max3A_1797 : vector<16xi32>
      %min3A_1807 = arith.constant 1 : i32
      %min3A_1808 = vector.broadcast %min3A_1807 : i32 to vector<16xi32>
      %min3A_1809 = arith.minsi %sub3A_1806, %min3A_1808 : vector<16xi32>
      %sub3A_1810 = arith.constant 1 : i32
      %sub3A_1811 = vector.broadcast %sub3A_1810 : i32 to vector<16xi32>
      %sub3A_1812 = arith.subi %sub3A_1811, %min3A_1805 : vector<16xi32>
      %mul3A_1813 = arith.muli %sub3A_1812, %min3A_1809 : vector<16xi32>
      %sub3A_1814 = arith.constant 1 : i32
      %sub3A_1815 = vector.broadcast %sub3A_1814 : i32 to vector<16xi32>
      %sub3A_1816 = arith.subi %sub3A_1815, %mul3A_1813 : vector<16xi32>
      %mul3A_1817 = arith.muli %mul3A_1791, %sub3A_1816 : vector<16xi32>
      %sub3A_1818 = arith.constant 5 : i32
      %sub3A_1819 = vector.broadcast %sub3A_1818 : i32 to vector<16xi32>
      %sub3A_1820 = arith.subi %iota3A, %sub3A_1819 : vector<16xi32>
      %max3A_1821 = arith.constant 0 : i32
      %max3A_1822 = vector.broadcast %max3A_1821 : i32 to vector<16xi32>
      %max3A_1823 = arith.maxsi %sub3A_1820, %max3A_1822 : vector<16xi32>
      %broadcast_in_dim3A_1824 = vector.shape_cast %max3A_1823 : vector<16xi32> to vector<16x1xi32>
      %gather3A_1825 = vector.shape_cast %broadcast_in_dim3A_1824 : vector<16x1xi32> to vector<16xi32>
      %gather3A_1826 = tpu.dynamic_gather %get3A_1700[%gather3A_1825] in [0] : vector<16xi32>, vector<16xi32> -> vector<16xi32>
      %sub3A_1827 = arith.subi %gather3A_1826, %get3A_1700 : vector<16xi32>
      %abs3A_1828 = math.absi %sub3A_1827 : vector<16xi32>
      %min3A_1829 = arith.constant 1 : i32
      %min3A_1830 = vector.broadcast %min3A_1829 : i32 to vector<16xi32>
      %min3A_1831 = arith.minsi %abs3A_1828, %min3A_1830 : vector<16xi32>
      %sub3A_1832 = arith.subi %iota3A, %max3A_1823 : vector<16xi32>
      %min3A_1833 = arith.constant 1 : i32
      %min3A_1834 = vector.broadcast %min3A_1833 : i32 to vector<16xi32>
      %min3A_1835 = arith.minsi %sub3A_1832, %min3A_1834 : vector<16xi32>
      %sub3A_1836 = arith.constant 1 : i32
      %sub3A_1837 = vector.broadcast %sub3A_1836 : i32 to vector<16xi32>
      %sub3A_1838 = arith.subi %sub3A_1837, %min3A_1831 : vector<16xi32>
      %mul3A_1839 = arith.muli %sub3A_1838, %min3A_1835 : vector<16xi32>
      %sub3A_1840 = arith.constant 1 : i32
      %sub3A_1841 = vector.broadcast %sub3A_1840 : i32 to vector<16xi32>
      %sub3A_1842 = arith.subi %sub3A_1841, %mul3A_1839 : vector<16xi32>
      %mul3A_1843 = arith.muli %mul3A_1817, %sub3A_1842 : vector<16xi32>
      %sub3A_1844 = arith.constant 6 : i32
      %sub3A_1845 = vector.broadcast %sub3A_1844 : i32 to vector<16xi32>
      %sub3A_1846 = arith.subi %iota3A, %sub3A_1845 : vector<16xi32>
      %max3A_1847 = arith.constant 0 : i32
      %max3A_1848 = vector.broadcast %max3A_1847 : i32 to vector<16xi32>
      %max3A_1849 = arith.maxsi %sub3A_1846, %max3A_1848 : vector<16xi32>
      %broadcast_in_dim3A_1850 = vector.shape_cast %max3A_1849 : vector<16xi32> to vector<16x1xi32>
      %gather3A_1851 = vector.shape_cast %broadcast_in_dim3A_1850 : vector<16x1xi32> to vector<16xi32>
      %gather3A_1852 = tpu.dynamic_gather %get3A_1700[%gather3A_1851] in [0] : vector<16xi32>, vector<16xi32> -> vector<16xi32>
      %sub3A_1853 = arith.subi %gather3A_1852, %get3A_1700 : vector<16xi32>
      %abs3A_1854 = math.absi %sub3A_1853 : vector<16xi32>
      %min3A_1855 = arith.constant 1 : i32
      %min3A_1856 = vector.broadcast %min3A_1855 : i32 to vector<16xi32>
      %min3A_1857 = arith.minsi %abs3A_1854, %min3A_1856 : vector<16xi32>
      %sub3A_1858 = arith.subi %iota3A, %max3A_1849 : vector<16xi32>
      %min3A_1859 = arith.constant 1 : i32
      %min3A_1860 = vector.broadcast %min3A_1859 : i32 to vector<16xi32>
      %min3A_1861 = arith.minsi %sub3A_1858, %min3A_1860 : vector<16xi32>
      %sub3A_1862 = arith.constant 1 : i32
      %sub3A_1863 = vector.broadcast %sub3A_1862 : i32 to vector<16xi32>
      %sub3A_1864 = arith.subi %sub3A_1863, %min3A_1857 : vector<16xi32>
      %mul3A_1865 = arith.muli %sub3A_1864, %min3A_1861 : vector<16xi32>
      %sub3A_1866 = arith.constant 1 : i32
      %sub3A_1867 = vector.broadcast %sub3A_1866 : i32 to vector<16xi32>
      %sub3A_1868 = arith.subi %sub3A_1867, %mul3A_1865 : vector<16xi32>
      %mul3A_1869 = arith.muli %mul3A_1843, %sub3A_1868 : vector<16xi32>
      %sub3A_1870 = arith.constant 7 : i32
      %sub3A_1871 = vector.broadcast %sub3A_1870 : i32 to vector<16xi32>
      %sub3A_1872 = arith.subi %iota3A, %sub3A_1871 : vector<16xi32>
      %max3A_1873 = arith.constant 0 : i32
      %max3A_1874 = vector.broadcast %max3A_1873 : i32 to vector<16xi32>
      %max3A_1875 = arith.maxsi %sub3A_1872, %max3A_1874 : vector<16xi32>
      %broadcast_in_dim3A_1876 = vector.shape_cast %max3A_1875 : vector<16xi32> to vector<16x1xi32>
      %gather3A_1877 = vector.shape_cast %broadcast_in_dim3A_1876 : vector<16x1xi32> to vector<16xi32>
      %gather3A_1878 = tpu.dynamic_gather %get3A_1700[%gather3A_1877] in [0] : vector<16xi32>, vector<16xi32> -> vector<16xi32>
      %sub3A_1879 = arith.subi %gather3A_1878, %get3A_1700 : vector<16xi32>
      %abs3A_1880 = math.absi %sub3A_1879 : vector<16xi32>
      %min3A_1881 = arith.constant 1 : i32
      %min3A_1882 = vector.broadcast %min3A_1881 : i32 to vector<16xi32>
      %min3A_1883 = arith.minsi %abs3A_1880, %min3A_1882 : vector<16xi32>
      %sub3A_1884 = arith.subi %iota3A, %max3A_1875 : vector<16xi32>
      %min3A_1885 = arith.constant 1 : i32
      %min3A_1886 = vector.broadcast %min3A_1885 : i32 to vector<16xi32>
      %min3A_1887 = arith.minsi %sub3A_1884, %min3A_1886 : vector<16xi32>
      %sub3A_1888 = arith.constant 1 : i32
      %sub3A_1889 = vector.broadcast %sub3A_1888 : i32 to vector<16xi32>
      %sub3A_1890 = arith.subi %sub3A_1889, %min3A_1883 : vector<16xi32>
      %mul3A_1891 = arith.muli %sub3A_1890, %min3A_1887 : vector<16xi32>
      %sub3A_1892 = arith.constant 1 : i32
      %sub3A_1893 = vector.broadcast %sub3A_1892 : i32 to vector<16xi32>
      %sub3A_1894 = arith.subi %sub3A_1893, %mul3A_1891 : vector<16xi32>
      %mul3A_1895 = arith.muli %mul3A_1869, %sub3A_1894 : vector<16xi32>
      %convert_element_type3A_1896 = arith.sitofp %mul3A_1895 : vector<16xi32> to vector<16xf32>
      %swap3A_1897 = arith.constant 112 : index
      %swap3A_1898 = tpu.vector_load %arg17[%swap3A_1897] {strides = array<i32>} : memref<128xf32, #tpu.memory_space<vmem>>, vector<16xf32>,
      %swap3A_1899 = vector.shape_cast %swap3A_1898 : vector<16xf32> to vector<16xf32>
      %swap3A_1900 = vector.shape_cast %convert_element_type3A_1896 : vector<16xf32> to vector<16xf32>
      tpu.vector_store %arg17[%swap3A_1897], %swap3A_1900 {strides = array<i32>} : memref<128xf32, #tpu.memory_space<vmem>>, vector<16xf32>,
      "tpu.region"() ({
        %run_scoped3A_1902 = tpu.sem_alloc : memref<!tpu.dma_semaphore, #tpu.memory_space<semaphore_mem>>
        tpu.enqueue_dma source(%arg10 : memref<128x128xf32, #tpu.memory_space<vmem>>) target(%arg7 : memref<128x128xf32, #tpu.memory_space<hbm>>) target_semaphore(%run_scoped3A_1902 : memref<!tpu.dma_semaphore, #tpu.memory_space<semaphore_mem>>)
        tpu.wait_dma2 semaphore(%run_scoped3A_1902 : memref<!tpu.dma_semaphore, #tpu.memory_space<semaphore_mem>>) src(%arg10 : memref<128x128xf32, #tpu.memory_space<vmem>>) dst(%arg7 : memref<128x128xf32, #tpu.memory_space<hbm>>)
        tpu.yield
      }) : () -> ()
      %run_scoped3A = arith.constant 0 : i32
      "tpu.region"() ({
        %run_scoped3A_1902 = tpu.sem_alloc : memref<!tpu.dma_semaphore, #tpu.memory_space<semaphore_mem>>
        %dma_start3A_1903 = arith.constant 0 : i32
        %dma_start3A_1904 = tpu.memref_slice %arg8[%run_scoped3A, %dma_start3A_1903] : memref<2x128xf32, #tpu.memory_space<hbm>> -> memref<1x128xf32, #tpu.memory_space<hbm>>
        %dma_start3A_1905 = tpu.memref_squeeze %dma_start3A_1904 : memref<1x128xf32, #tpu.memory_space<hbm>> -> memref<128xf32, #tpu.memory_space<hbm>>
        %dma_start3A_1906 = arith.constant 0 : i32
        %dma_start3A_1907 = tpu.memref_slice %arg8[%run_scoped3A, %dma_start3A_1906] : memref<2x128xf32, #tpu.memory_space<hbm>> -> memref<1x128xf32, #tpu.memory_space<hbm>>
        %dma_start3A_1908 = tpu.memref_squeeze %dma_start3A_1907 : memref<1x128xf32, #tpu.memory_space<hbm>> -> memref<128xf32, #tpu.memory_space<hbm>>
        tpu.enqueue_dma source(%arg16 : memref<128xf32, #tpu.memory_space<vmem>>) target(%dma_start3A_1908 : memref<128xf32, #tpu.memory_space<hbm>>) target_semaphore(%run_scoped3A_1902 : memref<!tpu.dma_semaphore, #tpu.memory_space<semaphore_mem>>)
        %dma_wait3A_1909 = arith.constant 0 : i32
        %dma_wait3A_1910 = tpu.memref_slice %arg8[%run_scoped3A, %dma_wait3A_1909] : memref<2x128xf32, #tpu.memory_space<hbm>> -> memref<1x128xf32, #tpu.memory_space<hbm>>
        %dma_wait3A_1911 = tpu.memref_squeeze %dma_wait3A_1910 : memref<1x128xf32, #tpu.memory_space<hbm>> -> memref<128xf32, #tpu.memory_space<hbm>>
        %dma_wait3A_1912 = arith.constant 0 : i32
        %dma_wait3A_1913 = tpu.memref_slice %arg8[%run_scoped3A, %dma_wait3A_1912] : memref<2x128xf32, #tpu.memory_space<hbm>> -> memref<1x128xf32, #tpu.memory_space<hbm>>
        %dma_wait3A_1914 = tpu.memref_squeeze %dma_wait3A_1913 : memref<1x128xf32, #tpu.memory_space<hbm>> -> memref<128xf32, #tpu.memory_space<hbm>>
        tpu.wait_dma2 semaphore(%run_scoped3A_1902 : memref<!tpu.dma_semaphore, #tpu.memory_space<semaphore_mem>>) src(%arg16 : memref<128xf32, #tpu.memory_space<vmem>>) dst(%dma_wait3A_1914 : memref<128xf32, #tpu.memory_space<hbm>>)
        tpu.yield
      }) : () -> ()
      %run_scoped3A_1901 = arith.constant 1 : i32
      "tpu.region"() ({
        %run_scoped3A_1902 = tpu.sem_alloc : memref<!tpu.dma_semaphore, #tpu.memory_space<semaphore_mem>>
        %dma_start3A_1903 = arith.constant 0 : i32
        %dma_start3A_1904 = tpu.memref_slice %arg8[%run_scoped3A_1901, %dma_start3A_1903] : memref<2x128xf32, #tpu.memory_space<hbm>> -> memref<1x128xf32, #tpu.memory_space<hbm>>
        %dma_start3A_1905 = tpu.memref_squeeze %dma_start3A_1904 : memref<1x128xf32, #tpu.memory_space<hbm>> -> memref<128xf32, #tpu.memory_space<hbm>>
        %dma_start3A_1906 = arith.constant 0 : i32
        %dma_start3A_1907 = tpu.memref_slice %arg8[%run_scoped3A_1901, %dma_start3A_1906] : memref<2x128xf32, #tpu.memory_space<hbm>> -> memref<1x128xf32, #tpu.memory_space<hbm>>
        %dma_start3A_1908 = tpu.memref_squeeze %dma_start3A_1907 : memref<1x128xf32, #tpu.memory_space<hbm>> -> memref<128xf32, #tpu.memory_space<hbm>>
        tpu.enqueue_dma source(%arg17 : memref<128xf32, #tpu.memory_space<vmem>>) target(%dma_start3A_1908 : memref<128xf32, #tpu.memory_space<hbm>>) target_semaphore(%run_scoped3A_1902 : memref<!tpu.dma_semaphore, #tpu.memory_space<semaphore_mem>>)
        %dma_wait3A_1909 = arith.constant 0 : i32
        %dma_wait3A_1910 = tpu.memref_slice %arg8[%run_scoped3A_1901, %dma_wait3A_1909] : memref<2x128xf32, #tpu.memory_space<hbm>> -> memref<1x128xf32, #tpu.memory_space<hbm>>
        %dma_wait3A_1911 = tpu.memref_squeeze %dma_wait3A_1910 : memref<1x128xf32, #tpu.memory_space<hbm>> -> memref<128xf32, #tpu.memory_space<hbm>>
        %dma_wait3A_1912 = arith.constant 0 : i32
        %dma_wait3A_1913 = tpu.memref_slice %arg8[%run_scoped3A_1901, %dma_wait3A_1912] : memref<2x128xf32, #tpu.memory_space<hbm>> -> memref<1x128xf32, #tpu.memory_space<hbm>>
        %dma_wait3A_1914 = tpu.memref_squeeze %dma_wait3A_1913 : memref<1x128xf32, #tpu.memory_space<hbm>> -> memref<128xf32, #tpu.memory_space<hbm>>
        tpu.wait_dma2 semaphore(%run_scoped3A_1902 : memref<!tpu.dma_semaphore, #tpu.memory_space<semaphore_mem>>) src(%arg17 : memref<128xf32, #tpu.memory_space<vmem>>) dst(%dma_wait3A_1914 : memref<128xf32, #tpu.memory_space<hbm>>)
        tpu.yield
      }) : () -> ()
    } else {
    }
    return
  }
}

module attributes {stable_mosaic.version = 14 : i64} {
  func.func @_body(%arg0: i32, %arg1: i32, %arg2: memref<1x1x32xi32, #tpu.memory_space<vmem>>, %arg3: memref<1x1xf32, #tpu.memory_space<smem>>, %arg4: memref<1x128x256xf32, #tpu.memory_space<vmem>>, %arg5: memref<512x256xf32, #tpu.memory_space<vmem>>, %arg6: memref<1x128x128x128xf32, #tpu.memory_space<vmem>>, %arg7: memref<3xf32, #tpu.memory_space<smem>>, %arg8: memref<2xf32, #tpu.memory_space<smem>>, %arg9: memref<8x128xf32, #tpu.memory_space<vmem>>, %arg10: memref<512x256xf32, #tpu.memory_space<vmem>>) attributes {dimension_semantics = [#tpu.dimension_semantics<arbitrary>, #tpu.dimension_semantics<arbitrary>], iteration_bounds = array<i64: 16, 1>, scalar_prefetch = 0 : i64, scratch_operands = 3 : i64, tpu.core_type = #tpu.core_type<tc>, window_params = [{transform_indices = @transform_0, window_bounds = array<i64: 1, 1, 32>}, {transform_indices = @transform_1, window_bounds = array<i64: 1, 1>}, {transform_indices = @transform_2, window_bounds = array<i64: 1, 128, 256>}, {pipeline_mode = #tpu.pipeline_mode<synchronous>, transform_indices = @transform_3, window_bounds = array<i64: 512, 256>}, {transform_indices = @transform_4, window_bounds = array<i64: 1, 128, 128, 128>}, {transform_indices = @transform_5, window_bounds = array<i64: 3>}]} {
    %eq3A = arith.constant 0 : i32
    %eq3A_0 = arith.cmpi eq, %arg0, %eq3A : i32
    %eq3A_1 = arith.constant 0 : i32
    %eq3A_2 = arith.cmpi eq, %arg1, %eq3A_1 : i32
    %and3A = arith.andi %eq3A_0, %eq3A_2 : i1
    %convert_element_type3A = arith.extui %and3A : i1 to i32
    %cond3A = arith.constant 0 : i32
    %cond3A_3 = arith.cmpi ne, %convert_element_type3A, %cond3A : i32
    scf.if %cond3A_3 {
      %swap3A_35 = arith.constant 0.000000e+00 : f32
      %swap3A_36 = arith.constant 0 : index
      %swap3A_37 = memref.load %arg8[%swap3A_36] : memref<2xf32, #tpu.memory_space<smem>>
      memref.store %swap3A_35, %arg8[%swap3A_36] : memref<2xf32, #tpu.memory_space<smem>>
      %swap3A_38 = arith.constant 0.000000e+00 : f32
      %swap3A_39 = arith.constant 1 : index
      %swap3A_40 = memref.load %arg8[%swap3A_39] : memref<2xf32, #tpu.memory_space<smem>>
      memref.store %swap3A_38, %arg8[%swap3A_39] : memref<2xf32, #tpu.memory_space<smem>>
      %broadcast_in_dim3A = arith.constant 0.000000e+00 : f32
      %broadcast_in_dim3A_41 = vector.broadcast %broadcast_in_dim3A : f32 to vector<8x128xf32>
      %swap3A_42 = arith.constant 0 : index
      %swap3A_43 = arith.constant 0 : index
      %swap3A_44 = vector.load %arg9[%swap3A_42, %swap3A_43] : memref<8x128xf32, #tpu.memory_space<vmem>>, vector<8x128xf32>
      tpu.vector_store %arg9[%swap3A_42, %swap3A_43], %broadcast_in_dim3A_41 {strides = array<i32>} : memref<8x128xf32, #tpu.memory_space<vmem>>, vector<8x128xf32>,
      %get3A_45 = arith.constant 0 : index
      %get3A_46 = arith.constant 0 : index
      %get3A_47 = vector.load %arg5[%get3A_45, %get3A_46] : memref<512x256xf32, #tpu.memory_space<vmem>>, vector<512x256xf32>
      %mul3A_48 = arith.mulf %get3A_47, %get3A_47 : vector<512x256xf32>
      %reduce_sum3A_49 = arith.constant dense<0.000000e+00> : vector<512xf32>
      %reduce_sum3A_50 = vector.multi_reduction <add>, %mul3A_48, %reduce_sum3A_49 [1] : vector<512x256xf32> to vector<512xf32>
      %broadcast_in_dim3A_51 = vector.shape_cast %reduce_sum3A_50 : vector<512xf32> to vector<512x1xf32>
      %max3A = arith.constant 1.000000e-24 : f32
      %max3A_52 = vector.broadcast %max3A : f32 to vector<512x1xf32>
      %max3A_53 = arith.maximumf %broadcast_in_dim3A_51, %max3A_52 : vector<512x1xf32>
      %rsqrt3A = math.rsqrt %max3A_53 : vector<512x1xf32>
      %mul3A_54 = vector.broadcast %rsqrt3A : vector<512x1xf32> to vector<512x256xf32>
      %mul3A_55 = arith.mulf %get3A_47, %mul3A_54 : vector<512x256xf32>
      %swap3A_56 = arith.constant 0 : index
      %swap3A_57 = arith.constant 0 : index
      %swap3A_58 = vector.load %arg10[%swap3A_56, %swap3A_57] : memref<512x256xf32, #tpu.memory_space<vmem>>, vector<512x256xf32>
      tpu.vector_store %arg10[%swap3A_56, %swap3A_57], %mul3A_55 {strides = array<i32>} : memref<512x256xf32, #tpu.memory_space<vmem>>, vector<512x256xf32>,
    } else {
    }
    %get3A = arith.constant 0 : index
    %get3A_4 = arith.constant 0 : index
    %get3A_5 = arith.constant 0 : index
    %get3A_6 = arith.constant 0 : index
    %get3A_7 = vector.load %arg6[%get3A, %get3A_4, %get3A_5, %get3A_6] : memref<1x128x128x128xf32, #tpu.memory_space<vmem>>, vector<1x128x128x128xf32>
    %get3A_8 = vector.shape_cast %get3A_7 : vector<1x128x128x128xf32> to vector<128x128x128xf32>
    %reshape3A = vector.shape_cast %get3A_8 : vector<128x128x128xf32> to vector<2048x8x128xf32>
    %get3A_9 = arith.constant 0 : index
    %get3A_10 = arith.constant 0 : index
    %get3A_11 = vector.load %arg9[%get3A_9, %get3A_10] : memref<8x128xf32, #tpu.memory_space<vmem>>, vector<8x128xf32>
    %exp3A = math.exp %reshape3A : vector<2048x8x128xf32>
    %add3A = arith.constant 1.000000e+00 : f32
    %add3A_12 = vector.broadcast %add3A : f32 to vector<2048x8x128xf32>
    %add3A_13 = arith.addf %add3A_12, %exp3A : vector<2048x8x128xf32>
    %log3A = math.log %add3A_13 : vector<2048x8x128xf32>
    %sub3A = arith.subf %reshape3A, %log3A : vector<2048x8x128xf32>
    %mul3A = arith.constant 4.000000e+00 : f32
    %mul3A_14 = vector.broadcast %mul3A : f32 to vector<2048x8x128xf32>
    %mul3A_15 = arith.mulf %mul3A_14, %sub3A : vector<2048x8x128xf32>
    %exp3A_16 = math.exp %mul3A_15 : vector<2048x8x128xf32>
    %mul3A_17 = arith.mulf %log3A, %exp3A_16 : vector<2048x8x128xf32>
    %reduce_sum3A = arith.constant dense<0.000000e+00> : vector<8x128xf32>
    %reduce_sum3A_18 = vector.multi_reduction <add>, %mul3A_17, %reduce_sum3A [0] : vector<2048x8x128xf32> to vector<8x128xf32>
    %add3A_19 = arith.addf %get3A_11, %reduce_sum3A_18 : vector<8x128xf32>
    %swap3A = arith.constant 0 : index
    %swap3A_20 = arith.constant 0 : index
    %swap3A_21 = vector.load %arg9[%swap3A, %swap3A_20] : memref<8x128xf32, #tpu.memory_space<vmem>>, vector<8x128xf32>
    tpu.vector_store %arg9[%swap3A, %swap3A_20], %add3A_19 {strides = array<i32>} : memref<8x128xf32, #tpu.memory_space<vmem>>, vector<8x128xf32>,
    %eq3A_22 = arith.constant 0 : i32
    %eq3A_23 = arith.cmpi eq, %arg1, %eq3A_22 : i32
    %convert_element_type3A_24 = arith.extui %eq3A_23 : i1 to i32
    %cond3A_25 = arith.constant 0 : i32
    %cond3A_26 = arith.cmpi ne, %convert_element_type3A_24, %cond3A_25 : i32
    scf.if %cond3A_26 {
      %get3A_35 = arith.constant 0 : index
      %get3A_36 = arith.constant 0 : index
      %get3A_37 = arith.constant 0 : index
      %get3A_38 = vector.load %arg4[%get3A_35, %get3A_36, %get3A_37] : memref<1x128x256xf32, #tpu.memory_space<vmem>>, vector<1x128x256xf32>
      %get3A_39 = vector.shape_cast %get3A_38 : vector<1x128x256xf32> to vector<128x256xf32>
      %mul3A_40 = arith.mulf %get3A_39, %get3A_39 : vector<128x256xf32>
      %reduce_sum3A_41 = arith.constant dense<0.000000e+00> : vector<128xf32>
      %reduce_sum3A_42 = vector.multi_reduction <add>, %mul3A_40, %reduce_sum3A_41 [1] : vector<128x256xf32> to vector<128xf32>
      %broadcast_in_dim3A = vector.shape_cast %reduce_sum3A_42 : vector<128xf32> to vector<128x1xf32>
      %max3A = arith.constant 1.000000e-24 : f32
      %max3A_43 = vector.broadcast %max3A : f32 to vector<128x1xf32>
      %max3A_44 = arith.maximumf %broadcast_in_dim3A, %max3A_43 : vector<128x1xf32>
      %rsqrt3A = math.rsqrt %max3A_44 : vector<128x1xf32>
      %mul3A_45 = vector.broadcast %rsqrt3A : vector<128x1xf32> to vector<128x256xf32>
      %mul3A_46 = arith.mulf %get3A_39, %mul3A_45 : vector<128x256xf32>
      %get3A_47 = arith.constant 0 : index
      %get3A_48 = arith.constant 0 : index
      %get3A_49 = vector.load %arg10[%get3A_47, %get3A_48] : memref<512x256xf32, #tpu.memory_space<vmem>>, vector<512x256xf32>
      %dot_general3A = arith.constant dense<0.000000e+00> : vector<512x128xf32>
      %dot_general3A_50 = tpu.matmul %get3A_49, %mul3A_46, %dot_general3A {dimension_numbers = #tpu.dot_dimension_numbers<[1], [1], [0], [0], [0, 0, 1, 0], [], []>, transpose_lhs_hint = false} : vector<512x256xf32>, vector<128x256xf32>, vector<512x128xf32> -> vector<512x128xf32>
      %get3A_51 = arith.constant 0 : index
      %get3A_52 = arith.constant 0 : index
      %get3A_53 = arith.constant 0 : index
      %get3A_54 = vector.load %arg2[%get3A_51, %get3A_52, %get3A_53] : memref<1x1x32xi32, #tpu.memory_space<vmem>>, vector<1x1x32xi32>
      %get3A_55 = vector.shape_cast %get3A_54 : vector<1x1x32xi32> to vector<1x32xi32>
      %convert_element_type3A_56 = arith.sitofp %get3A_55 : vector<1x32xi32> to vector<1x32xf32>
      %transpose3A = tpu.transpose %convert_element_type3A_56, [1, 0] : vector<1x32xf32> -> vector<32x1xf32>
      %iota3A = tpu.iota {dimensions = array<i32: 1>} : vector<32x512xi32>
      %convert_element_type3A_57 = arith.sitofp %iota3A : vector<32x512xi32> to vector<32x512xf32>
      %eq3A_58 = vector.broadcast %transpose3A : vector<32x1xf32> to vector<32x512xf32>
      %eq3A_59 = arith.cmpf oeq, %convert_element_type3A_57, %eq3A_58 : vector<32x512xf32>
      %convert_element_type3A_60 = arith.extui %eq3A_59 : vector<32x512xi1> to vector<32x512xi32>
      %convert_element_type3A_61 = arith.sitofp %convert_element_type3A_60 : vector<32x512xi32> to vector<32x512xf32>
      %dot_general3A_62 = arith.constant dense<0.000000e+00> : vector<32x128xf32>
      %dot_general3A_63 = tpu.matmul %convert_element_type3A_61, %dot_general3A_50, %dot_general3A_62 {dimension_numbers = #tpu.dot_dimension_numbers<[1], [0], [0], [1], [0, 0, 1, 1], [], []>, transpose_lhs_hint = false} : vector<32x512xf32>, vector<512x128xf32>, vector<32x128xf32> -> vector<32x128xf32>
      %dot_general3A_64 = arith.constant dense<0.000000e+00> : vector<32x32xf32>
      %dot_general3A_65 = tpu.matmul %convert_element_type3A_61, %convert_element_type3A_61, %dot_general3A_64 {dimension_numbers = #tpu.dot_dimension_numbers<[1], [1], [0], [0], [0, 0, 1, 0], [], []>, transpose_lhs_hint = false} : vector<32x512xf32>, vector<32x512xf32>, vector<32x32xf32> -> vector<32x32xf32>
      %iota3A_66 = tpu.iota {dimensions = array<i32: 0>} : vector<32x128xi32>
      %iota3A_67 = tpu.iota {dimensions = array<i32: 1>} : vector<32x128xi32>
      %eq3A_68 = arith.cmpi eq, %iota3A_67, %iota3A_66 : vector<32x128xi32>
      %convert_element_type3A_69 = arith.extui %eq3A_68 : vector<32x128xi1> to vector<32x128xi32>
      %convert_element_type3A_70 = arith.sitofp %convert_element_type3A_69 : vector<32x128xi32> to vector<32x128xf32>
      %dot_general3A_71 = arith.constant dense<0.000000e+00> : vector<32x128xf32>
      %dot_general3A_72 = tpu.matmul %dot_general3A_65, %convert_element_type3A_70, %dot_general3A_71 {dimension_numbers = #tpu.dot_dimension_numbers<[1], [0], [0], [1], [0, 0, 1, 1], [], []>, transpose_lhs_hint = false} : vector<32x32xf32>, vector<32x128xf32>, vector<32x128xf32> -> vector<32x128xf32>
      %mul3A_73 = arith.constant 1.000000e+30 : f32
      %mul3A_74 = vector.broadcast %mul3A_73 : f32 to vector<32x128xf32>
      %mul3A_75 = arith.mulf %mul3A_74, %dot_general3A_72 : vector<32x128xf32>
      %sub3A_76 = arith.subf %dot_general3A_63, %mul3A_75 : vector<32x128xf32>
      %eq3A_77 = arith.cmpi eq, %iota3A_67, %iota3A_66 : vector<32x128xi32>
      %convert_element_type3A_78 = arith.extui %eq3A_77 : vector<32x128xi1> to vector<32x128xi32>
      %convert_element_type3A_79 = arith.sitofp %convert_element_type3A_78 : vector<32x128xi32> to vector<32x128xf32>
      %add3A_80 = arith.constant 1 : i32
      %add3A_81 = vector.broadcast %add3A_80 : i32 to vector<32x128xi32>
      %add3A_82 = arith.addi %iota3A_66, %add3A_81 : vector<32x128xi32>
      %eq3A_83 = arith.cmpi eq, %iota3A_67, %add3A_82 : vector<32x128xi32>
      %convert_element_type3A_84 = arith.extui %eq3A_83 : vector<32x128xi1> to vector<32x128xi32>
      %convert_element_type3A_85 = arith.sitofp %convert_element_type3A_84 : vector<32x128xi32> to vector<32x128xf32>
      %add3A_86 = arith.constant 2 : i32
      %add3A_87 = vector.broadcast %add3A_86 : i32 to vector<32x128xi32>
      %add3A_88 = arith.addi %iota3A_66, %add3A_87 : vector<32x128xi32>
      %eq3A_89 = arith.cmpi eq, %iota3A_67, %add3A_88 : vector<32x128xi32>
      %convert_element_type3A_90 = arith.extui %eq3A_89 : vector<32x128xi1> to vector<32x128xi32>
      %convert_element_type3A_91 = arith.sitofp %convert_element_type3A_90 : vector<32x128xi32> to vector<32x128xf32>
      %mul3A_92 = arith.mulf %dot_general3A_63, %convert_element_type3A_79 : vector<32x128xf32>
      %reduce_sum3A_93 = arith.constant dense<0.000000e+00> : vector<32xf32>
      %reduce_sum3A_94 = vector.multi_reduction <add>, %mul3A_92, %reduce_sum3A_93 [1] : vector<32x128xf32> to vector<32xf32>
      %broadcast_in_dim3A_95 = vector.shape_cast %reduce_sum3A_94 : vector<32xf32> to vector<32x1xf32>
      %mul3A_96 = arith.mulf %dot_general3A_63, %convert_element_type3A_85 : vector<32x128xf32>
      %reduce_sum3A_97 = arith.constant dense<0.000000e+00> : vector<32xf32>
      %reduce_sum3A_98 = vector.multi_reduction <add>, %mul3A_96, %reduce_sum3A_97 [1] : vector<32x128xf32> to vector<32xf32>
      %broadcast_in_dim3A_99 = vector.shape_cast %reduce_sum3A_98 : vector<32xf32> to vector<32x1xf32>
      %mul3A_100 = arith.mulf %dot_general3A_63, %convert_element_type3A_91 : vector<32x128xf32>
      %reduce_sum3A_101 = arith.constant dense<0.000000e+00> : vector<32xf32>
      %reduce_sum3A_102 = vector.multi_reduction <add>, %mul3A_100, %reduce_sum3A_101 [1] : vector<32x128xf32> to vector<32xf32>
      %broadcast_in_dim3A_103 = vector.shape_cast %reduce_sum3A_102 : vector<32xf32> to vector<32x1xf32>
      %reduce_max3A = arith.constant dense<0xFF800000> : vector<32xf32>
      %reduce_max3A_104 = vector.multi_reduction <maximumf>, %sub3A_76, %reduce_max3A [1] : vector<32x128xf32> to vector<32xf32>
      %broadcast_in_dim3A_105 = vector.shape_cast %reduce_max3A_104 : vector<32xf32> to vector<32x1xf32>
      %ge3A = vector.broadcast %broadcast_in_dim3A_105 : vector<32x1xf32> to vector<32x128xf32>
      %ge3A_106 = arith.cmpf oge, %sub3A_76, %ge3A : vector<32x128xf32>
      %jit3A = arith.constant -1.000000e+30 : f32
      %broadcast_in_dim3A_107 = vector.broadcast %jit3A : f32 to vector<32x128xf32>
      %select_n3A = arith.select %ge3A_106, %broadcast_in_dim3A_107, %sub3A_76 : vector<32x128xi1>, vector<32x128xf32>
      %reduce_max3A_108 = arith.constant dense<0xFF800000> : vector<32xf32>
      %reduce_max3A_109 = vector.multi_reduction <maximumf>, %select_n3A, %reduce_max3A_108 [1] : vector<32x128xf32> to vector<32xf32>
      %broadcast_in_dim3A_110 = vector.shape_cast %reduce_max3A_109 : vector<32xf32> to vector<32x1xf32>
      %ge3A_111 = vector.broadcast %broadcast_in_dim3A_110 : vector<32x1xf32> to vector<32x128xf32>
      %ge3A_112 = arith.cmpf oge, %select_n3A, %ge3A_111 : vector<32x128xf32>
      %jit3A_113 = arith.constant -1.000000e+30 : f32
      %broadcast_in_dim3A_114 = vector.broadcast %jit3A_113 : f32 to vector<32x128xf32>
      %select_n3A_115 = arith.select %ge3A_112, %broadcast_in_dim3A_114, %select_n3A : vector<32x128xi1>, vector<32x128xf32>
      %reduce_max3A_116 = arith.constant dense<0xFF800000> : vector<32xf32>
      %reduce_max3A_117 = vector.multi_reduction <maximumf>, %select_n3A_115, %reduce_max3A_116 [1] : vector<32x128xf32> to vector<32xf32>
      %broadcast_in_dim3A_118 = vector.shape_cast %reduce_max3A_117 : vector<32xf32> to vector<32x1xf32>
      %sub3A_119 = arith.constant 1.000000e+00 : f32
      %sub3A_120 = vector.broadcast %sub3A_119 : f32 to vector<32x1xf32>
      %sub3A_121 = arith.subf %sub3A_120, %broadcast_in_dim3A_95 : vector<32x1xf32>
      %add3A_122 = arith.addf %broadcast_in_dim3A_105, %sub3A_121 : vector<32x1xf32>
      %max3A_123 = arith.constant 0.000000e+00 : f32
      %max3A_124 = vector.broadcast %max3A_123 : f32 to vector<32x1xf32>
      %max3A_125 = arith.maximumf %add3A_122, %max3A_124 : vector<32x1xf32>
      %add3A_126 = arith.addf %broadcast_in_dim3A_110, %sub3A_121 : vector<32x1xf32>
      %max3A_127 = arith.constant 0.000000e+00 : f32
      %max3A_128 = vector.broadcast %max3A_127 : f32 to vector<32x1xf32>
      %max3A_129 = arith.maximumf %add3A_126, %max3A_128 : vector<32x1xf32>
      %add3A_130 = arith.addf %max3A_125, %max3A_129 : vector<32x1xf32>
      %add3A_131 = arith.addf %broadcast_in_dim3A_118, %sub3A_121 : vector<32x1xf32>
      %max3A_132 = arith.constant 0.000000e+00 : f32
      %max3A_133 = vector.broadcast %max3A_132 : f32 to vector<32x1xf32>
      %max3A_134 = arith.maximumf %add3A_131, %max3A_133 : vector<32x1xf32>
      %add3A_135 = arith.addf %add3A_130, %max3A_134 : vector<32x1xf32>
      %add3A_136 = arith.addf %broadcast_in_dim3A_99, %sub3A_121 : vector<32x1xf32>
      %max3A_137 = arith.constant 0.000000e+00 : f32
      %max3A_138 = vector.broadcast %max3A_137 : f32 to vector<32x1xf32>
      %max3A_139 = arith.maximumf %add3A_136, %max3A_138 : vector<32x1xf32>
      %add3A_140 = arith.addf %add3A_135, %max3A_139 : vector<32x1xf32>
      %add3A_141 = arith.addf %broadcast_in_dim3A_103, %sub3A_121 : vector<32x1xf32>
      %max3A_142 = arith.constant 0.000000e+00 : f32
      %max3A_143 = vector.broadcast %max3A_142 : f32 to vector<32x1xf32>
      %max3A_144 = arith.maximumf %add3A_141, %max3A_143 : vector<32x1xf32>
      %add3A_145 = arith.addf %add3A_140, %max3A_144 : vector<32x1xf32>
      %get3A_146 = arith.constant 0 : index
      %get3A_147 = memref.load %arg8[%get3A_146] : memref<2xf32, #tpu.memory_space<smem>>
      %reduce_sum3A_148 = vector.shape_cast %add3A_145 : vector<32x1xf32> to vector<1x32x1xf32>
      %reduce_sum3A_149 = arith.constant dense<0.000000e+00> : vector<1xf32>
      %reduce_sum3A_150 = vector.multi_reduction <add>, %reduce_sum3A_148, %reduce_sum3A_149 [1, 2] : vector<1x32x1xf32> to vector<1xf32>
      %reduce_sum3A_151 = vector.shape_cast %reduce_sum3A_150 : vector<1xf32> to vector<1x1x1xf32>
      %reduce_sum3A_152 = vector.extract %reduce_sum3A_151[0, 0, 0] : f32 from vector<1x1x1xf32>
      %add3A_153 = arith.addf %get3A_147, %reduce_sum3A_152 : f32
      %swap3A_154 = arith.constant 0 : index
      %swap3A_155 = memref.load %arg8[%swap3A_154] : memref<2xf32, #tpu.memory_space<smem>>
      memref.store %add3A_153, %arg8[%swap3A_154] : memref<2xf32, #tpu.memory_space<smem>>
      %get3A_156 = arith.constant 0 : index
      %get3A_157 = arith.constant 0 : index
      %get3A_158 = memref.load %arg3[%get3A_156, %get3A_157] : memref<1x1xf32, #tpu.memory_space<smem>>
      %slice3A = vector.extract_strided_slice %dot_general3A_50 {offsets = [0, 0], sizes = [512, 32], strides = [1, 1]} : vector<512x128xf32> to vector<512x32xf32>
      %mul3A_159 = vector.broadcast %get3A_158 : f32 to vector<512x32xf32>
      %mul3A_160 = arith.mulf %slice3A, %mul3A_159 : vector<512x32xf32>
      %reduce_max3A_161 = arith.constant dense<0xFF800000> : vector<32xf32>
      %reduce_max3A_162 = vector.multi_reduction <maximumf>, %mul3A_160, %reduce_max3A_161 [0] : vector<512x32xf32> to vector<32xf32>
      %broadcast_in_dim3A_163 = vector.shape_cast %reduce_max3A_162 : vector<32xf32> to vector<1x32xf32>
      %sub3A_164 = vector.broadcast %broadcast_in_dim3A_163 : vector<1x32xf32> to vector<512x32xf32>
      %sub3A_165 = arith.subf %mul3A_160, %sub3A_164 : vector<512x32xf32>
      %exp3A_166 = math.exp %sub3A_165 : vector<512x32xf32>
      %reduce_sum3A_167 = arith.constant dense<0.000000e+00> : vector<32xf32>
      %reduce_sum3A_168 = vector.multi_reduction <add>, %exp3A_166, %reduce_sum3A_167 [0] : vector<512x32xf32> to vector<32xf32>
      %broadcast_in_dim3A_169 = vector.shape_cast %reduce_sum3A_168 : vector<32xf32> to vector<1x32xf32>
      %log3A_170 = math.log %broadcast_in_dim3A_169 : vector<1x32xf32>
      %add3A_171 = arith.addf %log3A_170, %broadcast_in_dim3A_163 : vector<1x32xf32>
      %get3A_172 = arith.constant 1 : index
      %get3A_173 = memref.load %arg8[%get3A_172] : memref<2xf32, #tpu.memory_space<smem>>
      %reduce_sum3A_174 = vector.shape_cast %add3A_171 : vector<1x32xf32> to vector<1x1x32xf32>
      %reduce_sum3A_175 = arith.constant dense<0.000000e+00> : vector<1xf32>
      %reduce_sum3A_176 = vector.multi_reduction <add>, %reduce_sum3A_174, %reduce_sum3A_175 [1, 2] : vector<1x1x32xf32> to vector<1xf32>
      %reduce_sum3A_177 = vector.shape_cast %reduce_sum3A_176 : vector<1xf32> to vector<1x1x1xf32>
      %reduce_sum3A_178 = vector.extract %reduce_sum3A_177[0, 0, 0] : f32 from vector<1x1x1xf32>
      %reduce_sum3A_179 = vector.shape_cast %broadcast_in_dim3A_95 : vector<32x1xf32> to vector<1x32x1xf32>
      %reduce_sum3A_180 = arith.constant dense<0.000000e+00> : vector<1xf32>
      %reduce_sum3A_181 = vector.multi_reduction <add>, %reduce_sum3A_179, %reduce_sum3A_180 [1, 2] : vector<1x32x1xf32> to vector<1xf32>
      %reduce_sum3A_182 = vector.shape_cast %reduce_sum3A_181 : vector<1xf32> to vector<1x1x1xf32>
      %reduce_sum3A_183 = vector.extract %reduce_sum3A_182[0, 0, 0] : f32 from vector<1x1x1xf32>
      %mul3A_184 = arith.mulf %get3A_158, %reduce_sum3A_183 : f32
      %sub3A_185 = arith.subf %reduce_sum3A_178, %mul3A_184 : f32
      %add3A_186 = arith.addf %get3A_173, %sub3A_185 : f32
      %swap3A_187 = arith.constant 1 : index
      %swap3A_188 = memref.load %arg8[%swap3A_187] : memref<2xf32, #tpu.memory_space<smem>>
      memref.store %add3A_186, %arg8[%swap3A_187] : memref<2xf32, #tpu.memory_space<smem>>
    } else {
    }
    %eq3A_27 = arith.constant 15 : i32
    %eq3A_28 = arith.cmpi eq, %arg0, %eq3A_27 : i32
    %eq3A_29 = arith.constant 0 : i32
    %eq3A_30 = arith.cmpi eq, %arg1, %eq3A_29 : i32
    %and3A_31 = arith.andi %eq3A_28, %eq3A_30 : i1
    %convert_element_type3A_32 = arith.extui %and3A_31 : i1 to i32
    %cond3A_33 = arith.constant 0 : i32
    %cond3A_34 = arith.cmpi ne, %convert_element_type3A_32, %cond3A_33 : i32
    scf.if %cond3A_34 {
      %get3A_35 = arith.constant 0 : index
      %get3A_36 = memref.load %arg8[%get3A_35] : memref<2xf32, #tpu.memory_space<smem>>
      %swap3A_37 = arith.constant 0 : index
      %swap3A_38 = memref.load %arg7[%swap3A_37] : memref<3xf32, #tpu.memory_space<smem>>
      memref.store %get3A_36, %arg7[%swap3A_37] : memref<3xf32, #tpu.memory_space<smem>>
      %get3A_39 = arith.constant 1 : index
      %get3A_40 = memref.load %arg8[%get3A_39] : memref<2xf32, #tpu.memory_space<smem>>
      %swap3A_41 = arith.constant 1 : index
      %swap3A_42 = memref.load %arg7[%swap3A_41] : memref<3xf32, #tpu.memory_space<smem>>
      memref.store %get3A_40, %arg7[%swap3A_41] : memref<3xf32, #tpu.memory_space<smem>>
      %get3A_43 = arith.constant 0 : index
      %get3A_44 = arith.constant 0 : index
      %get3A_45 = vector.load %arg9[%get3A_43, %get3A_44] : memref<8x128xf32, #tpu.memory_space<vmem>>, vector<8x128xf32>
      %reduce_sum3A_46 = vector.shape_cast %get3A_45 : vector<8x128xf32> to vector<1x8x128xf32>
      %reduce_sum3A_47 = arith.constant dense<0.000000e+00> : vector<1xf32>
      %reduce_sum3A_48 = vector.multi_reduction <add>, %reduce_sum3A_46, %reduce_sum3A_47 [1, 2] : vector<1x8x128xf32> to vector<1xf32>
      %reduce_sum3A_49 = vector.shape_cast %reduce_sum3A_48 : vector<1xf32> to vector<1x1x1xf32>
      %reduce_sum3A_50 = vector.extract %reduce_sum3A_49[0, 0, 0] : f32 from vector<1x1x1xf32>
      %mul3A_51 = arith.constant 2.500000e-01 : f32
      %mul3A_52 = arith.mulf %mul3A_51, %reduce_sum3A_50 : f32
      %swap3A_53 = arith.constant 2 : index
      %swap3A_54 = memref.load %arg7[%swap3A_53] : memref<3xf32, #tpu.memory_space<smem>>
      memref.store %mul3A_52, %arg7[%swap3A_53] : memref<3xf32, #tpu.memory_space<smem>>
    } else {
    }
    return
  }
  func.func @transform_0(%arg0: i32, %arg1: i32) -> (i32, i32, i32) {
    %c0_i32 = arith.constant 0 : i32
    %c0_i32_0 = arith.constant 0 : i32
    %c0_i32_1 = arith.constant 0 : i32
    return %arg0, %c0_i32, %c0_i32_0 : i32, i32, i32
  }
  func.func @transform_1(%arg0: i32, %arg1: i32) -> (i32, i32) {
    %c0_i32 = arith.constant 0 : i32
    %c0_i32_0 = arith.constant 0 : i32
    %c0_i32_1 = arith.constant 0 : i32
    return %c0_i32, %c0_i32_0 : i32, i32
  }
  func.func @transform_2(%arg0: i32, %arg1: i32) -> (i32, i32, i32) {
    %c0_i32 = arith.constant 0 : i32
    %c0_i32_0 = arith.constant 0 : i32
    %c0_i32_1 = arith.constant 0 : i32
    return %arg0, %c0_i32, %c0_i32_0 : i32, i32, i32
  }
  func.func @transform_3(%arg0: i32, %arg1: i32) -> (i32, i32) {
    %c0_i32 = arith.constant 0 : i32
    %c0_i32_0 = arith.constant 0 : i32
    %c0_i32_1 = arith.constant 0 : i32
    return %c0_i32, %c0_i32_0 : i32, i32
  }
  func.func @transform_4(%arg0: i32, %arg1: i32) -> (i32, i32, i32, i32) {
    %c0_i32 = arith.constant 0 : i32
    %c0_i32_0 = arith.constant 0 : i32
    %c0_i32_1 = arith.constant 0 : i32
    return %arg0, %arg1, %c0_i32, %c0_i32_0 : i32, i32, i32, i32
  }
  func.func @transform_5(%arg0: i32, %arg1: i32) -> i32 {
    %c0_i32 = arith.constant 0 : i32
    %c0_i32_0 = arith.constant 0 : i32
    return %c0_i32 : i32
  }
}

module attributes {stable_mosaic.version = 14 : i64} {
  func.func @_combine_body(%arg0: memref<3xf32, #tpu.memory_space<smem>>, %arg1: memref<128x128xf32, #tpu.memory_space<vmem>>, %arg2: memref<2x128xf32, #tpu.memory_space<vmem>>, %arg3: memref<3xf32, #tpu.memory_space<smem>>) attributes {dimension_semantics = [], scalar_prefetch = 0 : i64, scratch_operands = 0 : i64, tpu.core_type = #tpu.core_type<tc>} {
    %get3A = arith.constant 0 : index
    %get3A_0 = arith.constant 0 : index
    %get3A_1 = vector.load %arg1[%get3A, %get3A_0] : memref<128x128xf32, #tpu.memory_space<vmem>>, vector<128x128xf32>
    %get3A_2 = arith.constant 0 : index
    %get3A_3 = arith.constant 0 : index
    %get3A_4 = vector.load %arg2[%get3A_2, %get3A_3] : memref<2x128xf32, #tpu.memory_space<vmem>>, vector<1x128xf32>
    %get3A_5 = arith.constant 1 : index
    %get3A_6 = arith.constant 0 : index
    %get3A_7 = vector.load %arg2[%get3A_5, %get3A_6] : memref<2x128xf32, #tpu.memory_space<vmem>>, vector<1x128xf32>
    %transpose3A = tpu.transpose %get3A_4, [1, 0] : vector<1x128xf32> -> vector<128x1xf32>
    %iota3A = tpu.iota {dimensions = array<i32: 1>} : vector<128x128xi32>
    %convert_element_type3A = arith.sitofp %iota3A : vector<128x128xi32> to vector<128x128xf32>
    %eq3A = vector.broadcast %transpose3A : vector<128x1xf32> to vector<128x128xf32>
    %eq3A_8 = arith.cmpf oeq, %convert_element_type3A, %eq3A : vector<128x128xf32>
    %convert_element_type3A_9 = arith.extui %eq3A_8 : vector<128x128xi1> to vector<128x128xi32>
    %convert_element_type3A_10 = arith.sitofp %convert_element_type3A_9 : vector<128x128xi32> to vector<128x128xf32>
    %mul3A = arith.mulf %get3A_1, %convert_element_type3A_10 : vector<128x128xf32>
    %reduce_sum3A = arith.constant dense<0.000000e+00> : vector<128xf32>
    %reduce_sum3A_11 = vector.multi_reduction <add>, %mul3A, %reduce_sum3A [1] : vector<128x128xf32> to vector<128xf32>
    %broadcast_in_dim3A = vector.shape_cast %reduce_sum3A_11 : vector<128xf32> to vector<128x1xf32>
    %transpose3A_12 = tpu.transpose %get3A_7, [1, 0] : vector<1x128xf32> -> vector<128x1xf32>
    %abs3A = math.absf %broadcast_in_dim3A : vector<128x1xf32>
    %neg3A = arith.constant 0.000000e+00 : f32
    %neg3A_13 = vector.broadcast %neg3A : f32 to vector<128x1xf32>
    %neg3A_14 = arith.subf %neg3A_13, %abs3A : vector<128x1xf32>
    %exp3A = math.exp %neg3A_14 : vector<128x1xf32>
    %add3A = arith.constant 1.000000e+00 : f32
    %add3A_15 = vector.broadcast %add3A : f32 to vector<128x1xf32>
    %add3A_16 = arith.addf %add3A_15, %exp3A : vector<128x1xf32>
    %log3A = math.log %add3A_16 : vector<128x1xf32>
    %ge3A = arith.constant 0.000000e+00 : f32
    %ge3A_17 = vector.broadcast %ge3A : f32 to vector<128x1xf32>
    %ge3A_18 = arith.cmpf oge, %broadcast_in_dim3A, %ge3A_17 : vector<128x1xf32>
    %mul3A_19 = arith.mulf %exp3A, %exp3A : vector<128x1xf32>
    %mul3A_20 = arith.mulf %mul3A_19, %mul3A_19 : vector<128x1xf32>
    %jit3A = arith.constant 1.000000e+00 : f32
    %broadcast_in_dim3A_21 = vector.broadcast %jit3A : f32 to vector<128x1xf32>
    %select_n3A = arith.select %ge3A_18, %broadcast_in_dim3A_21, %mul3A_20 : vector<128x1xi1>, vector<128x1xf32>
    %jit3A_22 = arith.constant 1.000000e+00 : f32
    %broadcast_in_dim3A_23 = vector.broadcast %jit3A_22 : f32 to vector<128x1xf32>
    %select_n3A_24 = arith.select %ge3A_18, %mul3A_20, %broadcast_in_dim3A_23 : vector<128x1xi1>, vector<128x1xf32>
    %mul3A_25 = arith.mulf %add3A_16, %add3A_16 : vector<128x1xf32>
    %mul3A_26 = arith.mulf %mul3A_25, %mul3A_25 : vector<128x1xf32>
    %max3A = arith.constant 0.000000e+00 : f32
    %max3A_27 = vector.broadcast %max3A : f32 to vector<128x1xf32>
    %max3A_28 = arith.maximumf %broadcast_in_dim3A, %max3A_27 : vector<128x1xf32>
    %add3A_29 = arith.addf %max3A_28, %log3A : vector<128x1xf32>
    %mul3A_30 = arith.constant 2.500000e-01 : f32
    %mul3A_31 = vector.broadcast %mul3A_30 : f32 to vector<128x1xf32>
    %mul3A_32 = arith.mulf %mul3A_31, %add3A_29 : vector<128x1xf32>
    %mul3A_33 = arith.mulf %mul3A_32, %select_n3A : vector<128x1xf32>
    %div3A = arith.divf %mul3A_33, %mul3A_26 : vector<128x1xf32>
    %neg3A_34 = arith.constant 0.000000e+00 : f32
    %neg3A_35 = vector.broadcast %neg3A_34 : f32 to vector<128x1xf32>
    %neg3A_36 = arith.subf %neg3A_35, %broadcast_in_dim3A : vector<128x1xf32>
    %max3A_37 = arith.constant 0.000000e+00 : f32
    %max3A_38 = vector.broadcast %max3A_37 : f32 to vector<128x1xf32>
    %max3A_39 = arith.maximumf %neg3A_36, %max3A_38 : vector<128x1xf32>
    %add3A_40 = arith.addf %max3A_39, %log3A : vector<128x1xf32>
    %mul3A_41 = arith.constant 7.500000e-01 : f32
    %mul3A_42 = vector.broadcast %mul3A_41 : f32 to vector<128x1xf32>
    %mul3A_43 = arith.mulf %mul3A_42, %add3A_40 : vector<128x1xf32>
    %mul3A_44 = arith.mulf %mul3A_43, %select_n3A_24 : vector<128x1xf32>
    %div3A_45 = arith.divf %mul3A_44, %mul3A_26 : vector<128x1xf32>
    %sub3A = arith.subf %div3A_45, %div3A : vector<128x1xf32>
    %mul3A_46 = arith.mulf %sub3A, %transpose3A_12 : vector<128x1xf32>
    %reduce_sum3A_47 = vector.shape_cast %mul3A_46 : vector<128x1xf32> to vector<1x128x1xf32>
    %reduce_sum3A_48 = arith.constant dense<0.000000e+00> : vector<1xf32>
    %reduce_sum3A_49 = vector.multi_reduction <add>, %reduce_sum3A_47, %reduce_sum3A_48 [1, 2] : vector<1x128x1xf32> to vector<1xf32>
    %reduce_sum3A_50 = vector.shape_cast %reduce_sum3A_49 : vector<1xf32> to vector<1x1x1xf32>
    %reduce_sum3A_51 = vector.extract %reduce_sum3A_50[0, 0, 0] : f32 from vector<1x1x1xf32>
    %reduce_sum3A_52 = vector.shape_cast %get3A_7 : vector<1x128xf32> to vector<1x1x128xf32>
    %reduce_sum3A_53 = arith.constant dense<0.000000e+00> : vector<1xf32>
    %reduce_sum3A_54 = vector.multi_reduction <add>, %reduce_sum3A_52, %reduce_sum3A_53 [1, 2] : vector<1x1x128xf32> to vector<1xf32>
    %reduce_sum3A_55 = vector.shape_cast %reduce_sum3A_54 : vector<1xf32> to vector<1x1x1xf32>
    %reduce_sum3A_56 = vector.extract %reduce_sum3A_55[0, 0, 0] : f32 from vector<1x1x1xf32>
    %get3A_57 = arith.constant 0 : index
    %get3A_58 = memref.load %arg0[%get3A_57] : memref<3xf32, #tpu.memory_space<smem>>
    %div3A_59 = arith.constant 2.560000e+03 : f32
    %div3A_60 = arith.divf %get3A_58, %div3A_59 : f32
    %swap3A = arith.constant 0 : index
    %swap3A_61 = memref.load %arg3[%swap3A] : memref<3xf32, #tpu.memory_space<smem>>
    memref.store %div3A_60, %arg3[%swap3A] : memref<3xf32, #tpu.memory_space<smem>>
    %get3A_62 = arith.constant 1 : index
    %get3A_63 = memref.load %arg0[%get3A_62] : memref<3xf32, #tpu.memory_space<smem>>
    %div3A_64 = arith.constant 5.120000e+02 : f32
    %div3A_65 = arith.divf %get3A_63, %div3A_64 : f32
    %swap3A_66 = arith.constant 1 : index
    %swap3A_67 = memref.load %arg3[%swap3A_66] : memref<3xf32, #tpu.memory_space<smem>>
    memref.store %div3A_65, %arg3[%swap3A_66] : memref<3xf32, #tpu.memory_space<smem>>
    %get3A_68 = arith.constant 2 : index
    %get3A_69 = memref.load %arg0[%get3A_68] : memref<3xf32, #tpu.memory_space<smem>>
    %add3A_70 = arith.addf %get3A_69, %reduce_sum3A_51 : f32
    %div3A_71 = arith.divf %add3A_70, %reduce_sum3A_56 : f32
    %swap3A_72 = arith.constant 2 : index
    %swap3A_73 = memref.load %arg3[%swap3A_72] : memref<3xf32, #tpu.memory_space<smem>>
    memref.store %div3A_71, %arg3[%swap3A_72] : memref<3xf32, #tpu.memory_space<smem>>
    return
  }
}

</mosaic_0001>

<sc_bundles>
// kernel: _run.5.cloned.1.call-start
scs
__scs_entry_jumppad:
0x0: {  	(pc) =	sbr.rel $0x88, $3  }
0x1: {  	(tag) =	ssettag $0x0;
	lr =	simm.s32 $0x1  }
0x2: {  	[smem:$0x3F9B] =	sst lr;
	_ =	strace $0xD0000000  }
0x3: {  	_ = 	snop  }
0x4: {  	_ = 	snop  }
0x5: {  	_ = 	snop  }
0x6: {  	_ = 	snop  }
0x7: {  	_ = 	snop  }
__scs_overlays_trampoline_lowered:
0x8: {  	[smem:$0x3FAA] =	sst s0  }
0x9: {  	[smem:$0x3FAB] =	sst s1  }
0xa: {  	[smem:$0x3FAC] =	sst s2  }
0xb: {  	[smem:$0x3FAD] =	sst s3  }
0xc: {  	[smem:$0x3FAE] =	sst s4  }
0xd: {  	[smem:$0x3FAF] =	sst s5  }
0xe: {  	[smem:$0x3FB0] =	sst s6  }
0xf: {  	[smem:$0x3FB1] =	sst s7  }
0x10: {  	[smem:$0x3FB2] =	sst s8  }
0x11: {  	[smem:$0x3FB3] =	sst s9;
	s0 =	simm.s32 @!p0 $0x0  }
0x12: {  	s1 =	sld [smem:$0x3F99];
	s0 =	simm.s32 @p0 $0x1  }
0x13: {  	[smem:$0x3FB4] =	sst s0;
	s0 =	simm.s32 @!p1 $0x0  }
0x14: {  	s2 =	sld [smem:$0x3F98];
	s0 =	simm.s32 @p1 $0x1  }
0x15: {  	[smem:$0x3FB5] =	sst s0;
	s0 =	simm.s32 @!p2 $0x0  }
0x16: {  	s3 =	sld [smem:$0x3FDB];
	s0 =	simm.s32 @p2 $0x1  }
0x17: {  	s4 =	simm.s32 $0x1BF5;
	[smem:$0x3FB7] =	sst s0  }
0x18: {  	s0 =	sld [smem:$0x3F9A];
	_ =	swait.ge [sflag:s4], $0x0  }
0x19: {  	s7 =	sld [smem:$0x3F9B]  }
0x1a: {  	s8 =	sadd.s32 $0xFFFFE003, lr  }
0x1b: {  	s9 =	sadd.s32 $0xFFFFFEF7, lr;
	s5 =	simm.s32 $0xFFFFFFFF;
	p2 =	slt.u32 s8, $0xFFFFF086  }
0x1c: {  	p1 =	slt.u32 s9, $0xF7A;
	s5 =	simm.s32 @!p2 $0x0  }
0x1d: {  	s5 =	simm.s32 @p1 $0x1;
	p0 =	seq.s32 s7, s2  }
0x1e: {  	s7 =	smul.u32 @!p0 $0xF7A, s2;
	p2 =	seq.s32 @!p0 s5, $0x0  }
0x1f: {  	s9 =	smul.u32 $0xF7A, s1;
	s8 =	simm.s32 @!p0 $0x1BF5;
	p2 =	por !p2, p0  }
0x20: {  	[sflag:s8] =	ssyncset.s32 @!p0 $0xFFFFF086;
	s6 =	sadd.s32 @!p0 s3, s7;
	s7 =	simm.s32 @!p0 $0x108  }
0x21: {  	s3 =	sadd.s32 s3, s9;
	s6 =	sadd.s32 @!p0 $0x88, s6;
	s7 =	simm.s32 @p2 $0x1082  }
0x22: {  	[simem:s7], [sflag:s8] =	dma.local @!p0 [hbm:s6], $0xF7A  }
0x23: {  	s9 =	sor.u32 $0xD0000000, s2;
	s6 =	simm.s32 $0x108;
	_ =	swait.ge @!p0 [sflag:s8], $0x0  }
0x24: {  	s3 =	sadd.s32 $0x88, s3;
	s6 =	simm.s32 @!p1 $0x1082;
	[sflag:s4] =	ssyncset.s32 $0xFFFFF086  }
0x25: {  	[simem:s6], [sflag:s4] =	dma.local [hbm:s3], $0xF7A  }
0x26: {  	[smem:$0x3F9B] =	sst s1;
	(tag) =	ssettag s2;
	_ =	strace s9  }
0x27: {  	s1 =	sld [smem:$0x3FAB]  }
0x28: {  	s2 =	sld [smem:$0x3FAC]  }
0x29: {  	s4 =	sld [smem:$0x3FAE]  }
0x2a: {  	p0 =	seq.s32 s5, $0x0;
	s5 =	sld [smem:$0x3FAF]  }
0x2b: {  	s6 =	sld [smem:$0x3FB0]  }
0x2c: {  	s7 =	sld [smem:$0x3FB1]  }
0x2d: {  	s3 =	simm.s32 $0x108;
	s8 =	sld [smem:$0x3FB2]  }
0x2e: {  	s3 =	simm.s32 @!p0 $0x1082;
	s9 =	sld [smem:$0x3FB3]  }
0x2f: {  	lr =	sadd.s32 s0, s3;
	s0 =	sld [smem:$0x3FAA]  }
0x30: {  	s3 =	sld [smem:$0x3FAD]  }
0x31: {  	[smem:$0x3FB6] =	sst s10  }
0x32: {  	s10 =	sld [smem:$0x3FB4];
	_ =	sdelay $0x3  }
0x33: {  	p0 =	seq.s32 s10, $0x1;
	s10 =	sld [smem:$0x3FB6];
	_ =	sdelay $0x3  }
0x34: {  	[smem:$0x3FB6] =	sst s10  }
0x35: {  	s10 =	sld [smem:$0x3FB5];
	_ =	sdelay $0x3  }
0x36: {  	p1 =	seq.s32 s10, $0x1;
	s10 =	sld [smem:$0x3FB6];
	_ =	sdelay $0x3  }
0x37: {  	[smem:$0x3FB6] =	sst s10  }
0x38: {  	s10 =	sld [smem:$0x3FB7]  }
0x39: {  	_ = 	snop;
	(pc) =	sbr.ind lr, $3  }
0x3a: {  	_ = 	snop  }
0x3b: {  	_ = 	snop  }
0x3c: {  	p2 =	seq.s32 s10, $0x1;
	s10 =	sld [smem:$0x3FB6]  }
0x3d: {  	_ =	shalt  }
0x3e: {  	_ =	shalt  }
0x3f: {  	_ =	shalt  }
0x40: {  	_ =	shalt  }
0x41: {  	_ =	shalt  }
0x42: {  	_ =	shalt  }
0x43: {  	_ =	shalt  }
0x44: {  	_ =	shalt  }
0x45: {  	_ =	shalt  }
0x46: {  	_ =	shalt  }
0x47: {  	_ =	shalt  }
0x48: {  	_ =	shalt  }
0x49: {  	_ =	shalt  }
0x4a: {  	_ =	shalt  }
0x4b: {  	_ =	shalt  }
0x4c: {  	_ =	shalt  }
0x4d: {  	_ =	shalt  }
0x4e: {  	_ =	shalt  }
0x4f: {  	_ =	shalt  }
0x50: {  	_ =	shalt  }
0x51: {  	_ =	shalt  }
0x52: {  	_ =	shalt  }
0x53: {  	_ =	shalt  }
0x54: {  	_ =	shalt  }
0x55: {  	_ =	shalt  }
0x56: {  	_ =	shalt  }
0x57: {  	_ =	shalt  }
0x58: {  	_ =	shalt  }
0x59: {  	_ =	shalt  }
0x5a: {  	_ =	shalt  }
0x5b: {  	_ =	shalt  }
0x5c: {  	_ =	shalt  }
0x5d: {  	_ =	shalt  }
0x5e: {  	_ =	shalt  }
0x5f: {  	_ =	shalt  }
0x60: {  	_ =	shalt  }
0x61: {  	_ =	shalt  }
0x62: {  	_ =	shalt  }
0x63: {  	_ =	shalt  }
0x64: {  	_ =	shalt  }
0x65: {  	_ =	shalt  }
0x66: {  	_ =	shalt  }
0x67: {  	_ =	shalt  }
0x68: {  	_ =	shalt  }
0x69: {  	_ =	shalt  }
0x6a: {  	_ =	shalt  }
0x6b: {  	_ =	shalt  }
0x6c: {  	_ =	shalt  }
0x6d: {  	_ =	shalt  }
0x6e: {  	_ =	shalt  }
0x6f: {  	_ =	shalt  }
0x70: {  	_ =	shalt  }
0x71: {  	_ =	shalt  }
0x72: {  	_ =	shalt  }
0x73: {  	_ =	shalt  }
0x74: {  	_ =	shalt  }
0x75: {  	_ =	shalt  }
0x76: {  	_ =	shalt  }
0x77: {  	_ =	shalt  }
0x78: {  	_ =	shalt  }
0x79: {  	_ =	shalt  }
0x7a: {  	_ =	shalt  }
0x7b: {  	_ =	shalt  }
0x7c: {  	_ =	shalt  }
0x7d: {  	_ =	shalt  }
0x7e: {  	_ =	shalt  }
0x7f: {  	_ =	shalt  }
0x80: {  	_ =	shalt  }
0x81: {  	_ =	shalt  }
0x82: {  	_ =	shalt  }
0x83: {  	_ =	shalt  }
0x84: {  	_ =	shalt  }
0x85: {  	_ =	shalt  }
0x86: {  	_ =	shalt  }
0x87: {  	_ =	shalt  }
.Lfunc_end0:
.L_simem_size_0:
called_computation_lowered:
.L_overlay_start_0:
0x88: {  	s2 =	sld [smem:$0x3FD9]  }
0x89: {  	s3 =	sld [smem:$0x3FFE];
	_ =	sdelay $0x1  }
0x8a: {  	s1 =	srdreg.scid  }
0x8b: {  	s0 =	sand.u32 $0x1, s1  }
0x8c: {  	s17 =	sshll.u32 s0, $0xA;
	s2 =	sadd.s32 s3, s2  }
0x8d: {  	s2 =	sadd.s32 s2, s17  }
0x8e: {  	[smem:$0x3FC2] =	sst s2  }
0x8f: {  	_ = 	snop  }
0x90: {  	s2 =	sld [smem:$0x3FC7];
	(tm) =	ssettm $0x1  }
0x91: {  	s18 =	sld [smem:$0x3FFB];
	_ =	sdelay $0x3  }
0x92: {  	_ =	strace s18  }
0x93: {  	s3 =	sld [smem:$0x3FFC];
	_ =	sdelay $0x3  }
0x94: {  	_ =	strace s3  }
0x95: {  	s3 =	sld [smem:$0x3FFD];
	_ =	sdelay $0x3  }
0x96: {  	_ =	strace s3  }
0x97: {  	_ =	strace $0x8FFFFFFF  }
0x98: {  	s19 =	sld [smem:$0x3FDB];
	_ =	sdelay $0x1  }
0x99: {  	s4 =	simm.s32 $_scs_section_size  }
0x9a: {  	s5 =	simm.s32 $_size__tile_overlayer_lowered;
	s6 =	simm.s32 $_tile_overlayer_lowered  }
0x9b: {  	s22 =	simm.s32 $0x1BFF;
	s21 =	sshll.u32 s6, $0x1;
	s3 =	sadd.s32 s4, s19  }
0x9c: {  	s7 =	simm.s32 $0x0;
	s20 =	sshll.u32 s5, $0x1;
	s5 =	sadd.s32 s21, s3  }
0x9d: {  	[timem:s7], [sflag:s22] =	dma.local [hbm:s5], s20  }
0x9e: {  	_ =	swait.ge [sflag:s22], s20  }
0x9f: {  	s4 =	ssub.s32 $0x0, s20;
	[sflag:s22] =	ssyncset.done $0x0  }
0xa0: {  	[sflag:s22] =	ssyncadd.s32 s4;
	_ =	sdelay $0x1  }
0xa1: {  	s23 =	simm.s32 $0x1B8B  }
0xa2: {  	_ =	swait.ge [sflag:s23], $0x1  }
0xa3: {  	[sflag:s23] =	ssyncset.done $0x0  }
0xa4: {  	s25 =	simm.s32 $0x1B8E;
	s24 =	sld [smem:$0x3FFE];
	[sflag:s23] =	ssyncadd.s32 $0xFFFFFFFF  }
0xa5: {  	s26 =	simm.s32 $execute0_lowered;
	[smem:$0x3FD2] =	sst s25  }
0xa6: {  	s5 =	sshll.u32 s26, $0x1;
	_ =	strace $0x80000046;
	[dreg:$0x1] =	wrdreg $0xFFFFFFFF  }
0xa7: {  	s28 =	simm.s32 $_size_execute0_lowered;
	s3 =	sadd.s32 s3, s5;
	[dreg:$0x0] =	wrdreg $0x0  }
0xa8: {  	s5 =	sshll.u32 s28, $0x1;
	[dreg:$0x2] =	wrdreg s3  }
0xa9: {  	[dreg:$0x3] =	wrdreg s5  }
0xaa: {  	[dreg:$0x4] =	wrdreg $0xC0  }
0xab: {  	_ =	task [dreg:s7], $0x5FFFF  }
0xac: {  	[dreg:$0x1] =	wrdreg $0xFFFFFFFF  }
0xad: {  	[dreg:$0x0] =	wrdreg $0x60  }
0xae: {  	[dreg:$0x2] =	wrdreg s2  }
0xaf: {  	[dreg:$0x3] =	wrdreg s24  }
0xb0: {  	[dreg:$0x4] =	wrdreg $0x9  }
0xb1: {  	_ =	task.clear_ibuf [dreg:s7], $0x5FFFF;
	_ =	strace $0x90000046  }
0xb2: {  	s29 =	simm.s32 $0x9;
	_ =	strace $0x80000048  }
0xb3: {  	_ =	swait.ge [sflag:s29], $0x1  }
0xb4: {  	[sflag:s29] =	ssyncadd.s32 $0xFFFFFFFF  }
0xb5: {  	_ =	strace $0x90000048  }
0xb6: {  	_ =	sfence  }
0xb7: {  	s30 =	sld [smem:$0x0];
	_ =	sdelay $0x2  }
0xb8: {  	s31 =	sshll.u32 s1, $0xD;
	s1 =	sshrl.u32 s1, $0x2  }
0xb9: {  	s3 =	sand.u32 $0x4000, s31;
	s1 =	sadd.s32 s1, s30  }
0xba: {  	s0 =	sor.u32 s3, s0;
	s1 =	sshll.u32 s1, $0x11  }
0xbb: {  	s0 =	sor.u32 s1, s0  }
0xbc: {  	s0 =	sadd.s32 $0x8F2B, s0  }
0xbd: {  	[sflag:s0] =	ssyncadd.remote.s32 $0x1  }
0xbe: {  	_ =	sfence.sel $0xFFFF  }
0xbf: {  	[dreg:$0x0] =	wrdreg $0xFFFFFFFF;
	(pc) =	sbr.abs _section_cstart, $3  }
0xc0: {  	[dreg:$0x1] =	wrdreg $0xFFFFFFFF  }
0xc1: {  	_ =	task.clear_ibuf [dreg:s7], $0x2FFFF;
	_ =	strace $0x9FFFFFFF  }
0xc2: {  	(tm) =	ssettm $0x7FFFFFFF  }
0xc3: {  	_ =	shalt  }
tec
execute0_lowered:
.L_overlay_start_1:
0x0: {  	(tag) =	ssettag $0x1  }
0x1: {  	s0 =	srdreg.scid  }
0x2: {  	s1 =	stileid.u32;
	s7 =	sand.u32 $0x1, s0  }
0x3: {  	s4 =	sor.u32 s1, s7  }
0x4: {  	p0 =	sne.s32 s4, $0x0  }
.Ltmp0:
0x5: {  	_ = 	snop;
	(pc) =	sbr.rel @p0 .LBB2_3-.Ltmp0, $4  }
0x6: {  	s2 =	rddreg [dreg:$0x0]  }
0x7: {  	s11 =	rddreg [dreg:$0x1];
	s3 =	simm.s32 $0x0  }
0x8: {  	[smem:$0x7FF] =	sst s3  }
0x9: {  	s0 =	rddreg [dreg:$0x2];
	_ =	strace $0x80000047  }
0xa: {  	v0 =	vimm.s32 $0xEDCBA987;
	v1 =	vimm.s32 $0x65432100  }
0xb: {  	v2 =	vimm.s32 $0xDCBA9876;
	v3 =	vimm.s32 $0x54321000;
	vm0 =	vcmask $0x300  }
0xc: {  	v4 =	vimm.s32 $0xCBA98765;
	v5 =	vimm.s32 $0x39000;
	v6 =	vimm.s32 $0x43210000  }
0xd: {  	v7 =	vimm.s32 $0xA9876540;
	v8 =	vimm.s32 $0xE4000;
	v9 =	vimm.s32 $0x98765400  }
0xe: {  	v10 =	vimm.s32 $0x390000;
	vm12 =	vcmask $0x3F24;
	v63 =	vimm.s32 $0xBA987654  }
0xf: {  	vm13 =	vcmask $0x3F28;
	vm14 =	vcmask $0x2B00;
	vm15 =	vcmask $0x3B2C  }
0x10: {  	v0 =	vunpack.c.l.s4.s8 v0;
	v1 =	vunpack.c.l.s4.s8 v1;
	v2 =	vunpack.c.l.s4.s8 v2  }
0x11: {  	v3 =	vunpack.c.l.s4.s8 v3;
	v4 =	vunpack.c.l.s4.s8 v4;
	v5 =	vunpack.c.l.s2.s4 v5  }
0x12: {  	v6 =	vunpack.c.l.s4.s8 v6;
	v7 =	vunpack.c.l.s4.s8 v7;
	v2 =	vunpack.c.0.s8.s32 v2  }
0x13: {  	v8 =	vunpack.c.l.s2.s4 v8;
	v9 =	vunpack.c.l.s4.s8 v9;
	v3 =	vunpack.c.0.s8.s32 v3  }
0x14: {  	v10 =	vunpack.c.l.s2.s4 v10;
	v0 =	vunpack.c.0.s8.s32 v0;
	v2 =	vand.u32 $0xF, v2  }
0x15: {  	v4 =	vunpack.c.0.s8.s32 v4;
	v2 =	vcombine.low v3, v2;
	v3 =	vunpack.c.l.s4.s8 v5  }
0x16: {  	v8 =	vunpack.c.l.s4.s8 v8;
	v10 =	vunpack.c.l.s4.s8 v10;
	v5 =	vunpack.c.0.s8.s32 v6  }
0x17: {  	v6 =	vand.u32 $0xF, v4;
	v4 =	vunpack.c.0.s8.s32 v7;
	v3 =	vunpack.c.0.s8.s32 v3  }
0x18: {  	v1 =	vunpack.c.0.s8.s32 v1;
	v0 =	vand.u32 $0xF, v0;
	v8 =	vunpack.c.0.s8.s32 v8  }
0x19: {  	v10 =	vunpack.c.0.s8.s32 v10;
	v4 =	vand.u32 $0xF, v4;
	v3 =	vand.u32 $0x3, v3  }
0x1a: {  	s4 =	sadd.s32 $0x1A00, s11;
	v0 =	vcombine.low v1, v0;
	v3 =	vsel vm12, v4, v3;
	v4 =	vunpack.c.0.s8.s32 v9  }
0x1b: {  	s5 =	sadd.s32 $0x1400, s11;
	s6 =	sadd.s32 $0x1600, s11;
	s10 =	ssub.s32 $0x2, s7;
	v1 =	vimm.s32 $0xFFFFFFFF;
	v7 =	vimm.s32 $0x32100000;
	v9 =	vunpack.c.l.s4.s8 v63  }
0x1c: {  	s7 =	sadd.s32 $0x1800, s11;
	s8 =	sadd.s32 $0x1C00, s11;
	s9 =	sadd.s32 $0x2400, s11;
	v7 =	vunpack.c.l.s4.s8 v7;
	v8 =	vand.u32 $0x3, v8;
	v4 =	vand.u32 $0xF, v4  }
0x1d: {  	s11 =	sadd.s32 $0x2410, s11;
	s13 =	simm.s32 $0x2;
	s14 =	simm.s32 $0x4100;
	v9 =	vunpack.c.0.s8.s32 v9;
	v4 =	vsel vm13, v4, v8;
	v8 =	vimm.s32 $0x4070605  }
0x1e: {  	s15 =	simm.s32 $0x4180;
	s16 =	simm.s32 $0x4200;
	s17 =	simm.s32 $0x80;
	v10 =	vand.u32 $0x3, v10;
	v7 =	vunpack.c.0.s8.s32 v7;
	v8 =	vunpack.c.0.s8.s32 v8  }
0x1f: {  	s18 =	simm.s32 $0x1;
	s19 =	simm.s32 $0x4300;
	s12 =	sshrl.u32 s10, $0x1;
	v1 =	vsel vm0, $0x0, v1;
	v10 =	vnsel vm14, $0x8, v10;
	v9 =	vand.u32 $0xF, v9  }
0x20: {  	s20 =	simm.s32 $0x4380;
	s10 =	ssub.s32 s10, s12;
	s12 =	simm.s32 $0x4080;
	v5 =	vcombine.low v5, v6;
	v6 =	vcombine.low v7, v9;
	v7 =	vsel vm15, v8, v10  }
.LBB2_2:
0x21: {  	[tilespmem:s12], [sflag:$0x2] =	stream.linear.gather [hbm4b:s4+s3], $0x80, $0x38;
	[tilespmem:$0x4400] =	vst v63  }
0x22: {  	_ =	swait.ge [sflag:s13], $0x80  }
0x23: {  	[sflag:s13] =	ssyncset.done $0x0  }
0x24: {  	[sflag:s13] =	ssyncadd.s32 $0xFFFFFF80  }
0x25: {  	[tilespmem:s14], [sflag:$0x2] =	stream.linear.gather [hbm4b:s5+s3], $0x80, $0x38;
	[tilespmem:$0x4400] =	vst v63  }
0x26: {  	_ =	swait.ge [sflag:s13], $0x80  }
0x27: {  	[sflag:s13] =	ssyncset.done $0x0  }
0x28: {  	[sflag:s13] =	ssyncadd.s32 $0xFFFFFF80  }
0x29: {  	[tilespmem:s15], [sflag:$0x2] =	stream.linear.gather [hbm4b:s6+s3], $0x80, $0x38;
	[tilespmem:$0x4400] =	vst v63  }
0x2a: {  	_ =	swait.ge [sflag:s13], $0x80  }
0x2b: {  	[sflag:s13] =	ssyncset.done $0x0  }
0x2c: {  	[sflag:s13] =	ssyncadd.s32 $0xFFFFFF80  }
0x2d: {  	[tilespmem:s16], [sflag:$0x2] =	stream.linear.gather [hbm4b:s7+s3], $0x80, $0x38;
	[tilespmem:$0x4400] =	vst v63  }
0x2e: {  	_ =	swait.ge [sflag:s13], $0x80  }
0x2f: {  	[sflag:s13] =	ssyncset.done $0x0  }
0x30: {  	[sflag:s13] =	ssyncadd.s32 $0xFFFFFF80  }
0x31: {  	v8 =	vld [tilespmem:$0x4080]  }
0x32: {  	v9 =	vld [tilespmem:$0x4100]  }
0x33: {  	v10 =	vld [tilespmem:$0x4180]  }
0x34: {  	v11 =	vld [tilespmem:$0x4200]  }
0x35: {  	v12 =	vld [tilespmem:$0x4090]  }
0x36: {  	v13 =	vld [tilespmem:$0x4110]  }
0x37: {  	v14 =	vld [tilespmem:$0x4190]  }
0x38: {  	v15 =	vld [tilespmem:$0x4210]  }
0x39: {  	v16 =	vld [tilespmem:$0x40A0]  }
0x3a: {  	v17 =	vld [tilespmem:$0x4120]  }
0x3b: {  	v18 =	vld [tilespmem:$0x41A0]  }
0x3c: {  	v20 =	vld [tilespmem:$0x40B0]  }
0x3d: {  	v21 =	vld [tilespmem:$0x4130]  }
0x3e: {  	v25 =	vld [tilespmem:$0x4140]  }
0x3f: {  	v47 =	vld [tilespmem:$0x40D0]  }
0x40: {  	v50 =	vld [tilespmem:$0x4150]  }
0x41: {  	v24 =	vld [tilespmem:$0x40C0]  }
0x42: {  	v52 =	vld [tilespmem:$0x41D0];
	v8 =	vshll.u32 v8, $0xE;
	v9 =	vshll.u32 v9, $0x7  }
0x43: {  	v19 =	vld [tilespmem:$0x4220];
	v44 =	vshll.u32 v12, $0xE;
	v45 =	vshll.u32 v13, $0x7;
	v48 =	vshll.u32 v16, $0xE  }
0x44: {  	v54 =	vld [tilespmem:$0x4250];
	v49 =	vshll.u32 v17, $0x7;
	v55 =	vshll.u32 v20, $0xE;
	v62 =	vshll.u32 v25, $0x7  }
0x45: {  	v22 =	vld [tilespmem:$0x41B0];
	v25 =	vshll.u32 v47, $0xE;
	v26 =	vshll.u32 v50, $0x7;
	v8 =	vadd.s32 v8, v9  }
0x46: {  	v23 =	vld [tilespmem:$0x4230];
	v56 =	vshll.u32 v21, $0x7;
	v9 =	vadd.s32 v25, v26;
	v8 =	vadd.s32 v10, v8  }
0x47: {  	v43 =	vld [tilespmem:$0x41C0];
	v61 =	vshll.u32 v24, $0xE;
	v9 =	vadd.s32 v52, v9;
	v8 =	vshll.u32 v8, $0x7  }
0x48: {  	v46 =	vld [tilespmem:$0x4240];
	v10 =	vadd.s32 v44, v45;
	v9 =	vshll.u32 v9, $0x7;
	v8 =	vadd.s32 v11, v8  }
0x49: {  	v57 =	vld [tilespmem:$0x40E0];
	v51 =	vadd.s32 v48, v49;
	v10 =	vadd.s32 v14, v10;
	v9 =	vadd.s32 v54, v9;
	[tilespmem:$0x4280] =	vst v8  }
0x4a: {  	v59 =	vld [tilespmem:$0x4160];
	v10 =	vshll.u32 v10, $0x7;
	v11 =	vadd.s32 v18, v51;
	v53 =	vshra.s32 v8, $0x7;
	[tilespmem:$0x42D0] =	vst v9  }
0x4b: {  	v63 =	vld [tilespmem:$0x41E0];
	v10 =	vadd.s32 v15, v10;
	v8 =	vshll.u32 v11, $0x7;
	v11 =	vadd.s32 v55, v56;
	[tilespmem:$0x0] =	vst v53  }
0x4c: {  	v27 =	vld [tilespmem:$0x4170];
	v9 =	vshra.s32 v9, $0x7;
	v58 =	vshra.s32 v10, $0x7;
	[tilespmem:$0x4290] =	vst v10;
	v60 =	vadd.s32 v22, v11  }
0x4d: {  	v24 =	vld [tilespmem:$0x40F0];
	v8 =	vadd.s32 v19, v8;
	v11 =	vadd.s32 v61, v62;
	[tilespmem:$0x50] =	vst v9;
	v10 =	vshll.u32 v60, $0x7  }
0x4e: {  	v28 =	vld [tilespmem:$0x4260];
	v22 =	vshra.s32 v8, $0x7;
	[tilespmem:$0x42A0] =	vst v8;
	v8 =	vadd.s32 v43, v11;
	v10 =	vadd.s32 v23, v10  }
0x4f: {  	v29 =	vld [tilespmem:$0x41F0];
	v8 =	vshll.u32 v8, $0x7;
	[tilespmem:$0x42B0] =	vst v10;
	v10 =	vshra.s32 v10, $0x7  }
0x50: {  	v30 =	vshll.u32 v57, $0xE;
	v31 =	vshll.u32 v59, $0x7;
	v8 =	vadd.s32 v46, v8;
	[tilespmem:$0x30] =	vst v10  }
0x51: {  	v32 =	vld [tilespmem:$0x4270];
	[tilespmem:$0x42C0] =	vst v8;
	v8 =	vshra.s32 v8, $0x7;
	v10 =	vadd.s32 v30, v31  }
0x52: {  	v12 =	vshll.u32 v27, $0x7;
	v33 =	vshll.u32 v24, $0xE;
	[tilespmem:$0x40] =	vst v8;
	v8 =	vadd.s32 v63, v10  }
0x53: {  	[tilespmem:$0x10] =	vst v58;
	v10 =	vadd.s32 v33, v12;
	v8 =	vshll.u32 v8, $0x7  }
0x54: {  	[tilespmem:$0x20] =	vst v22;
	v34 =	vadd.s32 v29, v10;
	v8 =	vadd.s32 v28, v8  }
0x55: {  	v9 =	vshll.u32 v34, $0x7;
	[tilespmem:$0x42E0] =	vst v8;
	v8 =	vshra.s32 v8, $0x7  }
0x56: {  	[tilespmem:$0x60] =	vst v8;
	v8 =	vadd.s32 v32, v9  }
0x57: {  	[tilespmem:$0x42F0] =	vst v8;
	v8 =	vshra.s32 v8, $0x7  }
0x58: {  	[tilespmem:$0x70] =	vst v8  }
0x59: {  	[tilespmem:s17], [sflag:$0x1] =	stream.indirect.gather [hbm4b:s2+s17], $0x80, s3, s17, $0xb8;
	[tilespmem:$0x4400] =	vst v63  }
0x5a: {  	_ =	swait.ge [sflag:s18], $0x4000  }
0x5b: {  	[sflag:s18] =	ssyncset.done $0x0  }
0x5c: {  	[sflag:s18] =	ssyncadd.s32 $0xFFFFC000  }
0x5d: {  	v8 =	vld [tilespmem:$0x4280];
	_ =	sdelay $0x4  }
0x5e: {  	v35 =	vperm.xlane v8, v0  }
0x5f: {  	v36 =	vperm.xlane v8, v2;
	v37 =	vperm.xlane v8, v5  }
0x60: {  	v41 =	vperm.xlane v8, v6;
	v42 =	vperm.xlane v8, v3  }
0x61: {  	v46 =	vperm.xlane v8, v4;
	v51 =	vperm.xlane v8, v7;
	v9 =	vsub.s32 v35, v8  }
0x62: {  	v10 =	vsub.s32 v36, v8;
	v11 =	vsub.s32 v37, v8;
	v12 =	vsub.s32 v41, v8  }
0x63: {  	v45 =	vsub.s32 v42, v8;
	v38 =	vsub.s32 $0x0, v9;
	v39 =	vsub.s32 $0x0, v10  }
0x64: {  	v48 =	vsub.s32 v46, v8;
	v9 =	vmin.u32 v9, v38;
	v10 =	vmin.u32 v10, v39  }
0x65: {  	v40 =	vsub.s32 $0x0, v11;
	vm0 =	vlt.s32 v9, $0x1;
	vm9 =	vlt.s32 v10, $0x1  }
0x66: {  	v11 =	vmin.u32 v11, v40;
	v9 =	vnsel vm0, $0x1, v9;
	v10 =	vnsel vm9, $0x1, v10  }
0x67: {  	vm10 =	vlt.s32 v11, $0x1;
	v9 =	vsub.s32 $0x1, v9;
	v10 =	vsub.s32 $0x1, v10  }
0x68: {  	v11 =	vnsel vm10, $0x1, v11;
	v9 =	vmul.u32 v1, v9;
	v10 =	vmul.u32 v1, v10  }
0x69: {  	v53 =	vsub.s32 v51, v8;
	v8 =	vand.u32 $0x7F, v8;
	v11 =	vsub.s32 $0x1, v11  }
0x6a: {  	v11 =	vmul.u32 v1, v11;
	v9 =	vadd.s32 $0x1, v9;
	v10 =	vadd.s32 $0x1, v10  }
0x6b: {  	v44 =	vsub.s32 $0x0, v12;
	v47 =	vsub.s32 $0x0, v45;
	v9 =	vmul.u32 v9, v10  }
0x6c: {  	v13 =	vsub.s32 $0x0, v48;
	v43 =	vadd.s32 $0x1, v11;
	v11 =	vmin.u32 v12, v44  }
0x6d: {  	vm11 =	vlt.s32 v11, $0x1;
	v10 =	vmul.u32 v43, v9;
	v9 =	vmin.u32 v45, v47  }
0x6e: {  	v12 =	vmin.u32 v48, v13;
	v11 =	vnsel vm11, $0x1, v11;
	vm12 =	vlt.s32 v9, $0x1  }
0x6f: {  	vm13 =	vlt.s32 v12, $0x1;
	v11 =	vsub.s32 $0x1, v11;
	v49 =	vnsel vm12, $0x1, v9;
	v9 =	vld [tilespmem:$0x4290]  }
0x70: {  	v14 =	vsub.s32 $0x0, v53;
	v12 =	vnsel vm13, $0x1, v12;
	v11 =	vmul.u32 v1, v11  }
0x71: {  	v52 =	vsub.s32 $0x1, v12;
	v12 =	vmin.u32 v53, v14;
	v50 =	vsub.s32 $0x1, v49  }
0x72: {  	vm14 =	vlt.s32 v12, $0x1;
	v11 =	vadd.s32 $0x1, v11;
	v13 =	vmul.u32 v1, v50  }
0x73: {  	v8 =	vcvt.s32.f32 v8;
	v56 =	vnsel vm14, $0x1, v12;
	v10 =	vmul.u32 v11, v10  }
0x74: {  	v11 =	vmul.u32 v1, v52;
	v13 =	vadd.s32 $0x1, v13;
	v54 =	vperm.xlane v9, v0  }
0x75: {  	v10 =	vmul.u32 v13, v10;
	v55 =	vperm.xlane v9, v2;
	v59 =	vperm.xlane v9, v5  }
0x76: {  	v11 =	vadd.s32 $0x1, v11;
	v61 =	vperm.xlane v9, v6;
	v22 =	vperm.xlane v9, v3  }
0x77: {  	v24 =	vperm.xlane v9, v4;
	v30 =	vperm.xlane v9, v7;
	v11 =	vmul.u32 v11, v10  }
0x78: {  	v57 =	vsub.s32 v54, v9;
	v10 =	vsub.s32 $0x1, v56;
	v14 =	vsub.s32 v55, v9  }
0x79: {  	v60 =	vsub.s32 v59, v9;
	v21 =	vsub.s32 v61, v9;
	v25 =	vsub.s32 v22, v9  }
0x7a: {  	v31 =	vsub.s32 v30, v9;
	v13 =	vsub.s32 $0x0, v57;
	v58 =	vsub.s32 $0x0, v14  }
0x7b: {  	v10 =	vmul.u32 v1, v10;
	v15 =	vsub.s32 $0x0, v60;
	v17 =	vsub.s32 $0x0, v25  }
0x7c: {  	v34 =	vsub.s32 $0x0, v31;
	v12 =	vmin.u32 v57, v13;
	v13 =	vmin.u32 v14, v58  }
0x7d: {  	v14 =	vmin.u32 v60, v15;
	v15 =	vsub.s32 $0x0, v21;
	vm15 =	vlt.s32 v12, $0x1  }
0x7e: {  	vm4 =	vlt.s32 v13, $0x1;
	vm5 =	vlt.s32 v14, $0x1;
	v62 =	vadd.s32 $0x1, v10  }
0x7f: {  	v23 =	vmin.u32 v21, v15;
	v15 =	vmin.u32 v25, v17;
	v12 =	vnsel vm15, $0x1, v12  }
0x80: {  	v13 =	vnsel vm4, $0x1, v13;
	v20 =	vnsel vm5, $0x1, v14;
	vm6 =	vlt.s32 v23, $0x1  }
0x81: {  	v14 =	vsub.s32 v24, v9;
	vm7 =	vlt.s32 v15, $0x1;
	v11 =	vmul.u32 v62, v11  }
0x82: {  	v9 =	vand.u32 $0x7F, v9;
	v12 =	vsub.s32 $0x1, v12;
	v13 =	vsub.s32 $0x1, v13  }
0x83: {  	v10 =	vnsel vm6, $0x1, v23;
	v26 =	vsub.s32 $0x0, v14;
	v28 =	vnsel vm7, $0x1, v15  }
0x84: {  	v9 =	vcvt.s32.f32 v9;
	v12 =	vmul.u32 v1, v12;
	v10 =	vsub.s32 $0x1, v10  }
0x85: {  	v13 =	vmul.u32 v1, v13;
	v14 =	vmin.u32 v14, v26;
	v27 =	vmul.u32 v1, v10;
	v10 =	vld [tilespmem:$0x42A0]  }
0x86: {  	vm8 =	vlt.s32 v14, $0x1;
	v63 =	vadd.s32 $0x1, v12;
	v12 =	vsub.s32 $0x1, v20  }
0x87: {  	v13 =	vadd.s32 $0x1, v13;
	v14 =	vnsel vm8, $0x1, v14;
	v12 =	vmul.u32 v1, v12  }
0x88: {  	v11 =	vcvt.s32.f32 v11;
	v13 =	vmul.u32 v63, v13;
	v14 =	vsub.s32 $0x1, v14  }
0x89: {  	v29 =	vadd.s32 $0x1, v27;
	v14 =	vmul.u32 v1, v14;
	v12 =	vadd.s32 $0x1, v12  }
0x8a: {  	v12 =	vmul.u32 v12, v13;
	v13 =	vsub.s32 $0x1, v28;
	v32 =	vperm.xlane v10, v0  }
0x8b: {  	v33 =	vadd.s32 $0x1, v14;
	v36 =	vperm.xlane v10, v2;
	v39 =	vperm.xlane v10, v5  }
0x8c: {  	v14 =	vmin.u32 v31, v34;
	v41 =	vperm.xlane v10, v6;
	v43 =	vperm.xlane v10, v3  }
0x8d: {  	v47 =	vperm.xlane v10, v4;
	v51 =	vperm.xlane v10, v7;
	v13 =	vmul.u32 v1, v13  }
0x8e: {  	vm9 =	vlt.s32 v14, $0x1;
	v12 =	vmul.u32 v29, v12;
	v35 =	vsub.s32 v32, v10  }
0x8f: {  	v14 =	vnsel vm9, $0x1, v14;
	v38 =	vsub.s32 v36, v10;
	v40 =	vsub.s32 v39, v10  }
0x90: {  	v46 =	vsub.s32 v43, v10;
	v50 =	vsub.s32 v47, v10;
	v13 =	vadd.s32 $0x1, v13  }
0x91: {  	v37 =	vsub.s32 $0x0, v35;
	v16 =	vsub.s32 $0x0, v38;
	v14 =	vsub.s32 $0x1, v14  }
0x92: {  	v17 =	vsub.s32 $0x0, v40;
	v18 =	vsub.s32 $0x0, v46;
	v53 =	vsub.s32 $0x0, v50  }
0x93: {  	v12 =	vmul.u32 v13, v12;
	v15 =	vmin.u32 v38, v16;
	v16 =	vmin.u32 v40, v17  }
0x94: {  	v14 =	vmul.u32 v1, v14;
	v17 =	vsub.s32 v41, v10;
	v49 =	vmin.u32 v46, v18  }
0x95: {  	v18 =	vsub.s32 v51, v10;
	v10 =	vand.u32 $0x7F, v10;
	vm11 =	vlt.s32 v15, $0x1  }
0x96: {  	vm12 =	vlt.s32 v16, $0x1;
	v42 =	vsub.s32 $0x0, v17;
	vm14 =	vlt.s32 v49, $0x1  }
0x97: {  	v54 =	vsub.s32 $0x0, v18;
	v13 =	vmul.u32 v33, v12;
	v12 =	vmin.u32 v35, v37  }
0x98: {  	v10 =	vcvt.s32.f32 v10;
	v15 =	vnsel vm11, $0x1, v15;
	vm10 =	vlt.s32 v12, $0x1  }
0x99: {  	v16 =	vnsel vm12, $0x1, v16;
	v17 =	vmin.u32 v17, v42;
	v12 =	vnsel vm10, $0x1, v12  }
0x9a: {  	v14 =	vadd.s32 $0x1, v14;
	v15 =	vsub.s32 $0x1, v15;
	v12 =	vsub.s32 $0x1, v12  }
0x9b: {  	v18 =	vmin.u32 v18, v54;
	v15 =	vmul.u32 v1, v15;
	v12 =	vmul.u32 v1, v12  }
0x9c: {  	v16 =	vsub.s32 $0x1, v16;
	vm13 =	vlt.s32 v17, $0x1;
	vm4 =	vlt.s32 v18, $0x1  }
0x9d: {  	v16 =	vmul.u32 v1, v16;
	v15 =	vadd.s32 $0x1, v15;
	v12 =	vadd.s32 $0x1, v12  }
0x9e: {  	v45 =	vnsel vm13, $0x1, v17;
	v17 =	vmin.u32 v50, v53;
	v12 =	vmul.u32 v12, v15  }
0x9f: {  	v18 =	vnsel vm4, $0x1, v18;
	v44 =	vadd.s32 $0x1, v16;
	v16 =	vsub.s32 $0x1, v45  }
0xa0: {  	v48 =	vmul.u32 v1, v16;
	v16 =	vnsel vm14, $0x1, v49;
	v15 =	vmul.u32 v44, v12;
	v12 =	vld [tilespmem:$0x42B0]  }
0xa1: {  	v14 =	vmul.u32 v14, v13;
	vm15 =	vlt.s32 v17, $0x1;
	v16 =	vsub.s32 $0x1, v16  }
0xa2: {  	v17 =	vnsel vm15, $0x1, v17;
	v52 =	vadd.s32 $0x1, v48;
	v16 =	vmul.u32 v1, v16  }
0xa3: {  	v57 =	vsub.s32 $0x1, v18;
	v17 =	vsub.s32 $0x1, v17;
	v15 =	vmul.u32 v52, v15  }
0xa4: {  	v14 =	vcvt.s32.f32 v14;
	v17 =	vmul.u32 v1, v17;
	v16 =	vadd.s32 $0x1, v16  }
0xa5: {  	v56 =	vmul.u32 v16, v15;
	v55 =	vperm.xlane v12, v0;
	v61 =	vperm.xlane v12, v2  }
0xa6: {  	v15 =	vmul.u32 v1, v57;
	v62 =	vperm.xlane v12, v5;
	v22 =	vperm.xlane v12, v6  }
0xa7: {  	v58 =	vadd.s32 $0x1, v17;
	v24 =	vperm.xlane v12, v3;
	v28 =	vperm.xlane v12, v4  }
0xa8: {  	v32 =	vperm.xlane v12, v7;
	v13 =	vmul.u32 v58, v56;
	v15 =	vadd.s32 $0x1, v15  }
0xa9: {  	v59 =	vsub.s32 v55, v12;
	v63 =	vsub.s32 v61, v12;
	v17 =	vsub.s32 v62, v12  }
0xaa: {  	v27 =	vsub.s32 v24, v12;
	v31 =	vsub.s32 v28, v12;
	v19 =	vsub.s32 v32, v12  }
0xab: {  	v60 =	vsub.s32 $0x0, v59;
	v13 =	vmul.u32 v15, v13;
	v18 =	vsub.s32 $0x0, v63  }
0xac: {  	v21 =	vsub.s32 $0x0, v17;
	v30 =	vsub.s32 $0x0, v27;
	v34 =	vsub.s32 $0x0, v31  }
0xad: {  	v35 =	vsub.s32 $0x0, v19;
	v16 =	vmin.u32 v59, v60;
	v15 =	vmin.u32 v63, v18  }
0xae: {  	v17 =	vmin.u32 v17, v21;
	v18 =	vsub.s32 v22, v12;
	vm5 =	vlt.s32 v16, $0x1  }
0xaf: {  	vm6 =	vlt.s32 v15, $0x1;
	vm7 =	vlt.s32 v17, $0x1;
	v23 =	vsub.s32 $0x0, v18  }
0xb0: {  	v16 =	vnsel vm5, $0x1, v16;
	v15 =	vnsel vm6, $0x1, v15;
	v17 =	vnsel vm7, $0x1, v17  }
0xb1: {  	v18 =	vmin.u32 v18, v23;
	v16 =	vsub.s32 $0x1, v16;
	v15 =	vsub.s32 $0x1, v15  }
0xb2: {  	v17 =	vsub.s32 $0x1, v17;
	v16 =	vmul.u32 v1, v16;
	v15 =	vmul.u32 v1, v15  }
0xb3: {  	v19 =	vmin.u32 v19, v35;
	vm8 =	vlt.s32 v18, $0x1;
	v17 =	vmul.u32 v1, v17  }
0xb4: {  	v26 =	vnsel vm8, $0x1, v18;
	v16 =	vadd.s32 $0x1, v16;
	v15 =	vadd.s32 $0x1, v15  }
0xb5: {  	v25 =	vadd.s32 $0x1, v17;
	v17 =	vsub.s32 $0x1, v26;
	v15 =	vmul.u32 v16, v15  }
0xb6: {  	v12 =	vand.u32 $0x7F, v12;
	v29 =	vmul.u32 v1, v17;
	v17 =	vmin.u32 v27, v30  }
0xb7: {  	vm11 =	vlt.s32 v19, $0x1;
	vm9 =	vlt.s32 v17, $0x1;
	v16 =	vmul.u32 v25, v15;
	v15 =	vld [tilespmem:$0x42C0]  }
0xb8: {  	v13 =	vcvt.s32.f32 v13;
	v18 =	vmin.u32 v31, v34;
	v17 =	vnsel vm9, $0x1, v17  }
0xb9: {  	v19 =	vnsel vm11, $0x1, v19;
	vm10 =	vlt.s32 v18, $0x1;
	v17 =	vsub.s32 $0x1, v17  }
0xba: {  	v18 =	vnsel vm10, $0x1, v18;
	v33 =	vadd.s32 $0x1, v29;
	v17 =	vmul.u32 v1, v17  }
0xbb: {  	v36 =	vsub.s32 $0x1, v19;
	v18 =	vsub.s32 $0x1, v18;
	v16 =	vmul.u32 v33, v16  }
0xbc: {  	v18 =	vmul.u32 v1, v18;
	v17 =	vadd.s32 $0x1, v17;
	v37 =	vperm.xlane v15, v0  }
0xbd: {  	v16 =	vmul.u32 v17, v16;
	v38 =	vperm.xlane v15, v2;
	v40 =	vperm.xlane v15, v5  }
0xbe: {  	v17 =	vmul.u32 v1, v36;
	v44 =	vperm.xlane v15, v6;
	v49 =	vperm.xlane v15, v3  }
0xbf: {  	v18 =	vadd.s32 $0x1, v18;
	v52 =	vperm.xlane v15, v4;
	v57 =	vperm.xlane v15, v7  }
0xc0: {  	v16 =	vmul.u32 v18, v16;
	v39 =	vsub.s32 v37, v15;
	v17 =	vadd.s32 $0x1, v17  }
0xc1: {  	v20 =	vsub.s32 v38, v15;
	v19 =	vsub.s32 v40, v15;
	v48 =	vsub.s32 v44, v15  }
0xc2: {  	v51 =	vsub.s32 v49, v15;
	v41 =	vsub.s32 $0x0, v39;
	v42 =	vsub.s32 $0x0, v20  }
0xc3: {  	v54 =	vsub.s32 v52, v15;
	v18 =	vmin.u32 v39, v41;
	v20 =	vmin.u32 v20, v42  }
0xc4: {  	v43 =	vsub.s32 $0x0, v19;
	vm12 =	vlt.s32 v18, $0x1;
	vm13 =	vlt.s32 v20, $0x1  }
0xc5: {  	v19 =	vmin.u32 v19, v43;
	v18 =	vnsel vm12, $0x1, v18;
	v20 =	vnsel vm13, $0x1, v20  }
0xc6: {  	vm14 =	vlt.s32 v19, $0x1;
	v18 =	vsub.s32 $0x1, v18;
	v20 =	vsub.s32 $0x1, v20  }
0xc7: {  	v19 =	vnsel vm14, $0x1, v19;
	v18 =	vmul.u32 v1, v18;
	v20 =	vmul.u32 v1, v20  }
0xc8: {  	v59 =	vsub.s32 v57, v15;
	v50 =	vsub.s32 $0x0, v48;
	v19 =	vsub.s32 $0x1, v19  }
0xc9: {  	v46 =	vmul.u32 v1, v19;
	v45 =	vadd.s32 $0x1, v18;
	v47 =	vadd.s32 $0x1, v20  }
0xca: {  	v53 =	vsub.s32 $0x0, v51;
	v16 =	vmul.u32 v17, v16;
	v17 =	vmul.u32 v45, v47  }
0xcb: {  	v21 =	vsub.s32 $0x0, v54;
	v19 =	vmin.u32 v48, v50;
	v18 =	vadd.s32 $0x1, v46  }
0xcc: {  	vm15 =	vlt.s32 v19, $0x1;
	v18 =	vmul.u32 v18, v17;
	v17 =	vmin.u32 v51, v53  }
0xcd: {  	v19 =	vnsel vm15, $0x1, v19;
	v20 =	vmin.u32 v54, v21;
	vm4 =	vlt.s32 v17, $0x1  }
0xce: {  	v19 =	vsub.s32 $0x1, v19;
	vm5 =	vlt.s32 v20, $0x1;
	v55 =	vnsel vm4, $0x1, v17;
	v17 =	vld [tilespmem:$0x42D0]  }
0xcf: {  	v22 =	vsub.s32 $0x0, v59;
	v19 =	vmul.u32 v1, v19;
	v20 =	vnsel vm5, $0x1, v20  }
0xd0: {  	v58 =	vsub.s32 $0x1, v20;
	v20 =	vmin.u32 v59, v22;
	v56 =	vsub.s32 $0x1, v55  }
0xd1: {  	v19 =	vadd.s32 $0x1, v19;
	vm6 =	vlt.s32 v20, $0x1;
	v21 =	vmul.u32 v1, v56  }
0xd2: {  	v18 =	vmul.u32 v19, v18;
	v19 =	vmul.u32 v1, v58;
	v62 =	vnsel vm6, $0x1, v20  }
0xd3: {  	v21 =	vadd.s32 $0x1, v21;
	v60 =	vperm.xlane v17, v0;
	v61 =	vperm.xlane v17, v2  }
0xd4: {  	v18 =	vmul.u32 v21, v18;
	v25 =	vperm.xlane v17, v5;
	v28 =	vperm.xlane v17, v6  }
0xd5: {  	v19 =	vadd.s32 $0x1, v19;
	v29 =	vperm.xlane v17, v3;
	v31 =	vperm.xlane v17, v4  }
0xd6: {  	v41 =	vperm.xlane v17, v7;
	v18 =	vmul.u32 v19, v18;
	v63 =	vsub.s32 v60, v17  }
0xd7: {  	v19 =	vsub.s32 $0x1, v62;
	v22 =	vsub.s32 v61, v17;
	v26 =	vsub.s32 v25, v17  }
0xd8: {  	v34 =	vsub.s32 v29, v17;
	v36 =	vsub.s32 v31, v17;
	v44 =	vsub.s32 v41, v17  }
0xd9: {  	v21 =	vsub.s32 $0x0, v63;
	v24 =	vsub.s32 $0x0, v22;
	v19 =	vmul.u32 v1, v19  }
0xda: {  	v23 =	vsub.s32 $0x0, v26;
	v35 =	vsub.s32 $0x0, v34;
	v38 =	vsub.s32 $0x0, v36  }
0xdb: {  	v20 =	vmin.u32 v63, v21;
	v21 =	vmin.u32 v22, v24;
	v22 =	vmin.u32 v26, v23  }
0xdc: {  	vm7 =	vlt.s32 v20, $0x1;
	vm8 =	vlt.s32 v21, $0x1;
	v19 =	vadd.s32 $0x1, v19  }
0xdd: {  	vm9 =	vlt.s32 v22, $0x1;
	v20 =	vnsel vm7, $0x1, v20;
	v21 =	vnsel vm8, $0x1, v21  }
0xde: {  	v18 =	vmul.u32 v19, v18;
	v27 =	vnsel vm9, $0x1, v22;
	v22 =	vsub.s32 v28, v17  }
0xdf: {  	v20 =	vsub.s32 $0x1, v20;
	v21 =	vsub.s32 $0x1, v21;
	v19 =	vsub.s32 $0x1, v27  }
0xe0: {  	v30 =	vsub.s32 $0x0, v22;
	v20 =	vmul.u32 v1, v20;
	v21 =	vmul.u32 v1, v21  }
0xe1: {  	v19 =	vmul.u32 v1, v19;
	v33 =	vmin.u32 v22, v30;
	v22 =	vmin.u32 v36, v38  }
0xe2: {  	vm10 =	vlt.s32 v33, $0x1;
	vm12 =	vlt.s32 v22, $0x1;
	v20 =	vadd.s32 $0x1, v20  }
0xe3: {  	v21 =	vadd.s32 $0x1, v21;
	v32 =	vadd.s32 $0x1, v19;
	v37 =	vnsel vm10, $0x1, v33;
	v19 =	vld [tilespmem:$0x42E0]  }
0xe4: {  	v22 =	vnsel vm12, $0x1, v22;
	v20 =	vmul.u32 v20, v21;
	v21 =	vmin.u32 v34, v35  }
0xe5: {  	v24 =	vsub.s32 $0x1, v37;
	v22 =	vsub.s32 $0x1, v22;
	vm11 =	vlt.s32 v21, $0x1  }
0xe6: {  	v39 =	vmul.u32 v1, v24;
	v22 =	vmul.u32 v1, v22;
	v21 =	vnsel vm11, $0x1, v21  }
0xe7: {  	v26 =	vsub.s32 $0x0, v44;
	v20 =	vmul.u32 v32, v20;
	v21 =	vsub.s32 $0x1, v21  }
0xe8: {  	v23 =	vadd.s32 $0x1, v39;
	v22 =	vadd.s32 $0x1, v22;
	v40 =	vperm.xlane v19, v0  }
0xe9: {  	v21 =	vmul.u32 v1, v21;
	v42 =	vperm.xlane v19, v2;
	v47 =	vperm.xlane v19, v5  }
0xea: {  	v20 =	vmul.u32 v23, v20;
	v49 =	vperm.xlane v19, v6;
	v27 =	vperm.xlane v19, v3  }
0xeb: {  	v23 =	vmin.u32 v44, v26;
	v53 =	vperm.xlane v19, v4;
	v63 =	vperm.xlane v19, v7  }
0xec: {  	vm15 =	vlt.s32 v23, $0x1;
	v21 =	vadd.s32 $0x1, v21;
	v43 =	vsub.s32 v40, v19  }
0xed: {  	v25 =	vsub.s32 v42, v19;
	v23 =	vnsel vm15, $0x1, v23;
	v26 =	vsub.s32 v49, v19  }
0xee: {  	v52 =	vsub.s32 v27, v19;
	v55 =	vsub.s32 v53, v19;
	v53 =	vand.u32 $0x7F, v15  }
0xef: {  	v21 =	vmul.u32 v21, v20;
	v45 =	vsub.s32 $0x0, v43;
	v46 =	vsub.s32 $0x0, v25  }
0xf0: {  	v51 =	vsub.s32 $0x0, v26;
	v54 =	vsub.s32 $0x0, v52;
	v23 =	vsub.s32 $0x1, v23  }
0xf1: {  	v20 =	vmin.u32 v43, v45;
	v24 =	vmin.u32 v25, v46;
	v25 =	vsub.s32 v47, v19  }
0xf2: {  	v23 =	vmul.u32 v1, v23;
	vm13 =	vlt.s32 v20, $0x1;
	vm14 =	vlt.s32 v24, $0x1  }
0xf3: {  	v48 =	vsub.s32 $0x0, v25;
	v21 =	vmul.u32 v22, v21;
	v20 =	vnsel vm13, $0x1, v20  }
0xf4: {  	v24 =	vnsel vm14, $0x1, v24;
	v25 =	vmin.u32 v25, v48;
	v23 =	vadd.s32 $0x1, v23  }
0xf5: {  	v20 =	vsub.s32 $0x1, v20;
	v24 =	vsub.s32 $0x1, v24;
	vm4 =	vlt.s32 v25, $0x1  }
0xf6: {  	v20 =	vmul.u32 v1, v20;
	v24 =	vmul.u32 v1, v24;
	v25 =	vnsel vm4, $0x1, v25  }
0xf7: {  	v27 =	vsub.s32 $0x0, v55;
	v21 =	vmul.u32 v23, v21;
	v25 =	vsub.s32 $0x1, v25  }
0xf8: {  	v20 =	vadd.s32 $0x1, v20;
	v24 =	vadd.s32 $0x1, v24;
	v50 =	vmul.u32 v1, v25  }
0xf9: {  	v25 =	vmin.u32 v26, v51;
	v24 =	vmul.u32 v20, v24;
	v20 =	vmin.u32 v52, v54  }
0xfa: {  	v26 =	vmin.u32 v55, v27;
	vm5 =	vlt.s32 v25, $0x1;
	vm6 =	vlt.s32 v20, $0x1  }
0xfb: {  	v51 =	vcvt.s32.f32 v12;
	v25 =	vnsel vm5, $0x1, v25;
	v29 =	vnsel vm6, $0x1, v20;
	v20 =	vld [tilespmem:$0x42F0]  }
0xfc: {  	v55 =	vcvt.s32.f32 v53;
	vm7 =	vlt.s32 v26, $0x1;
	v25 =	vsub.s32 $0x1, v25  }
0xfd: {  	v52 =	vcvt.s32.f32 v16;
	v28 =	vadd.s32 $0x1, v50;
	v25 =	vmul.u32 v1, v25  }
0xfe: {  	v26 =	vnsel vm7, $0x1, v26;
	v24 =	vmul.u32 v28, v24;
	v56 =	vsub.s32 $0x1, v29  }
0xff: {  	v57 =	vsub.s32 $0x1, v26;
	v27 =	vmul.u32 v1, v56;
	v25 =	vadd.s32 $0x1, v25  }
0x100: {  	v56 =	vcvt.s32.f32 v18;
	v24 =	vmul.u32 v25, v24;
	v60 =	vperm.xlane v20, v0  }
0x101: {  	v58 =	vadd.s32 $0x1, v27;
	v61 =	vperm.xlane v20, v2;
	v32 =	vperm.xlane v20, v5  }
0x102: {  	v25 =	vmul.u32 v1, v57;
	v36 =	vperm.xlane v20, v6;
	v37 =	vperm.xlane v20, v3  }
0x103: {  	v43 =	vperm.xlane v20, v4;
	v44 =	vperm.xlane v20, v7;
	v59 =	vmul.u32 v58, v24  }
0x104: {  	v25 =	vadd.s32 $0x1, v25;
	v24 =	vsub.s32 v63, v19;
	v62 =	vsub.s32 v60, v20  }
0x105: {  	v26 =	vsub.s32 v61, v20;
	v33 =	vsub.s32 v32, v20;
	v34 =	vsub.s32 $0x0, v24  }
0x106: {  	v27 =	vsub.s32 v36, v20;
	v40 =	vsub.s32 v37, v20;
	v45 =	vsub.s32 v43, v20  }
0x107: {  	v46 =	vsub.s32 v44, v20;
	v22 =	vmul.u32 v25, v59;
	v30 =	vsub.s32 $0x0, v62  }
0x108: {  	v31 =	vsub.s32 $0x0, v26;
	v35 =	vsub.s32 $0x0, v33;
	v24 =	vmin.u32 v24, v34  }
0x109: {  	v39 =	vsub.s32 $0x0, v27;
	v28 =	vsub.s32 $0x0, v40;
	v47 =	vsub.s32 $0x0, v45  }
0x10a: {  	v48 =	vsub.s32 $0x0, v46;
	v23 =	vmin.u32 v62, v30;
	v25 =	vmin.u32 v26, v31  }
0x10b: {  	v26 =	vmin.u32 v33, v35;
	vm11 =	vlt.s32 v24, $0x1;
	v41 =	vmin.u32 v40, v28  }
0x10c: {  	v49 =	vmin.u32 v45, v47;
	v50 =	vmin.u32 v46, v48;
	vm8 =	vlt.s32 v23, $0x1  }
0x10d: {  	vm9 =	vlt.s32 v25, $0x1;
	vm10 =	vlt.s32 v26, $0x1;
	v24 =	vnsel vm11, $0x1, v24  }
0x10e: {  	vm13 =	vlt.s32 v41, $0x1;
	v23 =	vnsel vm8, $0x1, v23;
	v25 =	vnsel vm9, $0x1, v25  }
0x10f: {  	v26 =	vnsel vm10, $0x1, v26;
	v23 =	vsub.s32 $0x1, v23;
	v25 =	vsub.s32 $0x1, v25  }
0x110: {  	v26 =	vsub.s32 $0x1, v26;
	v23 =	vmul.u32 v1, v23;
	v25 =	vmul.u32 v1, v25  }
0x111: {  	vm14 =	vlt.s32 v49, $0x1;
	v38 =	vmul.u32 v1, v26;
	v26 =	vmin.u32 v27, v39  }
0x112: {  	vm12 =	vlt.s32 v26, $0x1;
	v23 =	vadd.s32 $0x1, v23;
	v25 =	vadd.s32 $0x1, v25  }
0x113: {  	[tilespmem:$0x4300] =	vst v8;
	v24 =	vsub.s32 $0x1, v24;
	v26 =	vnsel vm12, $0x1, v26;
	v23 =	vmul.u32 v23, v25  }
0x114: {  	[tilespmem:$0x4310] =	vst v9;
	v24 =	vmul.u32 v1, v24;
	v25 =	vadd.s32 $0x1, v38;
	v26 =	vsub.s32 $0x1, v26  }
0x115: {  	[tilespmem:$0x4380] =	vst v11;
	v26 =	vmul.u32 v1, v26;
	v23 =	vmul.u32 v25, v23;
	v25 =	vnsel vm13, $0x1, v41  }
0x116: {  	[tilespmem:$0x4320] =	vst v10;
	v9 =	vnsel vm14, $0x1, v49;
	v24 =	vadd.s32 $0x1, v24;
	v42 =	vsub.s32 $0x1, v25  }
0x117: {  	[tilespmem:$0x4390] =	vst v14;
	v22 =	vmul.u32 v24, v22;
	v26 =	vadd.s32 $0x1, v26;
	v24 =	vmul.u32 v1, v42  }
0x118: {  	[tilespmem:$0x43A0] =	vst v13;
	vm15 =	vlt.s32 v50, $0x1;
	v9 =	vsub.s32 $0x1, v9;
	v23 =	vmul.u32 v26, v23  }
0x119: {  	[tilespmem:$0x4330] =	vst v51;
	v54 =	vnsel vm15, $0x1, v50;
	v9 =	vmul.u32 v1, v9;
	v8 =	vadd.s32 $0x1, v24  }
0x11a: {  	[tilespmem:$0x4340] =	vst v55;
	v57 =	vand.u32 $0x7F, v17;
	v10 =	vsub.s32 $0x1, v54;
	v8 =	vmul.u32 v8, v23  }
0x11b: {  	[tilespmem:$0x43B0] =	vst v52;
	v58 =	vcvt.s32.f32 v57;
	v10 =	vmul.u32 v1, v10;
	v9 =	vadd.s32 $0x1, v9  }
0x11c: {  	[tilespmem:$0x43C0] =	vst v56;
	v60 =	vand.u32 $0x7F, v19;
	v59 =	vcvt.s32.f32 v21;
	v8 =	vmul.u32 v9, v8  }
0x11d: {  	[tilespmem:$0x4350] =	vst v58;
	v61 =	vcvt.s32.f32 v60;
	v10 =	vadd.s32 $0x1, v10  }
0x11e: {  	v63 =	vand.u32 $0x7F, v20;
	[tilespmem:$0x43D0] =	vst v59;
	v62 =	vcvt.s32.f32 v22;
	v8 =	vmul.u32 v10, v8  }
0x11f: {  	[tilespmem:$0x4360] =	vst v61;
	v10 =	vcvt.s32.f32 v63  }
0x120: {  	[tilespmem:$0x43E0] =	vst v62;
	v8 =	vcvt.s32.f32 v8  }
0x121: {  	[tilespmem:$0x4370] =	vst v10  }
0x122: {  	[tilespmem:$0x43F0] =	vst v8  }
0x123: {  	[hbm4b:s8+s3] =	stream.linear.scatter [tilespmem:s17], [sflag:$0x2], $0x4000, $0x38;
	[tilespmem:$0x4400] =	vst v63  }
0x124: {  	_ =	swait.ge [sflag:s13], $0x4000  }
0x125: {  	[sflag:s13] =	ssyncset.done $0x0  }
0x126: {  	[sflag:s13] =	ssyncadd.s32 $0xFFFFC000  }
0x127: {  	[hbm4b:s9+s3] =	stream.linear.scatter [tilespmem:s19], [sflag:$0x2], $0x80, $0x38;
	[tilespmem:$0x4400] =	vst v63  }
0x128: {  	_ =	swait.ge [sflag:s13], $0x80  }
0x129: {  	p0 =	sne.s32 s10, $0x1;
	[sflag:s13] =	ssyncset.done $0x0  }
.Ltmp1:
0x12a: {  	[sflag:s13] =	ssyncadd.s32 $0xFFFFFF80;
	(pc) =	sbr.rel @p0 .LBB2_2-.Ltmp1, $4  }
0x12b: {  	[hbm4b:s11+s3] =	stream.linear.scatter [tilespmem:s20], [sflag:$0x2], $0x80, $0x38;
	[tilespmem:$0x4400] =	vst v63  }
0x12c: {  	_ =	swait.ge [sflag:s13], $0x80  }
0x12d: {  	[sflag:s13] =	ssyncset.done $0x0  }
0x12e: {  	s10 =	sadd.s32 $0xFFFFFFFF, s10;
	[sflag:s13] =	ssyncadd.s32 $0xFFFFFF80  }
.LBB2_3:
0x12f: {  	_ =	sfence.sel $0x180000  }
0x130: {  	[bflag:$0x0] =	sbarrier.arrive $0xFFFF  }
0x131: {  	p0 =	sne.s32 s1, $0x0;
	_ =	strace $0x90000047  }
0x132: {  	s0 =	sadd.s32 @!p0 $0x100000, s0;
	[bflag:$0x2] =	sbarrier.arrive $0xFFFF  }
0x133: {  	[sflag:s0] =	ssyncadd.tile.s32 @!p0 $0x1;
	_ =	shalt  }
.Lfunc_end2:
_tile_overlayer_lowered:
.L_overlay_start_2:
0x134: {  	(tag) =	ssettag $0x2  }
0x135: {  	s0 =	rddreg [dreg:$0x0];
	s2 =	stileid.u32  }
0x136: {  	s1 =	rddreg [dreg:$0x1];
	p0 =	sne.s32 s2, $0x0  }
0x137: {  	s3 =	rddreg [dreg:$0x2];
	[bflag:$0x3] =	sbarrier.arrive $0xFFFF;
	s2 =	simm.s32 @!p0 $0x1C02  }
0x138: {  	[timem:s3], [sflag:s2] =	dma.local @!p0 [hbm:s0], s1  }
0x139: {  	s0 =	simm.s32 @!p0 $0x2  }
0x13a: {  	_ =	swait.ge @!p0 [sflag:s0], s1  }
0x13b: {  	s1 =	ssub.s32 @!p0 $0x0, s1;
	[sflag:s0] =	ssyncset.done @!p0 $0x0  }
0x13c: {  	[sflag:s0] =	ssyncadd.s32 @!p0 s1  }
0x13d: {  	[bflag:$0x3] =	sbarrier.arrive $0xFFFF  }
0x13e: {  	_ =	shalt  }

</sc_bundles>
